<compile_context>
chip_gen: v7x
topology: tpu7x:2x2x1
jax: 0.10.2.dev20260603
libtpu: 0.0.44.dev20260713+nightly
codegen_flags: <defaults>
</compile_context>

<pallas_src>
import functools

import jax
import jax.numpy as jnp
from jax import lax
from jax.experimental import pallas as pl
from jax.experimental.pallas import tpu as pltpu
from jax.experimental.pallas import tpu_sc as plsc

N = 10000
E = 320000
D = 128

NC = 2
NS = 16
NW = NC * NS

CHUNK = 72
NBUF = 2
C0 = 146
C1 = 132
EC0 = NS * C0 * CHUNK
EC1 = NS * C1 * CHUNK
E_PAD = EC0 + EC1
ROWS_PER_TILE = N // NS
N_ACC = N + 16

E_PER_TILE_DEG = E // NW


def _sc_mesh():
  return plsc.VectorSubcoreMesh(core_axis_name="c", subcore_axis_name="s")


def _deg_kernel_body(dst_hbm, out_hbm, dst_v, deg_v):
  cid = lax.axis_index("c")
  sid = lax.axis_index("s")
  wid = cid * NS + sid
  pltpu.sync_copy(dst_hbm.at[wid], dst_v)

  zeros = jnp.zeros((16,), jnp.float32)

  def zbody(i, _):
    deg_v[pl.ds(i * 16, 16)] = zeros
    return ()

  lax.fori_loop(0, N // 16, zbody, ())

  ones = jnp.ones((16,), jnp.float32)

  def body(i, _):
    idx = dst_v[pl.ds(i * 16, 16)]
    plsc.addupdate_scatter(deg_v, [idx], ones)
    return ()

  lax.fori_loop(0, E_PER_TILE_DEG // 16, body, ())
  for g in range(GRID):
    pltpu.sync_copy(deg_v.at[pl.ds(g * BN, BN)], out_hbm.at[g, wid])


def _make_deg_kernel():
  return pl.kernel(
      _deg_kernel_body,
      out_type=jax.ShapeDtypeStruct((GRID, NW, BN), jnp.float32),
      mesh=_sc_mesh(),
      scratch_types=[
          pltpu.VMEM((E_PER_TILE_DEG,), jnp.int32),
          pltpu.VMEM((N,), jnp.float32),
      ],
      compiler_params=pltpu.CompilerParams(
          needs_layout_passes=False, use_tc_tiling_on_sc=False),
  )


def _agg_kernel_body(h_hbm, src_hbm, dst_hbm, out_hbm,
                     src_v, dst_v, rows_v, acc_sh, *sems):
  gsems = sems[:NBUF]
  ssems = sems[NBUF:]
  cid = lax.axis_index("c")
  sid = lax.axis_index("s")
  wid = cid * NS + sid
  r0 = sid * ROWS_PER_TILE
  nC = jnp.where(cid == 0, C0, C1)
  pltpu.sync_copy(h_hbm.at[pl.ds(r0, ROWS_PER_TILE)],
                  acc_sh.at[pl.ds(r0, ROWS_PER_TILE)])
  pltpu.sync_copy(src_hbm.at[wid, pl.ds(0, C1)], src_v.at[pl.ds(0, C1)])
  pltpu.sync_copy(dst_hbm.at[wid, pl.ds(0, C1)], dst_v.at[pl.ds(0, C1)])

  if C0 > C1:
    @pl.when(cid == 0)
    def _():
      pltpu.sync_copy(src_hbm.at[wid, pl.ds(C1, C0 - C1)],
                      src_v.at[pl.ds(C1, C0 - C1)])
      pltpu.sync_copy(dst_hbm.at[wid, pl.ds(C1, C0 - C1)],
                      dst_v.at[pl.ds(C1, C0 - C1)])

  plsc.subcore_barrier()

  def g_start(c, b):
    pltpu.async_copy(h_hbm.at[src_v.at[c]], rows_v.at[b], gsems[b])

  def g_wait(c, b):
    pltpu.make_async_copy(h_hbm.at[src_v.at[c]], rows_v.at[b],
                          gsems[b]).wait()

  def s_start(c, b):
    pltpu.async_copy(rows_v.at[b], acc_sh.at[dst_v.at[c]], ssems[b],
                     add=True)

  def s_wait(c, b):
    pltpu.make_async_copy(rows_v.at[b], acc_sh.at[dst_v.at[c]],
                          ssems[b]).wait()

  g_start(0, 0)

  def group(g, _):
    for b in range(NBUF):
      c = g * NBUF + b
      g_wait(c, b)
      nb = (b + 1) % NBUF
      nc = c + 1

      @pl.when(nc < nC)
      def _():
        @pl.when(c >= 1)
        def _():
          s_wait(c - 1, nb)
        g_start(nc, nb)

      s_start(c, b)
    return ()

  lax.fori_loop(0, jnp.where(cid == 0, C0 // NBUF, C1 // NBUF), group, ())
  s_wait(nC - NBUF, 0)
  s_wait(nC - 1, 1)
  plsc.subcore_barrier()
  pltpu.sync_copy(acc_sh.at[pl.ds(r0, ROWS_PER_TILE)],
                  out_hbm.at[cid, pl.ds(r0, ROWS_PER_TILE)])


def _make_agg_kernel():
  return pl.kernel(
      _agg_kernel_body,
      out_type=jax.ShapeDtypeStruct((NC, N, D), jnp.float32),
      mesh=_sc_mesh(),
      scratch_types=(
          [pltpu.VMEM((C0, CHUNK), jnp.int32),
           pltpu.VMEM((C0, CHUNK), jnp.int32),
           pltpu.VMEM((NBUF, CHUNK, D), jnp.float32),
           pltpu.VMEM_SHARED((N_ACC, D), jnp.float32)]
          + [pltpu.SemaphoreType.DMA] * (2 * NBUF)),
      compiler_params=pltpu.CompilerParams(use_tc_tiling_on_sc=False),
  )


BN = 1000
GRID = N // BN


def _tc1_body(deg_ref, x_ref, w_ref, h_ref, dis_ref):
  deg = jnp.sum(deg_ref[0], axis=0) + 1.0
  dis = lax.rsqrt(deg)
  h = jnp.dot(x_ref[...], w_ref[...], preferred_element_type=jnp.float32)
  h_ref[...] = h * dis[:, None]
  dis_ref[...] = dis[:, None]


def _tc1(deg_parts, x, w1):
  return pl.pallas_call(
      _tc1_body,
      grid=(GRID,),
      in_specs=[
          pl.BlockSpec((1, NW, BN), lambda i: (i, 0, 0)),
          pl.BlockSpec((BN, D), lambda i: (i, 0)),
          pl.BlockSpec((D, D), lambda i: (0, 0)),
      ],
      out_specs=[
          pl.BlockSpec((BN, D), lambda i: (i, 0)),
          pl.BlockSpec((BN, 1), lambda i: (i, 0)),
      ],
      out_shape=[
          jax.ShapeDtypeStruct((N, D), jnp.float32),
          jax.ShapeDtypeStruct((N, 1), jnp.float32),
      ],
  )(deg_parts, x, w1)


def _tc2_body(a_ref, h1_ref, dis_ref, w_ref, b_ref, out_ref):
  dis = dis_ref[...]
  agg = a_ref[0] + a_ref[1] - h1_ref[...]
  o1 = jnp.maximum(agg * dis + b_ref[...], 0.0)
  out_ref[...] = jnp.dot(o1, w_ref[...],
                         preferred_element_type=jnp.float32) * dis


def _tc2(agg_parts, h1p, dis, w2, b1):
  return pl.pallas_call(
      _tc2_body,
      grid=(GRID,),
      in_specs=[
          pl.BlockSpec((NC, BN, D), lambda i: (0, i, 0)),
          pl.BlockSpec((BN, D), lambda i: (i, 0)),
          pl.BlockSpec((BN, 1), lambda i: (i, 0)),
          pl.BlockSpec((D, D), lambda i: (0, 0)),
          pl.BlockSpec((1, D), lambda i: (0, 0)),
      ],
      out_specs=pl.BlockSpec((BN, D), lambda i: (i, 0)),
      out_shape=jax.ShapeDtypeStruct((N, D), jnp.float32),
  )(agg_parts, h1p, dis, w2, b1)


def _tc3_body(b_ref, h2_ref, dis_ref, bias_ref, out_ref):
  agg = b_ref[0] + b_ref[1] - h2_ref[...]
  out_ref[...] = agg * dis_ref[...] + bias_ref[...]


def _tc3(agg_parts, h2p, dis, b2):
  return pl.pallas_call(
      _tc3_body,
      grid=(GRID,),
      in_specs=[
          pl.BlockSpec((NC, BN, D), lambda i: (0, i, 0)),
          pl.BlockSpec((BN, D), lambda i: (i, 0)),
          pl.BlockSpec((BN, 1), lambda i: (i, 0)),
          pl.BlockSpec((1, D), lambda i: (0, 0)),
      ],
      out_specs=pl.BlockSpec((BN, D), lambda i: (i, 0)),
      out_shape=jax.ShapeDtypeStruct((N, D), jnp.float32),
  )(agg_parts, h2p, dis, b2)


@jax.jit
def kernel(x, edge_index, W1, b1, W2, b2):
  src = edge_index[0]
  dst = edge_index[1]
  pad = E_PAD - E
  src_p = jnp.concatenate([src, jnp.zeros((pad,), jnp.int32)])
  dst_p = jnp.concatenate([dst, jnp.full((pad,), N, jnp.int32)])

  def _split(a, fill):
    a0 = a[:EC0].reshape(NS, C0, CHUNK)
    a1 = jnp.pad(a[EC0:].reshape(NS, C1, CHUNK),
                 ((0, 0), (0, C0 - C1), (0, 0)), constant_values=fill)
    return jnp.concatenate([a0, a1], axis=0)

  src_p = _split(src_p, 0)
  dst_p = _split(dst_p, N)
  dst_deg = dst.reshape(NW, E_PER_TILE_DEG)

  deg_parts = _make_deg_kernel()(dst_deg)
  h1p, dis = _tc1(deg_parts, x, W1)
  agg1 = _make_agg_kernel()(h1p, src_p, dst_p)
  h2p = _tc2(agg1, h1p, dis, W2, b1.reshape(1, D))
  agg2 = _make_agg_kernel()(h2p, src_p, dst_p)
  return _tc3(agg2, h2p, dis, b2.reshape(1, D))

# --- scband reference (transcript-rebuilt; emitter-appended) ---
"""Pipeline reference for scband-gcn-59562606461344 (READ-ONLY COPY).

The authoritative reference and input builder live on the scoring server;
editing this copy changes nothing except your own understanding.
"""

import jax, jax.numpy as jnp
import numpy as np

N = 10000
E = 320000
D_IN = 128
D_H = 128
D_OUT = 128


def setup_inputs(seed: int = 0) -> dict:
    key = jax.random.key(seed)
    k1, k2, k3, k4 = jax.random.split(key, 4)
    x = jax.random.normal(k1, (N, D_IN), dtype=jnp.float32)
    edge_index = jax.random.randint(k2, (2, E), 0, N, dtype=jnp.int32)
    # Glorot-style init for GCNConv weights, zero bias (PyG default)
    W1 = jax.random.normal(k3, (D_IN, D_H), dtype=jnp.float32) * (1.0 / np.sqrt(D_IN))
    b1 = jnp.zeros((D_H,), dtype=jnp.float32)
    W2 = jax.random.normal(k4, (D_H, D_OUT), dtype=jnp.float32) * (1.0 / np.sqrt(D_H))
    b2 = jnp.zeros((D_OUT,), dtype=jnp.float32)
    return {"x": x, "edge_index": edge_index, "W1": W1, "b1": b1, "W2": W2, "b2": b2}


def _gcn_conv(x, src, dst, W, b, n):
    # x @ W, then symmetric-normalized scatter-add aggregation (PyG GCNConv)
    h = x @ W
    deg = jnp.zeros((n,), dtype=x.dtype).at[dst].add(1.0)
    deg_inv_sqrt = jnp.where(deg > 0, 1.0 / jnp.sqrt(deg), 0.0)
    norm = deg_inv_sqrt[src] * deg_inv_sqrt[dst]
    msg = h[src] * norm[:, None]
    out = jnp.zeros((n, h.shape[1]), dtype=h.dtype).at[dst].add(msg)
    return out + b


def reference(x, edge_index, W1, b1, W2, b2):
    n = x.shape[0]
    loops = jnp.arange(n, dtype=edge_index.dtype)
    src = jnp.concatenate([edge_index[0], loops])
    dst = jnp.concatenate([edge_index[1], loops])
    h = jax.nn.relu(_gcn_conv(x, src, dst, W1, b1, n))
    # dropout is identity in eval mode
    out = _gcn_conv(h, src, dst, W2, b2, n)
    return out

if __name__ == "__main__":
    import jax
    _d = setup_inputs()
    print(jax.jit(kernel)(*tuple(_d.values())))

</pallas_src>

<mosaic_0001>
#map = affine_map<(d0, d1) -> (0, 0)>
#map1 = affine_map<(d0, d1) -> (0, 0, 0)>
module attributes {stable_mosaic.version = 14 : i64} {
  func.func @_agg_kernel_body(%arg0: i32, %arg1: i32, %arg2: memref<10000x128xf32, #tpu.memory_space<hbm>>, %arg3: memref<32x146x72xi32, #tpu.memory_space<hbm>>, %arg4: memref<32x146x72xi32, #tpu.memory_space<hbm>>, %arg5: memref<2x10000x128xf32, #tpu.memory_space<hbm>>, %arg6: memref<146x72xi32, #tpu.memory_space<vmem>>, %arg7: memref<146x72xi32, #tpu.memory_space<vmem>>, %arg8: memref<2x72x128xf32, #tpu.memory_space<vmem>>, %arg9: memref<10016x128xf32, #tpu.memory_space<vmem_shared>>, %arg10: memref<!tpu.dma_semaphore, #tpu.memory_space<semaphore_mem>>, %arg11: memref<!tpu.dma_semaphore, #tpu.memory_space<semaphore_mem>>, %arg12: memref<!tpu.dma_semaphore, #tpu.memory_space<semaphore_mem>>, %arg13: memref<!tpu.dma_semaphore, #tpu.memory_space<semaphore_mem>>) attributes {dimension_semantics = [#tpu.dimension_semantics<core_parallel>, #tpu.dimension_semantics<subcore_parallel>], iteration_bounds = array<i64: 2, 16>, scalar_prefetch = 0 : i64, scratch_operands = 8 : i64, tpu.core_type = #tpu.core_type<sc_vector_subcore>, window_params = [{transform_indices = #map}, {transform_indices = #map1}, {transform_indices = #map1}, {transform_indices = #map1}]} {
    %mul3A = arith.constant 16 : i32
    %mul3A_0 = arith.muli %arg0, %mul3A : i32
    %add3A = arith.addi %mul3A_0, %arg1 : i32
    %mul3A_1 = arith.constant 625 : i32
    %mul3A_2 = arith.muli %arg1, %mul3A_1 : i32
    %eq3A = arith.constant 0 : i32
    %eq3A_3 = arith.cmpi eq, %arg0, %eq3A : i32
    %jit3A = arith.constant 146 : i32
    %jit3A_4 = arith.constant 132 : i32
    %select_n3A = arith.select %eq3A_3, %jit3A, %jit3A_4 : i32
    "tpu.region"() ({
      %run_scoped3A = tpu.sem_alloc : memref<!tpu.dma_semaphore, #tpu.memory_space<semaphore_mem>>
      %dma_start3A_57 = arith.constant 0 : i32
      %dma_start3A_58 = tpu.memref_slice %arg9[%mul3A_2, %dma_start3A_57] : memref<10016x128xf32, #tpu.memory_space<vmem_shared>> -> memref<625x128xf32, #tpu.memory_space<vmem_shared>>
      %dma_start3A_59 = arith.constant 0 : i32
      %dma_start3A_60 = tpu.memref_slice %arg2[%mul3A_2, %dma_start3A_59] : memref<10000x128xf32, #tpu.memory_space<hbm>> -> memref<625x128xf32, #tpu.memory_space<hbm>>
      tpu.enqueue_dma source(%dma_start3A_60 : memref<625x128xf32, #tpu.memory_space<hbm>>) target(%dma_start3A_58 : memref<625x128xf32, #tpu.memory_space<vmem_shared>>) target_semaphore(%run_scoped3A : memref<!tpu.dma_semaphore, #tpu.memory_space<semaphore_mem>>)
      %dma_wait3A_61 = arith.constant 0 : i32
      %dma_wait3A_62 = tpu.memref_slice %arg9[%mul3A_2, %dma_wait3A_61] : memref<10016x128xf32, #tpu.memory_space<vmem_shared>> -> memref<625x128xf32, #tpu.memory_space<vmem_shared>>
      %dma_wait3A_63 = arith.constant 0 : i32
      %dma_wait3A_64 = tpu.memref_slice %arg2[%mul3A_2, %dma_wait3A_63] : memref<10000x128xf32, #tpu.memory_space<hbm>> -> memref<625x128xf32, #tpu.memory_space<hbm>>
      tpu.wait_dma2 semaphore(%run_scoped3A : memref<!tpu.dma_semaphore, #tpu.memory_space<semaphore_mem>>) src(%dma_wait3A_64 : memref<625x128xf32, #tpu.memory_space<hbm>>) dst(%dma_wait3A_62 : memref<625x128xf32, #tpu.memory_space<vmem_shared>>)
      tpu.yield
    }) : () -> ()
    "tpu.region"() ({
      %run_scoped3A = tpu.sem_alloc : memref<!tpu.dma_semaphore, #tpu.memory_space<semaphore_mem>>
      %dma_start3A_57 = arith.constant 0 : i32
      %dma_start3A_58 = arith.constant 0 : i32
      %dma_start3A_59 = tpu.memref_slice %arg6[%dma_start3A_57, %dma_start3A_58] : memref<146x72xi32, #tpu.memory_space<vmem>> -> memref<132x72xi32, #tpu.memory_space<vmem>>
      %dma_start3A_60 = arith.constant 0 : i32
      %dma_start3A_61 = arith.constant 0 : i32
      %dma_start3A_62 = tpu.memref_slice %arg3[%add3A, %dma_start3A_60, %dma_start3A_61] : memref<32x146x72xi32, #tpu.memory_space<hbm>> -> memref<1x132x72xi32, #tpu.memory_space<hbm>>
      %dma_start3A_63 = tpu.memref_squeeze %dma_start3A_62 : memref<1x132x72xi32, #tpu.memory_space<hbm>> -> memref<132x72xi32, #tpu.memory_space<hbm>>
      %dma_start3A_64 = arith.constant 0 : i32
      %dma_start3A_65 = arith.constant 0 : i32
      %dma_start3A_66 = tpu.memref_slice %arg6[%dma_start3A_64, %dma_start3A_65] : memref<146x72xi32, #tpu.memory_space<vmem>> -> memref<132x72xi32, #tpu.memory_space<vmem>>
      %dma_start3A_67 = arith.constant 0 : i32
      %dma_start3A_68 = arith.constant 0 : i32
      %dma_start3A_69 = tpu.memref_slice %arg3[%add3A, %dma_start3A_67, %dma_start3A_68] : memref<32x146x72xi32, #tpu.memory_space<hbm>> -> memref<1x132x72xi32, #tpu.memory_space<hbm>>
      %dma_start3A_70 = tpu.memref_squeeze %dma_start3A_69 : memref<1x132x72xi32, #tpu.memory_space<hbm>> -> memref<132x72xi32, #tpu.memory_space<hbm>>
      tpu.enqueue_dma source(%dma_start3A_70 : memref<132x72xi32, #tpu.memory_space<hbm>>) target(%dma_start3A_66 : memref<132x72xi32, #tpu.memory_space<vmem>>) target_semaphore(%run_scoped3A : memref<!tpu.dma_semaphore, #tpu.memory_space<semaphore_mem>>)
      %dma_wait3A_71 = arith.constant 0 : i32
      %dma_wait3A_72 = arith.constant 0 : i32
      %dma_wait3A_73 = tpu.memref_slice %arg6[%dma_wait3A_71, %dma_wait3A_72] : memref<146x72xi32, #tpu.memory_space<vmem>> -> memref<132x72xi32, #tpu.memory_space<vmem>>
      %dma_wait3A_74 = arith.constant 0 : i32
      %dma_wait3A_75 = arith.constant 0 : i32
      %dma_wait3A_76 = tpu.memref_slice %arg3[%add3A, %dma_wait3A_74, %dma_wait3A_75] : memref<32x146x72xi32, #tpu.memory_space<hbm>> -> memref<1x132x72xi32, #tpu.memory_space<hbm>>
      %dma_wait3A_77 = tpu.memref_squeeze %dma_wait3A_76 : memref<1x132x72xi32, #tpu.memory_space<hbm>> -> memref<132x72xi32, #tpu.memory_space<hbm>>
      %dma_wait3A_78 = arith.constant 0 : i32
      %dma_wait3A_79 = arith.constant 0 : i32
      %dma_wait3A_80 = tpu.memref_slice %arg6[%dma_wait3A_78, %dma_wait3A_79] : memref<146x72xi32, #tpu.memory_space<vmem>> -> memref<132x72xi32, #tpu.memory_space<vmem>>
      %dma_wait3A_81 = arith.constant 0 : i32
      %dma_wait3A_82 = arith.constant 0 : i32
      %dma_wait3A_83 = tpu.memref_slice %arg3[%add3A, %dma_wait3A_81, %dma_wait3A_82] : memref<32x146x72xi32, #tpu.memory_space<hbm>> -> memref<1x132x72xi32, #tpu.memory_space<hbm>>
      %dma_wait3A_84 = tpu.memref_squeeze %dma_wait3A_83 : memref<1x132x72xi32, #tpu.memory_space<hbm>> -> memref<132x72xi32, #tpu.memory_space<hbm>>
      tpu.wait_dma2 semaphore(%run_scoped3A : memref<!tpu.dma_semaphore, #tpu.memory_space<semaphore_mem>>) src(%dma_wait3A_84 : memref<132x72xi32, #tpu.memory_space<hbm>>) dst(%dma_wait3A_80 : memref<132x72xi32, #tpu.memory_space<vmem>>)
      tpu.yield
    }) : () -> ()
    "tpu.region"() ({
      %run_scoped3A = tpu.sem_alloc : memref<!tpu.dma_semaphore, #tpu.memory_space<semaphore_mem>>
      %dma_start3A_57 = arith.constant 0 : i32
      %dma_start3A_58 = arith.constant 0 : i32
      %dma_start3A_59 = tpu.memref_slice %arg7[%dma_start3A_57, %dma_start3A_58] : memref<146x72xi32, #tpu.memory_space<vmem>> -> memref<132x72xi32, #tpu.memory_space<vmem>>
      %dma_start3A_60 = arith.constant 0 : i32
      %dma_start3A_61 = arith.constant 0 : i32
      %dma_start3A_62 = tpu.memref_slice %arg4[%add3A, %dma_start3A_60, %dma_start3A_61] : memref<32x146x72xi32, #tpu.memory_space<hbm>> -> memref<1x132x72xi32, #tpu.memory_space<hbm>>
      %dma_start3A_63 = tpu.memref_squeeze %dma_start3A_62 : memref<1x132x72xi32, #tpu.memory_space<hbm>> -> memref<132x72xi32, #tpu.memory_space<hbm>>
      %dma_start3A_64 = arith.constant 0 : i32
      %dma_start3A_65 = arith.constant 0 : i32
      %dma_start3A_66 = tpu.memref_slice %arg7[%dma_start3A_64, %dma_start3A_65] : memref<146x72xi32, #tpu.memory_space<vmem>> -> memref<132x72xi32, #tpu.memory_space<vmem>>
      %dma_start3A_67 = arith.constant 0 : i32
      %dma_start3A_68 = arith.constant 0 : i32
      %dma_start3A_69 = tpu.memref_slice %arg4[%add3A, %dma_start3A_67, %dma_start3A_68] : memref<32x146x72xi32, #tpu.memory_space<hbm>> -> memref<1x132x72xi32, #tpu.memory_space<hbm>>
      %dma_start3A_70 = tpu.memref_squeeze %dma_start3A_69 : memref<1x132x72xi32, #tpu.memory_space<hbm>> -> memref<132x72xi32, #tpu.memory_space<hbm>>
      tpu.enqueue_dma source(%dma_start3A_70 : memref<132x72xi32, #tpu.memory_space<hbm>>) target(%dma_start3A_66 : memref<132x72xi32, #tpu.memory_space<vmem>>) target_semaphore(%run_scoped3A : memref<!tpu.dma_semaphore, #tpu.memory_space<semaphore_mem>>)
      %dma_wait3A_71 = arith.constant 0 : i32
      %dma_wait3A_72 = arith.constant 0 : i32
      %dma_wait3A_73 = tpu.memref_slice %arg7[%dma_wait3A_71, %dma_wait3A_72] : memref<146x72xi32, #tpu.memory_space<vmem>> -> memref<132x72xi32, #tpu.memory_space<vmem>>
      %dma_wait3A_74 = arith.constant 0 : i32
      %dma_wait3A_75 = arith.constant 0 : i32
      %dma_wait3A_76 = tpu.memref_slice %arg4[%add3A, %dma_wait3A_74, %dma_wait3A_75] : memref<32x146x72xi32, #tpu.memory_space<hbm>> -> memref<1x132x72xi32, #tpu.memory_space<hbm>>
      %dma_wait3A_77 = tpu.memref_squeeze %dma_wait3A_76 : memref<1x132x72xi32, #tpu.memory_space<hbm>> -> memref<132x72xi32, #tpu.memory_space<hbm>>
      %dma_wait3A_78 = arith.constant 0 : i32
      %dma_wait3A_79 = arith.constant 0 : i32
      %dma_wait3A_80 = tpu.memref_slice %arg7[%dma_wait3A_78, %dma_wait3A_79] : memref<146x72xi32, #tpu.memory_space<vmem>> -> memref<132x72xi32, #tpu.memory_space<vmem>>
      %dma_wait3A_81 = arith.constant 0 : i32
      %dma_wait3A_82 = arith.constant 0 : i32
      %dma_wait3A_83 = tpu.memref_slice %arg4[%add3A, %dma_wait3A_81, %dma_wait3A_82] : memref<32x146x72xi32, #tpu.memory_space<hbm>> -> memref<1x132x72xi32, #tpu.memory_space<hbm>>
      %dma_wait3A_84 = tpu.memref_squeeze %dma_wait3A_83 : memref<1x132x72xi32, #tpu.memory_space<hbm>> -> memref<132x72xi32, #tpu.memory_space<hbm>>
      tpu.wait_dma2 semaphore(%run_scoped3A : memref<!tpu.dma_semaphore, #tpu.memory_space<semaphore_mem>>) src(%dma_wait3A_84 : memref<132x72xi32, #tpu.memory_space<hbm>>) dst(%dma_wait3A_80 : memref<132x72xi32, #tpu.memory_space<vmem>>)
      tpu.yield
    }) : () -> ()
    %eq3A_5 = arith.constant 0 : i32
    %eq3A_6 = arith.cmpi eq, %arg0, %eq3A_5 : i32
    %convert_element_type3A = arith.extui %eq3A_6 : i1 to i32
    %cond3A = arith.constant 0 : i32
    %cond3A_7 = arith.cmpi ne, %convert_element_type3A, %cond3A : i32
    scf.if %cond3A_7 {
      "tpu.region"() ({
        %run_scoped3A = tpu.sem_alloc : memref<!tpu.dma_semaphore, #tpu.memory_space<semaphore_mem>>
        %dma_start3A_57 = arith.constant 132 : i32
        %dma_start3A_58 = arith.constant 0 : i32
        %dma_start3A_59 = tpu.memref_slice %arg6[%dma_start3A_57, %dma_start3A_58] : memref<146x72xi32, #tpu.memory_space<vmem>> -> memref<14x72xi32, #tpu.memory_space<vmem>>
        %dma_start3A_60 = arith.constant 132 : i32
        %dma_start3A_61 = arith.constant 0 : i32
        %dma_start3A_62 = tpu.memref_slice %arg3[%add3A, %dma_start3A_60, %dma_start3A_61] : memref<32x146x72xi32, #tpu.memory_space<hbm>> -> memref<1x14x72xi32, #tpu.memory_space<hbm>>
        %dma_start3A_63 = tpu.memref_squeeze %dma_start3A_62 : memref<1x14x72xi32, #tpu.memory_space<hbm>> -> memref<14x72xi32, #tpu.memory_space<hbm>>
        %dma_start3A_64 = arith.constant 132 : i32
        %dma_start3A_65 = arith.constant 0 : i32
        %dma_start3A_66 = tpu.memref_slice %arg6[%dma_start3A_64, %dma_start3A_65] : memref<146x72xi32, #tpu.memory_space<vmem>> -> memref<14x72xi32, #tpu.memory_space<vmem>>
        %dma_start3A_67 = arith.constant 132 : i32
        %dma_start3A_68 = arith.constant 0 : i32
        %dma_start3A_69 = tpu.memref_slice %arg3[%add3A, %dma_start3A_67, %dma_start3A_68] : memref<32x146x72xi32, #tpu.memory_space<hbm>> -> memref<1x14x72xi32, #tpu.memory_space<hbm>>
        %dma_start3A_70 = tpu.memref_squeeze %dma_start3A_69 : memref<1x14x72xi32, #tpu.memory_space<hbm>> -> memref<14x72xi32, #tpu.memory_space<hbm>>
        tpu.enqueue_dma source(%dma_start3A_70 : memref<14x72xi32, #tpu.memory_space<hbm>>) target(%dma_start3A_66 : memref<14x72xi32, #tpu.memory_space<vmem>>) target_semaphore(%run_scoped3A : memref<!tpu.dma_semaphore, #tpu.memory_space<semaphore_mem>>)
        %dma_wait3A_71 = arith.constant 132 : i32
        %dma_wait3A_72 = arith.constant 0 : i32
        %dma_wait3A_73 = tpu.memref_slice %arg6[%dma_wait3A_71, %dma_wait3A_72] : memref<146x72xi32, #tpu.memory_space<vmem>> -> memref<14x72xi32, #tpu.memory_space<vmem>>
        %dma_wait3A_74 = arith.constant 132 : i32
        %dma_wait3A_75 = arith.constant 0 : i32
        %dma_wait3A_76 = tpu.memref_slice %arg3[%add3A, %dma_wait3A_74, %dma_wait3A_75] : memref<32x146x72xi32, #tpu.memory_space<hbm>> -> memref<1x14x72xi32, #tpu.memory_space<hbm>>
        %dma_wait3A_77 = tpu.memref_squeeze %dma_wait3A_76 : memref<1x14x72xi32, #tpu.memory_space<hbm>> -> memref<14x72xi32, #tpu.memory_space<hbm>>
        %dma_wait3A_78 = arith.constant 132 : i32
        %dma_wait3A_79 = arith.constant 0 : i32
        %dma_wait3A_80 = tpu.memref_slice %arg6[%dma_wait3A_78, %dma_wait3A_79] : memref<146x72xi32, #tpu.memory_space<vmem>> -> memref<14x72xi32, #tpu.memory_space<vmem>>
        %dma_wait3A_81 = arith.constant 132 : i32
        %dma_wait3A_82 = arith.constant 0 : i32
        %dma_wait3A_83 = tpu.memref_slice %arg3[%add3A, %dma_wait3A_81, %dma_wait3A_82] : memref<32x146x72xi32, #tpu.memory_space<hbm>> -> memref<1x14x72xi32, #tpu.memory_space<hbm>>
        %dma_wait3A_84 = tpu.memref_squeeze %dma_wait3A_83 : memref<1x14x72xi32, #tpu.memory_space<hbm>> -> memref<14x72xi32, #tpu.memory_space<hbm>>
        tpu.wait_dma2 semaphore(%run_scoped3A : memref<!tpu.dma_semaphore, #tpu.memory_space<semaphore_mem>>) src(%dma_wait3A_84 : memref<14x72xi32, #tpu.memory_space<hbm>>) dst(%dma_wait3A_80 : memref<14x72xi32, #tpu.memory_space<vmem>>)
        tpu.yield
      }) : () -> ()
      "tpu.region"() ({
        %run_scoped3A = tpu.sem_alloc : memref<!tpu.dma_semaphore, #tpu.memory_space<semaphore_mem>>
        %dma_start3A_57 = arith.constant 132 : i32
        %dma_start3A_58 = arith.constant 0 : i32
        %dma_start3A_59 = tpu.memref_slice %arg7[%dma_start3A_57, %dma_start3A_58] : memref<146x72xi32, #tpu.memory_space<vmem>> -> memref<14x72xi32, #tpu.memory_space<vmem>>
        %dma_start3A_60 = arith.constant 132 : i32
        %dma_start3A_61 = arith.constant 0 : i32
        %dma_start3A_62 = tpu.memref_slice %arg4[%add3A, %dma_start3A_60, %dma_start3A_61] : memref<32x146x72xi32, #tpu.memory_space<hbm>> -> memref<1x14x72xi32, #tpu.memory_space<hbm>>
        %dma_start3A_63 = tpu.memref_squeeze %dma_start3A_62 : memref<1x14x72xi32, #tpu.memory_space<hbm>> -> memref<14x72xi32, #tpu.memory_space<hbm>>
        %dma_start3A_64 = arith.constant 132 : i32
        %dma_start3A_65 = arith.constant 0 : i32
        %dma_start3A_66 = tpu.memref_slice %arg7[%dma_start3A_64, %dma_start3A_65] : memref<146x72xi32, #tpu.memory_space<vmem>> -> memref<14x72xi32, #tpu.memory_space<vmem>>
        %dma_start3A_67 = arith.constant 132 : i32
        %dma_start3A_68 = arith.constant 0 : i32
        %dma_start3A_69 = tpu.memref_slice %arg4[%add3A, %dma_start3A_67, %dma_start3A_68] : memref<32x146x72xi32, #tpu.memory_space<hbm>> -> memref<1x14x72xi32, #tpu.memory_space<hbm>>
        %dma_start3A_70 = tpu.memref_squeeze %dma_start3A_69 : memref<1x14x72xi32, #tpu.memory_space<hbm>> -> memref<14x72xi32, #tpu.memory_space<hbm>>
        tpu.enqueue_dma source(%dma_start3A_70 : memref<14x72xi32, #tpu.memory_space<hbm>>) target(%dma_start3A_66 : memref<14x72xi32, #tpu.memory_space<vmem>>) target_semaphore(%run_scoped3A : memref<!tpu.dma_semaphore, #tpu.memory_space<semaphore_mem>>)
        %dma_wait3A_71 = arith.constant 132 : i32
        %dma_wait3A_72 = arith.constant 0 : i32
        %dma_wait3A_73 = tpu.memref_slice %arg7[%dma_wait3A_71, %dma_wait3A_72] : memref<146x72xi32, #tpu.memory_space<vmem>> -> memref<14x72xi32, #tpu.memory_space<vmem>>
        %dma_wait3A_74 = arith.constant 132 : i32
        %dma_wait3A_75 = arith.constant 0 : i32
        %dma_wait3A_76 = tpu.memref_slice %arg4[%add3A, %dma_wait3A_74, %dma_wait3A_75] : memref<32x146x72xi32, #tpu.memory_space<hbm>> -> memref<1x14x72xi32, #tpu.memory_space<hbm>>
        %dma_wait3A_77 = tpu.memref_squeeze %dma_wait3A_76 : memref<1x14x72xi32, #tpu.memory_space<hbm>> -> memref<14x72xi32, #tpu.memory_space<hbm>>
        %dma_wait3A_78 = arith.constant 132 : i32
        %dma_wait3A_79 = arith.constant 0 : i32
        %dma_wait3A_80 = tpu.memref_slice %arg7[%dma_wait3A_78, %dma_wait3A_79] : memref<146x72xi32, #tpu.memory_space<vmem>> -> memref<14x72xi32, #tpu.memory_space<vmem>>
        %dma_wait3A_81 = arith.constant 132 : i32
        %dma_wait3A_82 = arith.constant 0 : i32
        %dma_wait3A_83 = tpu.memref_slice %arg4[%add3A, %dma_wait3A_81, %dma_wait3A_82] : memref<32x146x72xi32, #tpu.memory_space<hbm>> -> memref<1x14x72xi32, #tpu.memory_space<hbm>>
        %dma_wait3A_84 = tpu.memref_squeeze %dma_wait3A_83 : memref<1x14x72xi32, #tpu.memory_space<hbm>> -> memref<14x72xi32, #tpu.memory_space<hbm>>
        tpu.wait_dma2 semaphore(%run_scoped3A : memref<!tpu.dma_semaphore, #tpu.memory_space<semaphore_mem>>) src(%dma_wait3A_84 : memref<14x72xi32, #tpu.memory_space<hbm>>) dst(%dma_wait3A_80 : memref<14x72xi32, #tpu.memory_space<vmem>>)
        tpu.yield
      }) : () -> ()
    } else {
    }
    %barrier3A = arith.constant 0 : index
    tpu.barrier barrier_id(%barrier3A)
    %dma_start3A = arith.constant 0 : i32
    %dma_start3A_8 = arith.constant 0 : i32
    %dma_start3A_9 = arith.constant 0 : i32
    %dma_start3A_10 = arith.constant 0 : i32
    %dma_start3A_11 = tpu.memref_slice %arg8[%dma_start3A_8, %dma_start3A_9, %dma_start3A_10] : memref<2x72x128xf32, #tpu.memory_space<vmem>> -> memref<1x72x128xf32, #tpu.memory_space<vmem>>
    %dma_start3A_12 = tpu.memref_squeeze %dma_start3A_11 : memref<1x72x128xf32, #tpu.memory_space<vmem>> -> memref<72x128xf32, #tpu.memory_space<vmem>>
    %dma_start3A_13 = arith.constant 0 : i32
    %dma_start3A_14 = tpu.memref_slice %arg6[%dma_start3A, %dma_start3A_13] : memref<146x72xi32, #tpu.memory_space<vmem>> -> memref<1x72xi32, #tpu.memory_space<vmem>>
    %dma_start3A_15 = tpu.memref_squeeze %dma_start3A_14 : memref<1x72xi32, #tpu.memory_space<vmem>> -> memref<72xi32, #tpu.memory_space<vmem>>
    %dma_start3A_16 = arith.constant 0 : i32
    %dma_start3A_17 = arith.constant 0 : i32
    %dma_start3A_18 = tpu.memref_slice %arg2[%dma_start3A_16, %dma_start3A_17] : memref<10000x128xf32, #tpu.memory_space<hbm>> -> memref<10000x128xf32, #tpu.memory_space<hbm>>
    tpu.enqueue_indirect_dma source(%dma_start3A_18 : memref<10000x128xf32, #tpu.memory_space<hbm>>) target(%dma_start3A_12 : memref<72x128xf32, #tpu.memory_space<vmem>>) offsets(%dma_start3A_15 : memref<72xi32, #tpu.memory_space<vmem>>) semaphore(%arg10 : memref<!tpu.dma_semaphore, #tpu.memory_space<semaphore_mem>>)
    %eq3A_19 = arith.constant 0 : i32
    %eq3A_20 = arith.cmpi eq, %arg0, %eq3A_19 : i32
    %jit3A_21 = arith.constant 73 : i32
    %jit3A_22 = arith.constant 66 : i32
    %select_n3A_23 = arith.select %eq3A_20, %jit3A_21, %jit3A_22 : i32
    %while3A = arith.constant 0 : i32
    %while3A_24 = arith.subi %select_n3A_23, %while3A : i32
    %while3A_25 = arith.addi %while3A, %while3A_24 : i32
    %while3A_26 = arith.constant 1 : i32
    %while3A_27 = arith.divsi %while3A_24, %while3A_26 : i32
    %while3A_28 = arith.muli %while3A_27, %while3A_26 : i32
    %while3A_29 = arith.addi %while3A, %while3A_28 : i32
    %while3A_30 = arith.constant 1 : i32
    scf.for %while3A_57 = %while3A to %while3A_29 step %while3A_30  : i32 {
      %mul3A_58 = arith.constant 2 : i32
      %mul3A_59 = arith.muli %while3A_57, %mul3A_58 : i32
      %add3A_60 = arith.constant 0 : i32
      %add3A_61 = arith.addi %mul3A_59, %add3A_60 : i32
      %dma_wait3A_62 = arith.constant 0 : i32
      %dma_wait3A_63 = arith.constant 0 : i32
      %dma_wait3A_64 = arith.constant 0 : i32
      %dma_wait3A_65 = tpu.memref_slice %arg8[%dma_wait3A_62, %dma_wait3A_63, %dma_wait3A_64] : memref<2x72x128xf32, #tpu.memory_space<vmem>> -> memref<1x72x128xf32, #tpu.memory_space<vmem>>
      %dma_wait3A_66 = tpu.memref_squeeze %dma_wait3A_65 : memref<1x72x128xf32, #tpu.memory_space<vmem>> -> memref<72x128xf32, #tpu.memory_space<vmem>>
      %dma_wait3A_67 = arith.constant 0 : i32
      %dma_wait3A_68 = tpu.memref_slice %arg6[%add3A_61, %dma_wait3A_67] : memref<146x72xi32, #tpu.memory_space<vmem>> -> memref<1x72xi32, #tpu.memory_space<vmem>>
      %dma_wait3A_69 = tpu.memref_squeeze %dma_wait3A_68 : memref<1x72xi32, #tpu.memory_space<vmem>> -> memref<72xi32, #tpu.memory_space<vmem>>
      %dma_wait3A_70 = arith.constant 0 : i32
      %dma_wait3A_71 = arith.constant 0 : i32
      %dma_wait3A_72 = tpu.memref_slice %arg2[%dma_wait3A_70, %dma_wait3A_71] : memref<10000x128xf32, #tpu.memory_space<hbm>> -> memref<10000x128xf32, #tpu.memory_space<hbm>>
      tpu.wait_indirect_dma semaphore(%arg10 : memref<!tpu.dma_semaphore, #tpu.memory_space<semaphore_mem>>) src(%dma_wait3A_72 : memref<10000x128xf32, #tpu.memory_space<hbm>>) dst(%dma_wait3A_66 : memref<72x128xf32, #tpu.memory_space<vmem>>)
      %add3A_73 = arith.constant 1 : i32
      %add3A_74 = arith.addi %add3A_61, %add3A_73 : i32
      %lt3A = arith.cmpi slt, %add3A_74, %select_n3A : i32
      %convert_element_type3A_75 = arith.extui %lt3A : i1 to i32
      %cond3A_76 = arith.constant 0 : i32
      %cond3A_77 = arith.cmpi ne, %convert_element_type3A_75, %cond3A_76 : i32
      scf.if %cond3A_77 {
        %ge3A = arith.constant 1 : i32
        %ge3A_121 = arith.cmpi sge, %add3A_61, %ge3A : i32
        %convert_element_type3A_122 = arith.extui %ge3A_121 : i1 to i32
        %cond3A_123 = arith.constant 0 : i32
        %cond3A_124 = arith.cmpi ne, %convert_element_type3A_122, %cond3A_123 : i32
        scf.if %cond3A_124 {
          %sub3A_136 = arith.constant 1 : i32
          %sub3A_137 = arith.subi %add3A_61, %sub3A_136 : i32
          %dma_wait3A_138 = arith.constant 1 : i32
          %dma_wait3A_139 = arith.constant 0 : i32
          %dma_wait3A_140 = arith.constant 0 : i32
          %dma_wait3A_141 = tpu.memref_slice %arg8[%dma_wait3A_138, %dma_wait3A_139, %dma_wait3A_140] : memref<2x72x128xf32, #tpu.memory_space<vmem>> -> memref<1x72x128xf32, #tpu.memory_space<vmem>>
          %dma_wait3A_142 = tpu.memref_squeeze %dma_wait3A_141 : memref<1x72x128xf32, #tpu.memory_space<vmem>> -> memref<72x128xf32, #tpu.memory_space<vmem>>
          %dma_wait3A_143 = arith.constant 0 : i32
          %dma_wait3A_144 = tpu.memref_slice %arg7[%sub3A_137, %dma_wait3A_143] : memref<146x72xi32, #tpu.memory_space<vmem>> -> memref<1x72xi32, #tpu.memory_space<vmem>>
          %dma_wait3A_145 = tpu.memref_squeeze %dma_wait3A_144 : memref<1x72xi32, #tpu.memory_space<vmem>> -> memref<72xi32, #tpu.memory_space<vmem>>
          %dma_wait3A_146 = arith.constant 0 : i32
          %dma_wait3A_147 = arith.constant 0 : i32
          %dma_wait3A_148 = tpu.memref_slice %arg9[%dma_wait3A_146, %dma_wait3A_147] : memref<10016x128xf32, #tpu.memory_space<vmem_shared>> -> memref<10016x128xf32, #tpu.memory_space<vmem_shared>>
          tpu.wait_indirect_dma semaphore(%arg13 : memref<!tpu.dma_semaphore, #tpu.memory_space<semaphore_mem>>) src(%dma_wait3A_142 : memref<72x128xf32, #tpu.memory_space<vmem>>) dst(%dma_wait3A_148 : memref<10016x128xf32, #tpu.memory_space<vmem_shared>>)
        } else {
        }
        %dma_start3A_125 = arith.constant 1 : i32
        %dma_start3A_126 = arith.constant 0 : i32
        %dma_start3A_127 = arith.constant 0 : i32
        %dma_start3A_128 = tpu.memref_slice %arg8[%dma_start3A_125, %dma_start3A_126, %dma_start3A_127] : memref<2x72x128xf32, #tpu.memory_space<vmem>> -> memref<1x72x128xf32, #tpu.memory_space<vmem>>
        %dma_start3A_129 = tpu.memref_squeeze %dma_start3A_128 : memref<1x72x128xf32, #tpu.memory_space<vmem>> -> memref<72x128xf32, #tpu.memory_space<vmem>>
        %dma_start3A_130 = arith.constant 0 : i32
        %dma_start3A_131 = tpu.memref_slice %arg6[%add3A_74, %dma_start3A_130] : memref<146x72xi32, #tpu.memory_space<vmem>> -> memref<1x72xi32, #tpu.memory_space<vmem>>
        %dma_start3A_132 = tpu.memref_squeeze %dma_start3A_131 : memref<1x72xi32, #tpu.memory_space<vmem>> -> memref<72xi32, #tpu.memory_space<vmem>>
        %dma_start3A_133 = arith.constant 0 : i32
        %dma_start3A_134 = arith.constant 0 : i32
        %dma_start3A_135 = tpu.memref_slice %arg2[%dma_start3A_133, %dma_start3A_134] : memref<10000x128xf32, #tpu.memory_space<hbm>> -> memref<10000x128xf32, #tpu.memory_space<hbm>>
        tpu.enqueue_indirect_dma source(%dma_start3A_135 : memref<10000x128xf32, #tpu.memory_space<hbm>>) target(%dma_start3A_129 : memref<72x128xf32, #tpu.memory_space<vmem>>) offsets(%dma_start3A_132 : memref<72xi32, #tpu.memory_space<vmem>>) semaphore(%arg11 : memref<!tpu.dma_semaphore, #tpu.memory_space<semaphore_mem>>)
      } else {
      }
      %dma_start3A_78 = arith.constant 0 : i32
      %dma_start3A_79 = arith.constant 0 : i32
      %dma_start3A_80 = arith.constant 0 : i32
      %dma_start3A_81 = tpu.memref_slice %arg8[%dma_start3A_78, %dma_start3A_79, %dma_start3A_80] : memref<2x72x128xf32, #tpu.memory_space<vmem>> -> memref<1x72x128xf32, #tpu.memory_space<vmem>>
      %dma_start3A_82 = tpu.memref_squeeze %dma_start3A_81 : memref<1x72x128xf32, #tpu.memory_space<vmem>> -> memref<72x128xf32, #tpu.memory_space<vmem>>
      %dma_start3A_83 = arith.constant 0 : i32
      %dma_start3A_84 = tpu.memref_slice %arg7[%add3A_61, %dma_start3A_83] : memref<146x72xi32, #tpu.memory_space<vmem>> -> memref<1x72xi32, #tpu.memory_space<vmem>>
      %dma_start3A_85 = tpu.memref_squeeze %dma_start3A_84 : memref<1x72xi32, #tpu.memory_space<vmem>> -> memref<72xi32, #tpu.memory_space<vmem>>
      %dma_start3A_86 = arith.constant 0 : i32
      %dma_start3A_87 = arith.constant 0 : i32
      %dma_start3A_88 = tpu.memref_slice %arg9[%dma_start3A_86, %dma_start3A_87] : memref<10016x128xf32, #tpu.memory_space<vmem_shared>> -> memref<10016x128xf32, #tpu.memory_space<vmem_shared>>
      tpu.enqueue_indirect_dma source(%dma_start3A_82 : memref<72x128xf32, #tpu.memory_space<vmem>>) target(%dma_start3A_88 : memref<10016x128xf32, #tpu.memory_space<vmem_shared>>) offsets(%dma_start3A_85 : memref<72xi32, #tpu.memory_space<vmem>>) semaphore(%arg12 : memref<!tpu.dma_semaphore, #tpu.memory_space<semaphore_mem>>) {add = true}
      %mul3A_89 = arith.constant 2 : i32
      %mul3A_90 = arith.muli %while3A_57, %mul3A_89 : i32
      %add3A_91 = arith.constant 1 : i32
      %add3A_92 = arith.addi %mul3A_90, %add3A_91 : i32
      %dma_wait3A_93 = arith.constant 1 : i32
      %dma_wait3A_94 = arith.constant 0 : i32
      %dma_wait3A_95 = arith.constant 0 : i32
      %dma_wait3A_96 = tpu.memref_slice %arg8[%dma_wait3A_93, %dma_wait3A_94, %dma_wait3A_95] : memref<2x72x128xf32, #tpu.memory_space<vmem>> -> memref<1x72x128xf32, #tpu.memory_space<vmem>>
      %dma_wait3A_97 = tpu.memref_squeeze %dma_wait3A_96 : memref<1x72x128xf32, #tpu.memory_space<vmem>> -> memref<72x128xf32, #tpu.memory_space<vmem>>
      %dma_wait3A_98 = arith.constant 0 : i32
      %dma_wait3A_99 = tpu.memref_slice %arg6[%add3A_92, %dma_wait3A_98] : memref<146x72xi32, #tpu.memory_space<vmem>> -> memref<1x72xi32, #tpu.memory_space<vmem>>
      %dma_wait3A_100 = tpu.memref_squeeze %dma_wait3A_99 : memref<1x72xi32, #tpu.memory_space<vmem>> -> memref<72xi32, #tpu.memory_space<vmem>>
      %dma_wait3A_101 = arith.constant 0 : i32
      %dma_wait3A_102 = arith.constant 0 : i32
      %dma_wait3A_103 = tpu.memref_slice %arg2[%dma_wait3A_101, %dma_wait3A_102] : memref<10000x128xf32, #tpu.memory_space<hbm>> -> memref<10000x128xf32, #tpu.memory_space<hbm>>
      tpu.wait_indirect_dma semaphore(%arg11 : memref<!tpu.dma_semaphore, #tpu.memory_space<semaphore_mem>>) src(%dma_wait3A_103 : memref<10000x128xf32, #tpu.memory_space<hbm>>) dst(%dma_wait3A_97 : memref<72x128xf32, #tpu.memory_space<vmem>>)
      %add3A_104 = arith.constant 1 : i32
      %add3A_105 = arith.addi %add3A_92, %add3A_104 : i32
      %lt3A_106 = arith.cmpi slt, %add3A_105, %select_n3A : i32
      %convert_element_type3A_107 = arith.extui %lt3A_106 : i1 to i32
      %cond3A_108 = arith.constant 0 : i32
      %cond3A_109 = arith.cmpi ne, %convert_element_type3A_107, %cond3A_108 : i32
      scf.if %cond3A_109 {
        %ge3A = arith.constant 1 : i32
        %ge3A_121 = arith.cmpi sge, %add3A_92, %ge3A : i32
        %convert_element_type3A_122 = arith.extui %ge3A_121 : i1 to i32
        %cond3A_123 = arith.constant 0 : i32
        %cond3A_124 = arith.cmpi ne, %convert_element_type3A_122, %cond3A_123 : i32
        scf.if %cond3A_124 {
          %sub3A_136 = arith.constant 1 : i32
          %sub3A_137 = arith.subi %add3A_92, %sub3A_136 : i32
          %dma_wait3A_138 = arith.constant 0 : i32
          %dma_wait3A_139 = arith.constant 0 : i32
          %dma_wait3A_140 = arith.constant 0 : i32
          %dma_wait3A_141 = tpu.memref_slice %arg8[%dma_wait3A_138, %dma_wait3A_139, %dma_wait3A_140] : memref<2x72x128xf32, #tpu.memory_space<vmem>> -> memref<1x72x128xf32, #tpu.memory_space<vmem>>
          %dma_wait3A_142 = tpu.memref_squeeze %dma_wait3A_141 : memref<1x72x128xf32, #tpu.memory_space<vmem>> -> memref<72x128xf32, #tpu.memory_space<vmem>>
          %dma_wait3A_143 = arith.constant 0 : i32
          %dma_wait3A_144 = tpu.memref_slice %arg7[%sub3A_137, %dma_wait3A_143] : memref<146x72xi32, #tpu.memory_space<vmem>> -> memref<1x72xi32, #tpu.memory_space<vmem>>
          %dma_wait3A_145 = tpu.memref_squeeze %dma_wait3A_144 : memref<1x72xi32, #tpu.memory_space<vmem>> -> memref<72xi32, #tpu.memory_space<vmem>>
          %dma_wait3A_146 = arith.constant 0 : i32
          %dma_wait3A_147 = arith.constant 0 : i32
          %dma_wait3A_148 = tpu.memref_slice %arg9[%dma_wait3A_146, %dma_wait3A_147] : memref<10016x128xf32, #tpu.memory_space<vmem_shared>> -> memref<10016x128xf32, #tpu.memory_space<vmem_shared>>
          tpu.wait_indirect_dma semaphore(%arg12 : memref<!tpu.dma_semaphore, #tpu.memory_space<semaphore_mem>>) src(%dma_wait3A_142 : memref<72x128xf32, #tpu.memory_space<vmem>>) dst(%dma_wait3A_148 : memref<10016x128xf32, #tpu.memory_space<vmem_shared>>)
        } else {
        }
        %dma_start3A_125 = arith.constant 0 : i32
        %dma_start3A_126 = arith.constant 0 : i32
        %dma_start3A_127 = arith.constant 0 : i32
        %dma_start3A_128 = tpu.memref_slice %arg8[%dma_start3A_125, %dma_start3A_126, %dma_start3A_127] : memref<2x72x128xf32, #tpu.memory_space<vmem>> -> memref<1x72x128xf32, #tpu.memory_space<vmem>>
        %dma_start3A_129 = tpu.memref_squeeze %dma_start3A_128 : memref<1x72x128xf32, #tpu.memory_space<vmem>> -> memref<72x128xf32, #tpu.memory_space<vmem>>
        %dma_start3A_130 = arith.constant 0 : i32
        %dma_start3A_131 = tpu.memref_slice %arg6[%add3A_105, %dma_start3A_130] : memref<146x72xi32, #tpu.memory_space<vmem>> -> memref<1x72xi32, #tpu.memory_space<vmem>>
        %dma_start3A_132 = tpu.memref_squeeze %dma_start3A_131 : memref<1x72xi32, #tpu.memory_space<vmem>> -> memref<72xi32, #tpu.memory_space<vmem>>
        %dma_start3A_133 = arith.constant 0 : i32
        %dma_start3A_134 = arith.constant 0 : i32
        %dma_start3A_135 = tpu.memref_slice %arg2[%dma_start3A_133, %dma_start3A_134] : memref<10000x128xf32, #tpu.memory_space<hbm>> -> memref<10000x128xf32, #tpu.memory_space<hbm>>
        tpu.enqueue_indirect_dma source(%dma_start3A_135 : memref<10000x128xf32, #tpu.memory_space<hbm>>) target(%dma_start3A_129 : memref<72x128xf32, #tpu.memory_space<vmem>>) offsets(%dma_start3A_132 : memref<72xi32, #tpu.memory_space<vmem>>) semaphore(%arg10 : memref<!tpu.dma_semaphore, #tpu.memory_space<semaphore_mem>>)
      } else {
      }
      %dma_start3A_110 = arith.constant 1 : i32
      %dma_start3A_111 = arith.constant 0 : i32
      %dma_start3A_112 = arith.constant 0 : i32
      %dma_start3A_113 = tpu.memref_slice %arg8[%dma_start3A_110, %dma_start3A_111, %dma_start3A_112] : memref<2x72x128xf32, #tpu.memory_space<vmem>> -> memref<1x72x128xf32, #tpu.memory_space<vmem>>
      %dma_start3A_114 = tpu.memref_squeeze %dma_start3A_113 : memref<1x72x128xf32, #tpu.memory_space<vmem>> -> memref<72x128xf32, #tpu.memory_space<vmem>>
      %dma_start3A_115 = arith.constant 0 : i32
      %dma_start3A_116 = tpu.memref_slice %arg7[%add3A_92, %dma_start3A_115] : memref<146x72xi32, #tpu.memory_space<vmem>> -> memref<1x72xi32, #tpu.memory_space<vmem>>
      %dma_start3A_117 = tpu.memref_squeeze %dma_start3A_116 : memref<1x72xi32, #tpu.memory_space<vmem>> -> memref<72xi32, #tpu.memory_space<vmem>>
      %dma_start3A_118 = arith.constant 0 : i32
      %dma_start3A_119 = arith.constant 0 : i32
      %dma_start3A_120 = tpu.memref_slice %arg9[%dma_start3A_118, %dma_start3A_119] : memref<10016x128xf32, #tpu.memory_space<vmem_shared>> -> memref<10016x128xf32, #tpu.memory_space<vmem_shared>>
      tpu.enqueue_indirect_dma source(%dma_start3A_114 : memref<72x128xf32, #tpu.memory_space<vmem>>) target(%dma_start3A_120 : memref<10016x128xf32, #tpu.memory_space<vmem_shared>>) offsets(%dma_start3A_117 : memref<72xi32, #tpu.memory_space<vmem>>) semaphore(%arg13 : memref<!tpu.dma_semaphore, #tpu.memory_space<semaphore_mem>>) {add = true}
    }
    %while3A_31 = arith.constant 1 : i32
    scf.for %while3A_57 = %while3A_29 to %while3A_25 step %while3A_31  : i32 {
      %mul3A_58 = arith.constant 2 : i32
      %mul3A_59 = arith.muli %while3A_57, %mul3A_58 : i32
      %add3A_60 = arith.constant 0 : i32
      %add3A_61 = arith.addi %mul3A_59, %add3A_60 : i32
      %dma_wait3A_62 = arith.constant 0 : i32
      %dma_wait3A_63 = arith.constant 0 : i32
      %dma_wait3A_64 = arith.constant 0 : i32
      %dma_wait3A_65 = tpu.memref_slice %arg8[%dma_wait3A_62, %dma_wait3A_63, %dma_wait3A_64] : memref<2x72x128xf32, #tpu.memory_space<vmem>> -> memref<1x72x128xf32, #tpu.memory_space<vmem>>
      %dma_wait3A_66 = tpu.memref_squeeze %dma_wait3A_65 : memref<1x72x128xf32, #tpu.memory_space<vmem>> -> memref<72x128xf32, #tpu.memory_space<vmem>>
      %dma_wait3A_67 = arith.constant 0 : i32
      %dma_wait3A_68 = tpu.memref_slice %arg6[%add3A_61, %dma_wait3A_67] : memref<146x72xi32, #tpu.memory_space<vmem>> -> memref<1x72xi32, #tpu.memory_space<vmem>>
      %dma_wait3A_69 = tpu.memref_squeeze %dma_wait3A_68 : memref<1x72xi32, #tpu.memory_space<vmem>> -> memref<72xi32, #tpu.memory_space<vmem>>
      %dma_wait3A_70 = arith.constant 0 : i32
      %dma_wait3A_71 = arith.constant 0 : i32
      %dma_wait3A_72 = tpu.memref_slice %arg2[%dma_wait3A_70, %dma_wait3A_71] : memref<10000x128xf32, #tpu.memory_space<hbm>> -> memref<10000x128xf32, #tpu.memory_space<hbm>>
      tpu.wait_indirect_dma semaphore(%arg10 : memref<!tpu.dma_semaphore, #tpu.memory_space<semaphore_mem>>) src(%dma_wait3A_72 : memref<10000x128xf32, #tpu.memory_space<hbm>>) dst(%dma_wait3A_66 : memref<72x128xf32, #tpu.memory_space<vmem>>)
      %add3A_73 = arith.constant 1 : i32
      %add3A_74 = arith.addi %add3A_61, %add3A_73 : i32
      %lt3A = arith.cmpi slt, %add3A_74, %select_n3A : i32
      %convert_element_type3A_75 = arith.extui %lt3A : i1 to i32
      %cond3A_76 = arith.constant 0 : i32
      %cond3A_77 = arith.cmpi ne, %convert_element_type3A_75, %cond3A_76 : i32
      scf.if %cond3A_77 {
        %ge3A = arith.constant 1 : i32
        %ge3A_121 = arith.cmpi sge, %add3A_61, %ge3A : i32
        %convert_element_type3A_122 = arith.extui %ge3A_121 : i1 to i32
        %cond3A_123 = arith.constant 0 : i32
        %cond3A_124 = arith.cmpi ne, %convert_element_type3A_122, %cond3A_123 : i32
        scf.if %cond3A_124 {
          %sub3A_136 = arith.constant 1 : i32
          %sub3A_137 = arith.subi %add3A_61, %sub3A_136 : i32
          %dma_wait3A_138 = arith.constant 1 : i32
          %dma_wait3A_139 = arith.constant 0 : i32
          %dma_wait3A_140 = arith.constant 0 : i32
          %dma_wait3A_141 = tpu.memref_slice %arg8[%dma_wait3A_138, %dma_wait3A_139, %dma_wait3A_140] : memref<2x72x128xf32, #tpu.memory_space<vmem>> -> memref<1x72x128xf32, #tpu.memory_space<vmem>>
          %dma_wait3A_142 = tpu.memref_squeeze %dma_wait3A_141 : memref<1x72x128xf32, #tpu.memory_space<vmem>> -> memref<72x128xf32, #tpu.memory_space<vmem>>
          %dma_wait3A_143 = arith.constant 0 : i32
          %dma_wait3A_144 = tpu.memref_slice %arg7[%sub3A_137, %dma_wait3A_143] : memref<146x72xi32, #tpu.memory_space<vmem>> -> memref<1x72xi32, #tpu.memory_space<vmem>>
          %dma_wait3A_145 = tpu.memref_squeeze %dma_wait3A_144 : memref<1x72xi32, #tpu.memory_space<vmem>> -> memref<72xi32, #tpu.memory_space<vmem>>
          %dma_wait3A_146 = arith.constant 0 : i32
          %dma_wait3A_147 = arith.constant 0 : i32
          %dma_wait3A_148 = tpu.memref_slice %arg9[%dma_wait3A_146, %dma_wait3A_147] : memref<10016x128xf32, #tpu.memory_space<vmem_shared>> -> memref<10016x128xf32, #tpu.memory_space<vmem_shared>>
          tpu.wait_indirect_dma semaphore(%arg13 : memref<!tpu.dma_semaphore, #tpu.memory_space<semaphore_mem>>) src(%dma_wait3A_142 : memref<72x128xf32, #tpu.memory_space<vmem>>) dst(%dma_wait3A_148 : memref<10016x128xf32, #tpu.memory_space<vmem_shared>>)
        } else {
        }
        %dma_start3A_125 = arith.constant 1 : i32
        %dma_start3A_126 = arith.constant 0 : i32
        %dma_start3A_127 = arith.constant 0 : i32
        %dma_start3A_128 = tpu.memref_slice %arg8[%dma_start3A_125, %dma_start3A_126, %dma_start3A_127] : memref<2x72x128xf32, #tpu.memory_space<vmem>> -> memref<1x72x128xf32, #tpu.memory_space<vmem>>
        %dma_start3A_129 = tpu.memref_squeeze %dma_start3A_128 : memref<1x72x128xf32, #tpu.memory_space<vmem>> -> memref<72x128xf32, #tpu.memory_space<vmem>>
        %dma_start3A_130 = arith.constant 0 : i32
        %dma_start3A_131 = tpu.memref_slice %arg6[%add3A_74, %dma_start3A_130] : memref<146x72xi32, #tpu.memory_space<vmem>> -> memref<1x72xi32, #tpu.memory_space<vmem>>
        %dma_start3A_132 = tpu.memref_squeeze %dma_start3A_131 : memref<1x72xi32, #tpu.memory_space<vmem>> -> memref<72xi32, #tpu.memory_space<vmem>>
        %dma_start3A_133 = arith.constant 0 : i32
        %dma_start3A_134 = arith.constant 0 : i32
        %dma_start3A_135 = tpu.memref_slice %arg2[%dma_start3A_133, %dma_start3A_134] : memref<10000x128xf32, #tpu.memory_space<hbm>> -> memref<10000x128xf32, #tpu.memory_space<hbm>>
        tpu.enqueue_indirect_dma source(%dma_start3A_135 : memref<10000x128xf32, #tpu.memory_space<hbm>>) target(%dma_start3A_129 : memref<72x128xf32, #tpu.memory_space<vmem>>) offsets(%dma_start3A_132 : memref<72xi32, #tpu.memory_space<vmem>>) semaphore(%arg11 : memref<!tpu.dma_semaphore, #tpu.memory_space<semaphore_mem>>)
      } else {
      }
      %dma_start3A_78 = arith.constant 0 : i32
      %dma_start3A_79 = arith.constant 0 : i32
      %dma_start3A_80 = arith.constant 0 : i32
      %dma_start3A_81 = tpu.memref_slice %arg8[%dma_start3A_78, %dma_start3A_79, %dma_start3A_80] : memref<2x72x128xf32, #tpu.memory_space<vmem>> -> memref<1x72x128xf32, #tpu.memory_space<vmem>>
      %dma_start3A_82 = tpu.memref_squeeze %dma_start3A_81 : memref<1x72x128xf32, #tpu.memory_space<vmem>> -> memref<72x128xf32, #tpu.memory_space<vmem>>
      %dma_start3A_83 = arith.constant 0 : i32
      %dma_start3A_84 = tpu.memref_slice %arg7[%add3A_61, %dma_start3A_83] : memref<146x72xi32, #tpu.memory_space<vmem>> -> memref<1x72xi32, #tpu.memory_space<vmem>>
      %dma_start3A_85 = tpu.memref_squeeze %dma_start3A_84 : memref<1x72xi32, #tpu.memory_space<vmem>> -> memref<72xi32, #tpu.memory_space<vmem>>
      %dma_start3A_86 = arith.constant 0 : i32
      %dma_start3A_87 = arith.constant 0 : i32
      %dma_start3A_88 = tpu.memref_slice %arg9[%dma_start3A_86, %dma_start3A_87] : memref<10016x128xf32, #tpu.memory_space<vmem_shared>> -> memref<10016x128xf32, #tpu.memory_space<vmem_shared>>
      tpu.enqueue_indirect_dma source(%dma_start3A_82 : memref<72x128xf32, #tpu.memory_space<vmem>>) target(%dma_start3A_88 : memref<10016x128xf32, #tpu.memory_space<vmem_shared>>) offsets(%dma_start3A_85 : memref<72xi32, #tpu.memory_space<vmem>>) semaphore(%arg12 : memref<!tpu.dma_semaphore, #tpu.memory_space<semaphore_mem>>) {add = true}
      %mul3A_89 = arith.constant 2 : i32
      %mul3A_90 = arith.muli %while3A_57, %mul3A_89 : i32
      %add3A_91 = arith.constant 1 : i32
      %add3A_92 = arith.addi %mul3A_90, %add3A_91 : i32
      %dma_wait3A_93 = arith.constant 1 : i32
      %dma_wait3A_94 = arith.constant 0 : i32
      %dma_wait3A_95 = arith.constant 0 : i32
      %dma_wait3A_96 = tpu.memref_slice %arg8[%dma_wait3A_93, %dma_wait3A_94, %dma_wait3A_95] : memref<2x72x128xf32, #tpu.memory_space<vmem>> -> memref<1x72x128xf32, #tpu.memory_space<vmem>>
      %dma_wait3A_97 = tpu.memref_squeeze %dma_wait3A_96 : memref<1x72x128xf32, #tpu.memory_space<vmem>> -> memref<72x128xf32, #tpu.memory_space<vmem>>
      %dma_wait3A_98 = arith.constant 0 : i32
      %dma_wait3A_99 = tpu.memref_slice %arg6[%add3A_92, %dma_wait3A_98] : memref<146x72xi32, #tpu.memory_space<vmem>> -> memref<1x72xi32, #tpu.memory_space<vmem>>
      %dma_wait3A_100 = tpu.memref_squeeze %dma_wait3A_99 : memref<1x72xi32, #tpu.memory_space<vmem>> -> memref<72xi32, #tpu.memory_space<vmem>>
      %dma_wait3A_101 = arith.constant 0 : i32
      %dma_wait3A_102 = arith.constant 0 : i32
      %dma_wait3A_103 = tpu.memref_slice %arg2[%dma_wait3A_101, %dma_wait3A_102] : memref<10000x128xf32, #tpu.memory_space<hbm>> -> memref<10000x128xf32, #tpu.memory_space<hbm>>
      tpu.wait_indirect_dma semaphore(%arg11 : memref<!tpu.dma_semaphore, #tpu.memory_space<semaphore_mem>>) src(%dma_wait3A_103 : memref<10000x128xf32, #tpu.memory_space<hbm>>) dst(%dma_wait3A_97 : memref<72x128xf32, #tpu.memory_space<vmem>>)
      %add3A_104 = arith.constant 1 : i32
      %add3A_105 = arith.addi %add3A_92, %add3A_104 : i32
      %lt3A_106 = arith.cmpi slt, %add3A_105, %select_n3A : i32
      %convert_element_type3A_107 = arith.extui %lt3A_106 : i1 to i32
      %cond3A_108 = arith.constant 0 : i32
      %cond3A_109 = arith.cmpi ne, %convert_element_type3A_107, %cond3A_108 : i32
      scf.if %cond3A_109 {
        %ge3A = arith.constant 1 : i32
        %ge3A_121 = arith.cmpi sge, %add3A_92, %ge3A : i32
        %convert_element_type3A_122 = arith.extui %ge3A_121 : i1 to i32
        %cond3A_123 = arith.constant 0 : i32
        %cond3A_124 = arith.cmpi ne, %convert_element_type3A_122, %cond3A_123 : i32
        scf.if %cond3A_124 {
          %sub3A_136 = arith.constant 1 : i32
          %sub3A_137 = arith.subi %add3A_92, %sub3A_136 : i32
          %dma_wait3A_138 = arith.constant 0 : i32
          %dma_wait3A_139 = arith.constant 0 : i32
          %dma_wait3A_140 = arith.constant 0 : i32
          %dma_wait3A_141 = tpu.memref_slice %arg8[%dma_wait3A_138, %dma_wait3A_139, %dma_wait3A_140] : memref<2x72x128xf32, #tpu.memory_space<vmem>> -> memref<1x72x128xf32, #tpu.memory_space<vmem>>
          %dma_wait3A_142 = tpu.memref_squeeze %dma_wait3A_141 : memref<1x72x128xf32, #tpu.memory_space<vmem>> -> memref<72x128xf32, #tpu.memory_space<vmem>>
          %dma_wait3A_143 = arith.constant 0 : i32
          %dma_wait3A_144 = tpu.memref_slice %arg7[%sub3A_137, %dma_wait3A_143] : memref<146x72xi32, #tpu.memory_space<vmem>> -> memref<1x72xi32, #tpu.memory_space<vmem>>
          %dma_wait3A_145 = tpu.memref_squeeze %dma_wait3A_144 : memref<1x72xi32, #tpu.memory_space<vmem>> -> memref<72xi32, #tpu.memory_space<vmem>>
          %dma_wait3A_146 = arith.constant 0 : i32
          %dma_wait3A_147 = arith.constant 0 : i32
          %dma_wait3A_148 = tpu.memref_slice %arg9[%dma_wait3A_146, %dma_wait3A_147] : memref<10016x128xf32, #tpu.memory_space<vmem_shared>> -> memref<10016x128xf32, #tpu.memory_space<vmem_shared>>
          tpu.wait_indirect_dma semaphore(%arg12 : memref<!tpu.dma_semaphore, #tpu.memory_space<semaphore_mem>>) src(%dma_wait3A_142 : memref<72x128xf32, #tpu.memory_space<vmem>>) dst(%dma_wait3A_148 : memref<10016x128xf32, #tpu.memory_space<vmem_shared>>)
        } else {
        }
        %dma_start3A_125 = arith.constant 0 : i32
        %dma_start3A_126 = arith.constant 0 : i32
        %dma_start3A_127 = arith.constant 0 : i32
        %dma_start3A_128 = tpu.memref_slice %arg8[%dma_start3A_125, %dma_start3A_126, %dma_start3A_127] : memref<2x72x128xf32, #tpu.memory_space<vmem>> -> memref<1x72x128xf32, #tpu.memory_space<vmem>>
        %dma_start3A_129 = tpu.memref_squeeze %dma_start3A_128 : memref<1x72x128xf32, #tpu.memory_space<vmem>> -> memref<72x128xf32, #tpu.memory_space<vmem>>
        %dma_start3A_130 = arith.constant 0 : i32
        %dma_start3A_131 = tpu.memref_slice %arg6[%add3A_105, %dma_start3A_130] : memref<146x72xi32, #tpu.memory_space<vmem>> -> memref<1x72xi32, #tpu.memory_space<vmem>>
        %dma_start3A_132 = tpu.memref_squeeze %dma_start3A_131 : memref<1x72xi32, #tpu.memory_space<vmem>> -> memref<72xi32, #tpu.memory_space<vmem>>
        %dma_start3A_133 = arith.constant 0 : i32
        %dma_start3A_134 = arith.constant 0 : i32
        %dma_start3A_135 = tpu.memref_slice %arg2[%dma_start3A_133, %dma_start3A_134] : memref<10000x128xf32, #tpu.memory_space<hbm>> -> memref<10000x128xf32, #tpu.memory_space<hbm>>
        tpu.enqueue_indirect_dma source(%dma_start3A_135 : memref<10000x128xf32, #tpu.memory_space<hbm>>) target(%dma_start3A_129 : memref<72x128xf32, #tpu.memory_space<vmem>>) offsets(%dma_start3A_132 : memref<72xi32, #tpu.memory_space<vmem>>) semaphore(%arg10 : memref<!tpu.dma_semaphore, #tpu.memory_space<semaphore_mem>>)
      } else {
      }
      %dma_start3A_110 = arith.constant 1 : i32
      %dma_start3A_111 = arith.constant 0 : i32
      %dma_start3A_112 = arith.constant 0 : i32
      %dma_start3A_113 = tpu.memref_slice %arg8[%dma_start3A_110, %dma_start3A_111, %dma_start3A_112] : memref<2x72x128xf32, #tpu.memory_space<vmem>> -> memref<1x72x128xf32, #tpu.memory_space<vmem>>
      %dma_start3A_114 = tpu.memref_squeeze %dma_start3A_113 : memref<1x72x128xf32, #tpu.memory_space<vmem>> -> memref<72x128xf32, #tpu.memory_space<vmem>>
      %dma_start3A_115 = arith.constant 0 : i32
      %dma_start3A_116 = tpu.memref_slice %arg7[%add3A_92, %dma_start3A_115] : memref<146x72xi32, #tpu.memory_space<vmem>> -> memref<1x72xi32, #tpu.memory_space<vmem>>
      %dma_start3A_117 = tpu.memref_squeeze %dma_start3A_116 : memref<1x72xi32, #tpu.memory_space<vmem>> -> memref<72xi32, #tpu.memory_space<vmem>>
      %dma_start3A_118 = arith.constant 0 : i32
      %dma_start3A_119 = arith.constant 0 : i32
      %dma_start3A_120 = tpu.memref_slice %arg9[%dma_start3A_118, %dma_start3A_119] : memref<10016x128xf32, #tpu.memory_space<vmem_shared>> -> memref<10016x128xf32, #tpu.memory_space<vmem_shared>>
      tpu.enqueue_indirect_dma source(%dma_start3A_114 : memref<72x128xf32, #tpu.memory_space<vmem>>) target(%dma_start3A_120 : memref<10016x128xf32, #tpu.memory_space<vmem_shared>>) offsets(%dma_start3A_117 : memref<72xi32, #tpu.memory_space<vmem>>) semaphore(%arg13 : memref<!tpu.dma_semaphore, #tpu.memory_space<semaphore_mem>>) {add = true}
    }
    %sub3A = arith.constant 2 : i32
    %sub3A_32 = arith.subi %select_n3A, %sub3A : i32
    %dma_wait3A = arith.constant 0 : i32
    %dma_wait3A_33 = arith.constant 0 : i32
    %dma_wait3A_34 = arith.constant 0 : i32
    %dma_wait3A_35 = tpu.memref_slice %arg8[%dma_wait3A, %dma_wait3A_33, %dma_wait3A_34] : memref<2x72x128xf32, #tpu.memory_space<vmem>> -> memref<1x72x128xf32, #tpu.memory_space<vmem>>
    %dma_wait3A_36 = tpu.memref_squeeze %dma_wait3A_35 : memref<1x72x128xf32, #tpu.memory_space<vmem>> -> memref<72x128xf32, #tpu.memory_space<vmem>>
    %dma_wait3A_37 = arith.constant 0 : i32
    %dma_wait3A_38 = tpu.memref_slice %arg7[%sub3A_32, %dma_wait3A_37] : memref<146x72xi32, #tpu.memory_space<vmem>> -> memref<1x72xi32, #tpu.memory_space<vmem>>
    %dma_wait3A_39 = tpu.memref_squeeze %dma_wait3A_38 : memref<1x72xi32, #tpu.memory_space<vmem>> -> memref<72xi32, #tpu.memory_space<vmem>>
    %dma_wait3A_40 = arith.constant 0 : i32
    %dma_wait3A_41 = arith.constant 0 : i32
    %dma_wait3A_42 = tpu.memref_slice %arg9[%dma_wait3A_40, %dma_wait3A_41] : memref<10016x128xf32, #tpu.memory_space<vmem_shared>> -> memref<10016x128xf32, #tpu.memory_space<vmem_shared>>
    tpu.wait_indirect_dma semaphore(%arg12 : memref<!tpu.dma_semaphore, #tpu.memory_space<semaphore_mem>>) src(%dma_wait3A_36 : memref<72x128xf32, #tpu.memory_space<vmem>>) dst(%dma_wait3A_42 : memref<10016x128xf32, #tpu.memory_space<vmem_shared>>)
    %sub3A_43 = arith.constant 1 : i32
    %sub3A_44 = arith.subi %select_n3A, %sub3A_43 : i32
    %dma_wait3A_45 = arith.constant 1 : i32
    %dma_wait3A_46 = arith.constant 0 : i32
    %dma_wait3A_47 = arith.constant 0 : i32
    %dma_wait3A_48 = tpu.memref_slice %arg8[%dma_wait3A_45, %dma_wait3A_46, %dma_wait3A_47] : memref<2x72x128xf32, #tpu.memory_space<vmem>> -> memref<1x72x128xf32, #tpu.memory_space<vmem>>
    %dma_wait3A_49 = tpu.memref_squeeze %dma_wait3A_48 : memref<1x72x128xf32, #tpu.memory_space<vmem>> -> memref<72x128xf32, #tpu.memory_space<vmem>>
    %dma_wait3A_50 = arith.constant 0 : i32
    %dma_wait3A_51 = tpu.memref_slice %arg7[%sub3A_44, %dma_wait3A_50] : memref<146x72xi32, #tpu.memory_space<vmem>> -> memref<1x72xi32, #tpu.memory_space<vmem>>
    %dma_wait3A_52 = tpu.memref_squeeze %dma_wait3A_51 : memref<1x72xi32, #tpu.memory_space<vmem>> -> memref<72xi32, #tpu.memory_space<vmem>>
    %dma_wait3A_53 = arith.constant 0 : i32
    %dma_wait3A_54 = arith.constant 0 : i32
    %dma_wait3A_55 = tpu.memref_slice %arg9[%dma_wait3A_53, %dma_wait3A_54] : memref<10016x128xf32, #tpu.memory_space<vmem_shared>> -> memref<10016x128xf32, #tpu.memory_space<vmem_shared>>
    tpu.wait_indirect_dma semaphore(%arg13 : memref<!tpu.dma_semaphore, #tpu.memory_space<semaphore_mem>>) src(%dma_wait3A_49 : memref<72x128xf32, #tpu.memory_space<vmem>>) dst(%dma_wait3A_55 : memref<10016x128xf32, #tpu.memory_space<vmem_shared>>)
    %barrier3A_56 = arith.constant 0 : index
    tpu.barrier barrier_id(%barrier3A_56)
    "tpu.region"() ({
      %run_scoped3A = tpu.sem_alloc : memref<!tpu.dma_semaphore, #tpu.memory_space<semaphore_mem>>
      %dma_start3A_57 = arith.constant 0 : i32
      %dma_start3A_58 = tpu.memref_slice %arg5[%arg0, %mul3A_2, %dma_start3A_57] : memref<2x10000x128xf32, #tpu.memory_space<hbm>> -> memref<1x625x128xf32, #tpu.memory_space<hbm>>
      %dma_start3A_59 = tpu.memref_squeeze %dma_start3A_58 : memref<1x625x128xf32, #tpu.memory_space<hbm>> -> memref<625x128xf32, #tpu.memory_space<hbm>>
      %dma_start3A_60 = arith.constant 0 : i32
      %dma_start3A_61 = tpu.memref_slice %arg9[%mul3A_2, %dma_start3A_60] : memref<10016x128xf32, #tpu.memory_space<vmem_shared>> -> memref<625x128xf32, #tpu.memory_space<vmem_shared>>
      tpu.enqueue_dma source(%dma_start3A_61 : memref<625x128xf32, #tpu.memory_space<vmem_shared>>) target(%dma_start3A_59 : memref<625x128xf32, #tpu.memory_space<hbm>>) target_semaphore(%run_scoped3A : memref<!tpu.dma_semaphore, #tpu.memory_space<semaphore_mem>>)
      %dma_wait3A_62 = arith.constant 0 : i32
      %dma_wait3A_63 = tpu.memref_slice %arg5[%arg0, %mul3A_2, %dma_wait3A_62] : memref<2x10000x128xf32, #tpu.memory_space<hbm>> -> memref<1x625x128xf32, #tpu.memory_space<hbm>>
      %dma_wait3A_64 = tpu.memref_squeeze %dma_wait3A_63 : memref<1x625x128xf32, #tpu.memory_space<hbm>> -> memref<625x128xf32, #tpu.memory_space<hbm>>
      %dma_wait3A_65 = arith.constant 0 : i32
      %dma_wait3A_66 = tpu.memref_slice %arg9[%mul3A_2, %dma_wait3A_65] : memref<10016x128xf32, #tpu.memory_space<vmem_shared>> -> memref<625x128xf32, #tpu.memory_space<vmem_shared>>
      tpu.wait_dma2 semaphore(%run_scoped3A : memref<!tpu.dma_semaphore, #tpu.memory_space<semaphore_mem>>) src(%dma_wait3A_66 : memref<625x128xf32, #tpu.memory_space<vmem_shared>>) dst(%dma_wait3A_64 : memref<625x128xf32, #tpu.memory_space<hbm>>)
      tpu.yield
    }) : () -> ()
    return
  }
}

#map = affine_map<(d0, d1) -> (0, 0)>
#map1 = affine_map<(d0, d1) -> (0, 0, 0)>
module attributes {stable_mosaic.version = 14 : i64} {
  func.func @_deg_kernel_body(%arg0: i32, %arg1: i32, %arg2: memref<32x10000xi32, #tpu.memory_space<hbm>>, %arg3: memref<10x32x1000xf32, #tpu.memory_space<hbm>>, %arg4: memref<10000xi32, #tpu.memory_space<vmem>>, %arg5: memref<10000xf32, #tpu.memory_space<vmem>>) attributes {dimension_semantics = [#tpu.dimension_semantics<core_parallel>, #tpu.dimension_semantics<subcore_parallel>], iteration_bounds = array<i64: 2, 16>, scalar_prefetch = 0 : i64, scratch_operands = 2 : i64, tpu.core_type = #tpu.core_type<sc_vector_subcore>, window_params = [{transform_indices = #map}, {transform_indices = #map1}]} {
    %mul3A = arith.constant 16 : i32
    %mul3A_0 = arith.muli %arg0, %mul3A : i32
    %add3A = arith.addi %mul3A_0, %arg1 : i32
    "tpu.region"() ({
      %run_scoped3A_22 = tpu.sem_alloc : memref<!tpu.dma_semaphore, #tpu.memory_space<semaphore_mem>>
      %dma_start3A = arith.constant 0 : i32
      %dma_start3A_23 = tpu.memref_slice %arg2[%add3A, %dma_start3A] : memref<32x10000xi32, #tpu.memory_space<hbm>> -> memref<1x10000xi32, #tpu.memory_space<hbm>>
      %dma_start3A_24 = tpu.memref_squeeze %dma_start3A_23 : memref<1x10000xi32, #tpu.memory_space<hbm>> -> memref<10000xi32, #tpu.memory_space<hbm>>
      %dma_start3A_25 = arith.constant 0 : i32
      %dma_start3A_26 = tpu.memref_slice %arg2[%add3A, %dma_start3A_25] : memref<32x10000xi32, #tpu.memory_space<hbm>> -> memref<1x10000xi32, #tpu.memory_space<hbm>>
      %dma_start3A_27 = tpu.memref_squeeze %dma_start3A_26 : memref<1x10000xi32, #tpu.memory_space<hbm>> -> memref<10000xi32, #tpu.memory_space<hbm>>
      tpu.enqueue_dma source(%dma_start3A_27 : memref<10000xi32, #tpu.memory_space<hbm>>) target(%arg4 : memref<10000xi32, #tpu.memory_space<vmem>>) target_semaphore(%run_scoped3A_22 : memref<!tpu.dma_semaphore, #tpu.memory_space<semaphore_mem>>)
      %dma_wait3A = arith.constant 0 : i32
      %dma_wait3A_28 = tpu.memref_slice %arg2[%add3A, %dma_wait3A] : memref<32x10000xi32, #tpu.memory_space<hbm>> -> memref<1x10000xi32, #tpu.memory_space<hbm>>
      %dma_wait3A_29 = tpu.memref_squeeze %dma_wait3A_28 : memref<1x10000xi32, #tpu.memory_space<hbm>> -> memref<10000xi32, #tpu.memory_space<hbm>>
      %dma_wait3A_30 = arith.constant 0 : i32
      %dma_wait3A_31 = tpu.memref_slice %arg2[%add3A, %dma_wait3A_30] : memref<32x10000xi32, #tpu.memory_space<hbm>> -> memref<1x10000xi32, #tpu.memory_space<hbm>>
      %dma_wait3A_32 = tpu.memref_squeeze %dma_wait3A_31 : memref<1x10000xi32, #tpu.memory_space<hbm>> -> memref<10000xi32, #tpu.memory_space<hbm>>
      tpu.wait_dma2 semaphore(%run_scoped3A_22 : memref<!tpu.dma_semaphore, #tpu.memory_space<semaphore_mem>>) src(%dma_wait3A_32 : memref<10000xi32, #tpu.memory_space<hbm>>) dst(%arg4 : memref<10000xi32, #tpu.memory_space<vmem>>)
      tpu.yield
    }) : () -> ()
    %broadcast_in_dim3A = arith.constant 0.000000e+00 : f32
    %broadcast_in_dim3A_1 = vector.broadcast %broadcast_in_dim3A : f32 to vector<16xf32>
    %scan3A = arith.constant 0 : i32
    %scan3A_2 = arith.constant 625 : i32
    %scan3A_3 = arith.addi %scan3A, %scan3A_2 : i32
    %scan3A_4 = arith.constant 1 : i32
    scf.for %scan3A_22 = %scan3A to %scan3A_3 step %scan3A_4  : i32 {
      %mul3A_23 = arith.constant 16 : i32
      %mul3A_24 = arith.muli %scan3A_22, %mul3A_23 : i32
      %swap3A = arith.index_cast %mul3A_24 : i32 to index
      %swap3A_25 = tpu.vector_load %arg5[%swap3A] {strides = array<i32>} : memref<10000xf32, #tpu.memory_space<vmem>>, vector<16xf32>,
      tpu.vector_store %arg5[%swap3A], %broadcast_in_dim3A_1 {strides = array<i32>} : memref<10000xf32, #tpu.memory_space<vmem>>, vector<16xf32>,
    }
    %scan3A_5 = arith.constant 625 : i32
    %broadcast_in_dim3A_6 = arith.constant 1.000000e+00 : f32
    %broadcast_in_dim3A_7 = vector.broadcast %broadcast_in_dim3A_6 : f32 to vector<16xf32>
    %scan3A_8 = arith.constant 0 : i32
    %scan3A_9 = arith.constant 625 : i32
    %scan3A_10 = arith.addi %scan3A_8, %scan3A_9 : i32
    %scan3A_11 = arith.constant 1 : i32
    scf.for %scan3A_22 = %scan3A_8 to %scan3A_10 step %scan3A_11  : i32 {
      %mul3A_23 = arith.constant 16 : i32
      %mul3A_24 = arith.muli %scan3A_22, %mul3A_23 : i32
      %get3A = arith.index_cast %mul3A_24 : i32 to index
      %get3A_25 = tpu.vector_load %arg4[%get3A] {strides = array<i32>} : memref<10000xi32, #tpu.memory_space<vmem>>, vector<16xi32>,
      tpu.vector_store_idx %arg5[%get3A_25], %broadcast_in_dim3A_7 {add = true} : memref<10000xf32, #tpu.memory_space<vmem>>[vector<16xi32>], vector<16xf32>,
    }
    %scan3A_12 = arith.constant 625 : i32
    %run_scoped3A = arith.constant 0 : i32
    "tpu.region"() ({
      %run_scoped3A_22 = tpu.sem_alloc : memref<!tpu.dma_semaphore, #tpu.memory_space<semaphore_mem>>
      %dma_start3A = arith.constant 0 : i32
      %dma_start3A_23 = tpu.memref_slice %arg5[%dma_start3A] : memref<10000xf32, #tpu.memory_space<vmem>> -> memref<1000xf32, #tpu.memory_space<vmem>>
      %dma_start3A_24 = arith.constant 0 : i32
      %dma_start3A_25 = tpu.memref_slice %arg3[%run_scoped3A, %add3A, %dma_start3A_24] : memref<10x32x1000xf32, #tpu.memory_space<hbm>> -> memref<1x1x1000xf32, #tpu.memory_space<hbm>>
      %dma_start3A_26 = tpu.memref_squeeze %dma_start3A_25 : memref<1x1x1000xf32, #tpu.memory_space<hbm>> -> memref<1000xf32, #tpu.memory_space<hbm>>
      %dma_start3A_27 = arith.constant 0 : i32
      %dma_start3A_28 = tpu.memref_slice %arg3[%run_scoped3A, %add3A, %dma_start3A_27] : memref<10x32x1000xf32, #tpu.memory_space<hbm>> -> memref<1x1x1000xf32, #tpu.memory_space<hbm>>
      %dma_start3A_29 = tpu.memref_squeeze %dma_start3A_28 : memref<1x1x1000xf32, #tpu.memory_space<hbm>> -> memref<1000xf32, #tpu.memory_space<hbm>>
      %dma_start3A_30 = arith.constant 0 : i32
      %dma_start3A_31 = tpu.memref_slice %arg5[%dma_start3A_30] : memref<10000xf32, #tpu.memory_space<vmem>> -> memref<1000xf32, #tpu.memory_space<vmem>>
      tpu.enqueue_dma source(%dma_start3A_31 : memref<1000xf32, #tpu.memory_space<vmem>>) target(%dma_start3A_29 : memref<1000xf32, #tpu.memory_space<hbm>>) target_semaphore(%run_scoped3A_22 : memref<!tpu.dma_semaphore, #tpu.memory_space<semaphore_mem>>)
      %dma_wait3A = arith.constant 0 : i32
      %dma_wait3A_32 = tpu.memref_slice %arg5[%dma_wait3A] : memref<10000xf32, #tpu.memory_space<vmem>> -> memref<1000xf32, #tpu.memory_space<vmem>>
      %dma_wait3A_33 = arith.constant 0 : i32
      %dma_wait3A_34 = tpu.memref_slice %arg3[%run_scoped3A, %add3A, %dma_wait3A_33] : memref<10x32x1000xf32, #tpu.memory_space<hbm>> -> memref<1x1x1000xf32, #tpu.memory_space<hbm>>
      %dma_wait3A_35 = tpu.memref_squeeze %dma_wait3A_34 : memref<1x1x1000xf32, #tpu.memory_space<hbm>> -> memref<1000xf32, #tpu.memory_space<hbm>>
      %dma_wait3A_36 = arith.constant 0 : i32
      %dma_wait3A_37 = tpu.memref_slice %arg3[%run_scoped3A, %add3A, %dma_wait3A_36] : memref<10x32x1000xf32, #tpu.memory_space<hbm>> -> memref<1x1x1000xf32, #tpu.memory_space<hbm>>
      %dma_wait3A_38 = tpu.memref_squeeze %dma_wait3A_37 : memref<1x1x1000xf32, #tpu.memory_space<hbm>> -> memref<1000xf32, #tpu.memory_space<hbm>>
      %dma_wait3A_39 = arith.constant 0 : i32
      %dma_wait3A_40 = tpu.memref_slice %arg5[%dma_wait3A_39] : memref<10000xf32, #tpu.memory_space<vmem>> -> memref<1000xf32, #tpu.memory_space<vmem>>
      tpu.wait_dma2 semaphore(%run_scoped3A_22 : memref<!tpu.dma_semaphore, #tpu.memory_space<semaphore_mem>>) src(%dma_wait3A_40 : memref<1000xf32, #tpu.memory_space<vmem>>) dst(%dma_wait3A_38 : memref<1000xf32, #tpu.memory_space<hbm>>)
      tpu.yield
    }) : () -> ()
    %run_scoped3A_13 = arith.constant 1 : i32
    "tpu.region"() ({
      %run_scoped3A_22 = tpu.sem_alloc : memref<!tpu.dma_semaphore, #tpu.memory_space<semaphore_mem>>
      %dma_start3A = arith.constant 1000 : i32
      %dma_start3A_23 = tpu.memref_slice %arg5[%dma_start3A] : memref<10000xf32, #tpu.memory_space<vmem>> -> memref<1000xf32, #tpu.memory_space<vmem>>
      %dma_start3A_24 = arith.constant 0 : i32
      %dma_start3A_25 = tpu.memref_slice %arg3[%run_scoped3A_13, %add3A, %dma_start3A_24] : memref<10x32x1000xf32, #tpu.memory_space<hbm>> -> memref<1x1x1000xf32, #tpu.memory_space<hbm>>
      %dma_start3A_26 = tpu.memref_squeeze %dma_start3A_25 : memref<1x1x1000xf32, #tpu.memory_space<hbm>> -> memref<1000xf32, #tpu.memory_space<hbm>>
      %dma_start3A_27 = arith.constant 0 : i32
      %dma_start3A_28 = tpu.memref_slice %arg3[%run_scoped3A_13, %add3A, %dma_start3A_27] : memref<10x32x1000xf32, #tpu.memory_space<hbm>> -> memref<1x1x1000xf32, #tpu.memory_space<hbm>>
      %dma_start3A_29 = tpu.memref_squeeze %dma_start3A_28 : memref<1x1x1000xf32, #tpu.memory_space<hbm>> -> memref<1000xf32, #tpu.memory_space<hbm>>
      %dma_start3A_30 = arith.constant 1000 : i32
      %dma_start3A_31 = tpu.memref_slice %arg5[%dma_start3A_30] : memref<10000xf32, #tpu.memory_space<vmem>> -> memref<1000xf32, #tpu.memory_space<vmem>>
      tpu.enqueue_dma source(%dma_start3A_31 : memref<1000xf32, #tpu.memory_space<vmem>>) target(%dma_start3A_29 : memref<1000xf32, #tpu.memory_space<hbm>>) target_semaphore(%run_scoped3A_22 : memref<!tpu.dma_semaphore, #tpu.memory_space<semaphore_mem>>)
      %dma_wait3A = arith.constant 1000 : i32
      %dma_wait3A_32 = tpu.memref_slice %arg5[%dma_wait3A] : memref<10000xf32, #tpu.memory_space<vmem>> -> memref<1000xf32, #tpu.memory_space<vmem>>
      %dma_wait3A_33 = arith.constant 0 : i32
      %dma_wait3A_34 = tpu.memref_slice %arg3[%run_scoped3A_13, %add3A, %dma_wait3A_33] : memref<10x32x1000xf32, #tpu.memory_space<hbm>> -> memref<1x1x1000xf32, #tpu.memory_space<hbm>>
      %dma_wait3A_35 = tpu.memref_squeeze %dma_wait3A_34 : memref<1x1x1000xf32, #tpu.memory_space<hbm>> -> memref<1000xf32, #tpu.memory_space<hbm>>
      %dma_wait3A_36 = arith.constant 0 : i32
      %dma_wait3A_37 = tpu.memref_slice %arg3[%run_scoped3A_13, %add3A, %dma_wait3A_36] : memref<10x32x1000xf32, #tpu.memory_space<hbm>> -> memref<1x1x1000xf32, #tpu.memory_space<hbm>>
      %dma_wait3A_38 = tpu.memref_squeeze %dma_wait3A_37 : memref<1x1x1000xf32, #tpu.memory_space<hbm>> -> memref<1000xf32, #tpu.memory_space<hbm>>
      %dma_wait3A_39 = arith.constant 1000 : i32
      %dma_wait3A_40 = tpu.memref_slice %arg5[%dma_wait3A_39] : memref<10000xf32, #tpu.memory_space<vmem>> -> memref<1000xf32, #tpu.memory_space<vmem>>
      tpu.wait_dma2 semaphore(%run_scoped3A_22 : memref<!tpu.dma_semaphore, #tpu.memory_space<semaphore_mem>>) src(%dma_wait3A_40 : memref<1000xf32, #tpu.memory_space<vmem>>) dst(%dma_wait3A_38 : memref<1000xf32, #tpu.memory_space<hbm>>)
      tpu.yield
    }) : () -> ()
    %run_scoped3A_14 = arith.constant 2 : i32
    "tpu.region"() ({
      %run_scoped3A_22 = tpu.sem_alloc : memref<!tpu.dma_semaphore, #tpu.memory_space<semaphore_mem>>
      %dma_start3A = arith.constant 2000 : i32
      %dma_start3A_23 = tpu.memref_slice %arg5[%dma_start3A] : memref<10000xf32, #tpu.memory_space<vmem>> -> memref<1000xf32, #tpu.memory_space<vmem>>
      %dma_start3A_24 = arith.constant 0 : i32
      %dma_start3A_25 = tpu.memref_slice %arg3[%run_scoped3A_14, %add3A, %dma_start3A_24] : memref<10x32x1000xf32, #tpu.memory_space<hbm>> -> memref<1x1x1000xf32, #tpu.memory_space<hbm>>
      %dma_start3A_26 = tpu.memref_squeeze %dma_start3A_25 : memref<1x1x1000xf32, #tpu.memory_space<hbm>> -> memref<1000xf32, #tpu.memory_space<hbm>>
      %dma_start3A_27 = arith.constant 0 : i32
      %dma_start3A_28 = tpu.memref_slice %arg3[%run_scoped3A_14, %add3A, %dma_start3A_27] : memref<10x32x1000xf32, #tpu.memory_space<hbm>> -> memref<1x1x1000xf32, #tpu.memory_space<hbm>>
      %dma_start3A_29 = tpu.memref_squeeze %dma_start3A_28 : memref<1x1x1000xf32, #tpu.memory_space<hbm>> -> memref<1000xf32, #tpu.memory_space<hbm>>
      %dma_start3A_30 = arith.constant 2000 : i32
      %dma_start3A_31 = tpu.memref_slice %arg5[%dma_start3A_30] : memref<10000xf32, #tpu.memory_space<vmem>> -> memref<1000xf32, #tpu.memory_space<vmem>>
      tpu.enqueue_dma source(%dma_start3A_31 : memref<1000xf32, #tpu.memory_space<vmem>>) target(%dma_start3A_29 : memref<1000xf32, #tpu.memory_space<hbm>>) target_semaphore(%run_scoped3A_22 : memref<!tpu.dma_semaphore, #tpu.memory_space<semaphore_mem>>)
      %dma_wait3A = arith.constant 2000 : i32
      %dma_wait3A_32 = tpu.memref_slice %arg5[%dma_wait3A] : memref<10000xf32, #tpu.memory_space<vmem>> -> memref<1000xf32, #tpu.memory_space<vmem>>
      %dma_wait3A_33 = arith.constant 0 : i32
      %dma_wait3A_34 = tpu.memref_slice %arg3[%run_scoped3A_14, %add3A, %dma_wait3A_33] : memref<10x32x1000xf32, #tpu.memory_space<hbm>> -> memref<1x1x1000xf32, #tpu.memory_space<hbm>>
      %dma_wait3A_35 = tpu.memref_squeeze %dma_wait3A_34 : memref<1x1x1000xf32, #tpu.memory_space<hbm>> -> memref<1000xf32, #tpu.memory_space<hbm>>
      %dma_wait3A_36 = arith.constant 0 : i32
      %dma_wait3A_37 = tpu.memref_slice %arg3[%run_scoped3A_14, %add3A, %dma_wait3A_36] : memref<10x32x1000xf32, #tpu.memory_space<hbm>> -> memref<1x1x1000xf32, #tpu.memory_space<hbm>>
      %dma_wait3A_38 = tpu.memref_squeeze %dma_wait3A_37 : memref<1x1x1000xf32, #tpu.memory_space<hbm>> -> memref<1000xf32, #tpu.memory_space<hbm>>
      %dma_wait3A_39 = arith.constant 2000 : i32
      %dma_wait3A_40 = tpu.memref_slice %arg5[%dma_wait3A_39] : memref<10000xf32, #tpu.memory_space<vmem>> -> memref<1000xf32, #tpu.memory_space<vmem>>
      tpu.wait_dma2 semaphore(%run_scoped3A_22 : memref<!tpu.dma_semaphore, #tpu.memory_space<semaphore_mem>>) src(%dma_wait3A_40 : memref<1000xf32, #tpu.memory_space<vmem>>) dst(%dma_wait3A_38 : memref<1000xf32, #tpu.memory_space<hbm>>)
      tpu.yield
    }) : () -> ()
    %run_scoped3A_15 = arith.constant 3 : i32
    "tpu.region"() ({
      %run_scoped3A_22 = tpu.sem_alloc : memref<!tpu.dma_semaphore, #tpu.memory_space<semaphore_mem>>
      %dma_start3A = arith.constant 3000 : i32
      %dma_start3A_23 = tpu.memref_slice %arg5[%dma_start3A] : memref<10000xf32, #tpu.memory_space<vmem>> -> memref<1000xf32, #tpu.memory_space<vmem>>
      %dma_start3A_24 = arith.constant 0 : i32
      %dma_start3A_25 = tpu.memref_slice %arg3[%run_scoped3A_15, %add3A, %dma_start3A_24] : memref<10x32x1000xf32, #tpu.memory_space<hbm>> -> memref<1x1x1000xf32, #tpu.memory_space<hbm>>
      %dma_start3A_26 = tpu.memref_squeeze %dma_start3A_25 : memref<1x1x1000xf32, #tpu.memory_space<hbm>> -> memref<1000xf32, #tpu.memory_space<hbm>>
      %dma_start3A_27 = arith.constant 0 : i32
      %dma_start3A_28 = tpu.memref_slice %arg3[%run_scoped3A_15, %add3A, %dma_start3A_27] : memref<10x32x1000xf32, #tpu.memory_space<hbm>> -> memref<1x1x1000xf32, #tpu.memory_space<hbm>>
      %dma_start3A_29 = tpu.memref_squeeze %dma_start3A_28 : memref<1x1x1000xf32, #tpu.memory_space<hbm>> -> memref<1000xf32, #tpu.memory_space<hbm>>
      %dma_start3A_30 = arith.constant 3000 : i32
      %dma_start3A_31 = tpu.memref_slice %arg5[%dma_start3A_30] : memref<10000xf32, #tpu.memory_space<vmem>> -> memref<1000xf32, #tpu.memory_space<vmem>>
      tpu.enqueue_dma source(%dma_start3A_31 : memref<1000xf32, #tpu.memory_space<vmem>>) target(%dma_start3A_29 : memref<1000xf32, #tpu.memory_space<hbm>>) target_semaphore(%run_scoped3A_22 : memref<!tpu.dma_semaphore, #tpu.memory_space<semaphore_mem>>)
      %dma_wait3A = arith.constant 3000 : i32
      %dma_wait3A_32 = tpu.memref_slice %arg5[%dma_wait3A] : memref<10000xf32, #tpu.memory_space<vmem>> -> memref<1000xf32, #tpu.memory_space<vmem>>
      %dma_wait3A_33 = arith.constant 0 : i32
      %dma_wait3A_34 = tpu.memref_slice %arg3[%run_scoped3A_15, %add3A, %dma_wait3A_33] : memref<10x32x1000xf32, #tpu.memory_space<hbm>> -> memref<1x1x1000xf32, #tpu.memory_space<hbm>>
      %dma_wait3A_35 = tpu.memref_squeeze %dma_wait3A_34 : memref<1x1x1000xf32, #tpu.memory_space<hbm>> -> memref<1000xf32, #tpu.memory_space<hbm>>
      %dma_wait3A_36 = arith.constant 0 : i32
      %dma_wait3A_37 = tpu.memref_slice %arg3[%run_scoped3A_15, %add3A, %dma_wait3A_36] : memref<10x32x1000xf32, #tpu.memory_space<hbm>> -> memref<1x1x1000xf32, #tpu.memory_space<hbm>>
      %dma_wait3A_38 = tpu.memref_squeeze %dma_wait3A_37 : memref<1x1x1000xf32, #tpu.memory_space<hbm>> -> memref<1000xf32, #tpu.memory_space<hbm>>
      %dma_wait3A_39 = arith.constant 3000 : i32
      %dma_wait3A_40 = tpu.memref_slice %arg5[%dma_wait3A_39] : memref<10000xf32, #tpu.memory_space<vmem>> -> memref<1000xf32, #tpu.memory_space<vmem>>
      tpu.wait_dma2 semaphore(%run_scoped3A_22 : memref<!tpu.dma_semaphore, #tpu.memory_space<semaphore_mem>>) src(%dma_wait3A_40 : memref<1000xf32, #tpu.memory_space<vmem>>) dst(%dma_wait3A_38 : memref<1000xf32, #tpu.memory_space<hbm>>)
      tpu.yield
    }) : () -> ()
    %run_scoped3A_16 = arith.constant 4 : i32
    "tpu.region"() ({
      %run_scoped3A_22 = tpu.sem_alloc : memref<!tpu.dma_semaphore, #tpu.memory_space<semaphore_mem>>
      %dma_start3A = arith.constant 4000 : i32
      %dma_start3A_23 = tpu.memref_slice %arg5[%dma_start3A] : memref<10000xf32, #tpu.memory_space<vmem>> -> memref<1000xf32, #tpu.memory_space<vmem>>
      %dma_start3A_24 = arith.constant 0 : i32
      %dma_start3A_25 = tpu.memref_slice %arg3[%run_scoped3A_16, %add3A, %dma_start3A_24] : memref<10x32x1000xf32, #tpu.memory_space<hbm>> -> memref<1x1x1000xf32, #tpu.memory_space<hbm>>
      %dma_start3A_26 = tpu.memref_squeeze %dma_start3A_25 : memref<1x1x1000xf32, #tpu.memory_space<hbm>> -> memref<1000xf32, #tpu.memory_space<hbm>>
      %dma_start3A_27 = arith.constant 0 : i32
      %dma_start3A_28 = tpu.memref_slice %arg3[%run_scoped3A_16, %add3A, %dma_start3A_27] : memref<10x32x1000xf32, #tpu.memory_space<hbm>> -> memref<1x1x1000xf32, #tpu.memory_space<hbm>>
      %dma_start3A_29 = tpu.memref_squeeze %dma_start3A_28 : memref<1x1x1000xf32, #tpu.memory_space<hbm>> -> memref<1000xf32, #tpu.memory_space<hbm>>
      %dma_start3A_30 = arith.constant 4000 : i32
      %dma_start3A_31 = tpu.memref_slice %arg5[%dma_start3A_30] : memref<10000xf32, #tpu.memory_space<vmem>> -> memref<1000xf32, #tpu.memory_space<vmem>>
      tpu.enqueue_dma source(%dma_start3A_31 : memref<1000xf32, #tpu.memory_space<vmem>>) target(%dma_start3A_29 : memref<1000xf32, #tpu.memory_space<hbm>>) target_semaphore(%run_scoped3A_22 : memref<!tpu.dma_semaphore, #tpu.memory_space<semaphore_mem>>)
      %dma_wait3A = arith.constant 4000 : i32
      %dma_wait3A_32 = tpu.memref_slice %arg5[%dma_wait3A] : memref<10000xf32, #tpu.memory_space<vmem>> -> memref<1000xf32, #tpu.memory_space<vmem>>
      %dma_wait3A_33 = arith.constant 0 : i32
      %dma_wait3A_34 = tpu.memref_slice %arg3[%run_scoped3A_16, %add3A, %dma_wait3A_33] : memref<10x32x1000xf32, #tpu.memory_space<hbm>> -> memref<1x1x1000xf32, #tpu.memory_space<hbm>>
      %dma_wait3A_35 = tpu.memref_squeeze %dma_wait3A_34 : memref<1x1x1000xf32, #tpu.memory_space<hbm>> -> memref<1000xf32, #tpu.memory_space<hbm>>
      %dma_wait3A_36 = arith.constant 0 : i32
      %dma_wait3A_37 = tpu.memref_slice %arg3[%run_scoped3A_16, %add3A, %dma_wait3A_36] : memref<10x32x1000xf32, #tpu.memory_space<hbm>> -> memref<1x1x1000xf32, #tpu.memory_space<hbm>>
      %dma_wait3A_38 = tpu.memref_squeeze %dma_wait3A_37 : memref<1x1x1000xf32, #tpu.memory_space<hbm>> -> memref<1000xf32, #tpu.memory_space<hbm>>
      %dma_wait3A_39 = arith.constant 4000 : i32
      %dma_wait3A_40 = tpu.memref_slice %arg5[%dma_wait3A_39] : memref<10000xf32, #tpu.memory_space<vmem>> -> memref<1000xf32, #tpu.memory_space<vmem>>
      tpu.wait_dma2 semaphore(%run_scoped3A_22 : memref<!tpu.dma_semaphore, #tpu.memory_space<semaphore_mem>>) src(%dma_wait3A_40 : memref<1000xf32, #tpu.memory_space<vmem>>) dst(%dma_wait3A_38 : memref<1000xf32, #tpu.memory_space<hbm>>)
      tpu.yield
    }) : () -> ()
    %run_scoped3A_17 = arith.constant 5 : i32
    "tpu.region"() ({
      %run_scoped3A_22 = tpu.sem_alloc : memref<!tpu.dma_semaphore, #tpu.memory_space<semaphore_mem>>
      %dma_start3A = arith.constant 5000 : i32
      %dma_start3A_23 = tpu.memref_slice %arg5[%dma_start3A] : memref<10000xf32, #tpu.memory_space<vmem>> -> memref<1000xf32, #tpu.memory_space<vmem>>
      %dma_start3A_24 = arith.constant 0 : i32
      %dma_start3A_25 = tpu.memref_slice %arg3[%run_scoped3A_17, %add3A, %dma_start3A_24] : memref<10x32x1000xf32, #tpu.memory_space<hbm>> -> memref<1x1x1000xf32, #tpu.memory_space<hbm>>
      %dma_start3A_26 = tpu.memref_squeeze %dma_start3A_25 : memref<1x1x1000xf32, #tpu.memory_space<hbm>> -> memref<1000xf32, #tpu.memory_space<hbm>>
      %dma_start3A_27 = arith.constant 0 : i32
      %dma_start3A_28 = tpu.memref_slice %arg3[%run_scoped3A_17, %add3A, %dma_start3A_27] : memref<10x32x1000xf32, #tpu.memory_space<hbm>> -> memref<1x1x1000xf32, #tpu.memory_space<hbm>>
      %dma_start3A_29 = tpu.memref_squeeze %dma_start3A_28 : memref<1x1x1000xf32, #tpu.memory_space<hbm>> -> memref<1000xf32, #tpu.memory_space<hbm>>
      %dma_start3A_30 = arith.constant 5000 : i32
      %dma_start3A_31 = tpu.memref_slice %arg5[%dma_start3A_30] : memref<10000xf32, #tpu.memory_space<vmem>> -> memref<1000xf32, #tpu.memory_space<vmem>>
      tpu.enqueue_dma source(%dma_start3A_31 : memref<1000xf32, #tpu.memory_space<vmem>>) target(%dma_start3A_29 : memref<1000xf32, #tpu.memory_space<hbm>>) target_semaphore(%run_scoped3A_22 : memref<!tpu.dma_semaphore, #tpu.memory_space<semaphore_mem>>)
      %dma_wait3A = arith.constant 5000 : i32
      %dma_wait3A_32 = tpu.memref_slice %arg5[%dma_wait3A] : memref<10000xf32, #tpu.memory_space<vmem>> -> memref<1000xf32, #tpu.memory_space<vmem>>
      %dma_wait3A_33 = arith.constant 0 : i32
      %dma_wait3A_34 = tpu.memref_slice %arg3[%run_scoped3A_17, %add3A, %dma_wait3A_33] : memref<10x32x1000xf32, #tpu.memory_space<hbm>> -> memref<1x1x1000xf32, #tpu.memory_space<hbm>>
      %dma_wait3A_35 = tpu.memref_squeeze %dma_wait3A_34 : memref<1x1x1000xf32, #tpu.memory_space<hbm>> -> memref<1000xf32, #tpu.memory_space<hbm>>
      %dma_wait3A_36 = arith.constant 0 : i32
      %dma_wait3A_37 = tpu.memref_slice %arg3[%run_scoped3A_17, %add3A, %dma_wait3A_36] : memref<10x32x1000xf32, #tpu.memory_space<hbm>> -> memref<1x1x1000xf32, #tpu.memory_space<hbm>>
      %dma_wait3A_38 = tpu.memref_squeeze %dma_wait3A_37 : memref<1x1x1000xf32, #tpu.memory_space<hbm>> -> memref<1000xf32, #tpu.memory_space<hbm>>
      %dma_wait3A_39 = arith.constant 5000 : i32
      %dma_wait3A_40 = tpu.memref_slice %arg5[%dma_wait3A_39] : memref<10000xf32, #tpu.memory_space<vmem>> -> memref<1000xf32, #tpu.memory_space<vmem>>
      tpu.wait_dma2 semaphore(%run_scoped3A_22 : memref<!tpu.dma_semaphore, #tpu.memory_space<semaphore_mem>>) src(%dma_wait3A_40 : memref<1000xf32, #tpu.memory_space<vmem>>) dst(%dma_wait3A_38 : memref<1000xf32, #tpu.memory_space<hbm>>)
      tpu.yield
    }) : () -> ()
    %run_scoped3A_18 = arith.constant 6 : i32
    "tpu.region"() ({
      %run_scoped3A_22 = tpu.sem_alloc : memref<!tpu.dma_semaphore, #tpu.memory_space<semaphore_mem>>
      %dma_start3A = arith.constant 6000 : i32
      %dma_start3A_23 = tpu.memref_slice %arg5[%dma_start3A] : memref<10000xf32, #tpu.memory_space<vmem>> -> memref<1000xf32, #tpu.memory_space<vmem>>
      %dma_start3A_24 = arith.constant 0 : i32
      %dma_start3A_25 = tpu.memref_slice %arg3[%run_scoped3A_18, %add3A, %dma_start3A_24] : memref<10x32x1000xf32, #tpu.memory_space<hbm>> -> memref<1x1x1000xf32, #tpu.memory_space<hbm>>
      %dma_start3A_26 = tpu.memref_squeeze %dma_start3A_25 : memref<1x1x1000xf32, #tpu.memory_space<hbm>> -> memref<1000xf32, #tpu.memory_space<hbm>>
      %dma_start3A_27 = arith.constant 0 : i32
      %dma_start3A_28 = tpu.memref_slice %arg3[%run_scoped3A_18, %add3A, %dma_start3A_27] : memref<10x32x1000xf32, #tpu.memory_space<hbm>> -> memref<1x1x1000xf32, #tpu.memory_space<hbm>>
      %dma_start3A_29 = tpu.memref_squeeze %dma_start3A_28 : memref<1x1x1000xf32, #tpu.memory_space<hbm>> -> memref<1000xf32, #tpu.memory_space<hbm>>
      %dma_start3A_30 = arith.constant 6000 : i32
      %dma_start3A_31 = tpu.memref_slice %arg5[%dma_start3A_30] : memref<10000xf32, #tpu.memory_space<vmem>> -> memref<1000xf32, #tpu.memory_space<vmem>>
      tpu.enqueue_dma source(%dma_start3A_31 : memref<1000xf32, #tpu.memory_space<vmem>>) target(%dma_start3A_29 : memref<1000xf32, #tpu.memory_space<hbm>>) target_semaphore(%run_scoped3A_22 : memref<!tpu.dma_semaphore, #tpu.memory_space<semaphore_mem>>)
      %dma_wait3A = arith.constant 6000 : i32
      %dma_wait3A_32 = tpu.memref_slice %arg5[%dma_wait3A] : memref<10000xf32, #tpu.memory_space<vmem>> -> memref<1000xf32, #tpu.memory_space<vmem>>
      %dma_wait3A_33 = arith.constant 0 : i32
      %dma_wait3A_34 = tpu.memref_slice %arg3[%run_scoped3A_18, %add3A, %dma_wait3A_33] : memref<10x32x1000xf32, #tpu.memory_space<hbm>> -> memref<1x1x1000xf32, #tpu.memory_space<hbm>>
      %dma_wait3A_35 = tpu.memref_squeeze %dma_wait3A_34 : memref<1x1x1000xf32, #tpu.memory_space<hbm>> -> memref<1000xf32, #tpu.memory_space<hbm>>
      %dma_wait3A_36 = arith.constant 0 : i32
      %dma_wait3A_37 = tpu.memref_slice %arg3[%run_scoped3A_18, %add3A, %dma_wait3A_36] : memref<10x32x1000xf32, #tpu.memory_space<hbm>> -> memref<1x1x1000xf32, #tpu.memory_space<hbm>>
      %dma_wait3A_38 = tpu.memref_squeeze %dma_wait3A_37 : memref<1x1x1000xf32, #tpu.memory_space<hbm>> -> memref<1000xf32, #tpu.memory_space<hbm>>
      %dma_wait3A_39 = arith.constant 6000 : i32
      %dma_wait3A_40 = tpu.memref_slice %arg5[%dma_wait3A_39] : memref<10000xf32, #tpu.memory_space<vmem>> -> memref<1000xf32, #tpu.memory_space<vmem>>
      tpu.wait_dma2 semaphore(%run_scoped3A_22 : memref<!tpu.dma_semaphore, #tpu.memory_space<semaphore_mem>>) src(%dma_wait3A_40 : memref<1000xf32, #tpu.memory_space<vmem>>) dst(%dma_wait3A_38 : memref<1000xf32, #tpu.memory_space<hbm>>)
      tpu.yield
    }) : () -> ()
    %run_scoped3A_19 = arith.constant 7 : i32
    "tpu.region"() ({
      %run_scoped3A_22 = tpu.sem_alloc : memref<!tpu.dma_semaphore, #tpu.memory_space<semaphore_mem>>
      %dma_start3A = arith.constant 7000 : i32
      %dma_start3A_23 = tpu.memref_slice %arg5[%dma_start3A] : memref<10000xf32, #tpu.memory_space<vmem>> -> memref<1000xf32, #tpu.memory_space<vmem>>
      %dma_start3A_24 = arith.constant 0 : i32
      %dma_start3A_25 = tpu.memref_slice %arg3[%run_scoped3A_19, %add3A, %dma_start3A_24] : memref<10x32x1000xf32, #tpu.memory_space<hbm>> -> memref<1x1x1000xf32, #tpu.memory_space<hbm>>
      %dma_start3A_26 = tpu.memref_squeeze %dma_start3A_25 : memref<1x1x1000xf32, #tpu.memory_space<hbm>> -> memref<1000xf32, #tpu.memory_space<hbm>>
      %dma_start3A_27 = arith.constant 0 : i32
      %dma_start3A_28 = tpu.memref_slice %arg3[%run_scoped3A_19, %add3A, %dma_start3A_27] : memref<10x32x1000xf32, #tpu.memory_space<hbm>> -> memref<1x1x1000xf32, #tpu.memory_space<hbm>>
      %dma_start3A_29 = tpu.memref_squeeze %dma_start3A_28 : memref<1x1x1000xf32, #tpu.memory_space<hbm>> -> memref<1000xf32, #tpu.memory_space<hbm>>
      %dma_start3A_30 = arith.constant 7000 : i32
      %dma_start3A_31 = tpu.memref_slice %arg5[%dma_start3A_30] : memref<10000xf32, #tpu.memory_space<vmem>> -> memref<1000xf32, #tpu.memory_space<vmem>>
      tpu.enqueue_dma source(%dma_start3A_31 : memref<1000xf32, #tpu.memory_space<vmem>>) target(%dma_start3A_29 : memref<1000xf32, #tpu.memory_space<hbm>>) target_semaphore(%run_scoped3A_22 : memref<!tpu.dma_semaphore, #tpu.memory_space<semaphore_mem>>)
      %dma_wait3A = arith.constant 7000 : i32
      %dma_wait3A_32 = tpu.memref_slice %arg5[%dma_wait3A] : memref<10000xf32, #tpu.memory_space<vmem>> -> memref<1000xf32, #tpu.memory_space<vmem>>
      %dma_wait3A_33 = arith.constant 0 : i32
      %dma_wait3A_34 = tpu.memref_slice %arg3[%run_scoped3A_19, %add3A, %dma_wait3A_33] : memref<10x32x1000xf32, #tpu.memory_space<hbm>> -> memref<1x1x1000xf32, #tpu.memory_space<hbm>>
      %dma_wait3A_35 = tpu.memref_squeeze %dma_wait3A_34 : memref<1x1x1000xf32, #tpu.memory_space<hbm>> -> memref<1000xf32, #tpu.memory_space<hbm>>
      %dma_wait3A_36 = arith.constant 0 : i32
      %dma_wait3A_37 = tpu.memref_slice %arg3[%run_scoped3A_19, %add3A, %dma_wait3A_36] : memref<10x32x1000xf32, #tpu.memory_space<hbm>> -> memref<1x1x1000xf32, #tpu.memory_space<hbm>>
      %dma_wait3A_38 = tpu.memref_squeeze %dma_wait3A_37 : memref<1x1x1000xf32, #tpu.memory_space<hbm>> -> memref<1000xf32, #tpu.memory_space<hbm>>
      %dma_wait3A_39 = arith.constant 7000 : i32
      %dma_wait3A_40 = tpu.memref_slice %arg5[%dma_wait3A_39] : memref<10000xf32, #tpu.memory_space<vmem>> -> memref<1000xf32, #tpu.memory_space<vmem>>
      tpu.wait_dma2 semaphore(%run_scoped3A_22 : memref<!tpu.dma_semaphore, #tpu.memory_space<semaphore_mem>>) src(%dma_wait3A_40 : memref<1000xf32, #tpu.memory_space<vmem>>) dst(%dma_wait3A_38 : memref<1000xf32, #tpu.memory_space<hbm>>)
      tpu.yield
    }) : () -> ()
    %run_scoped3A_20 = arith.constant 8 : i32
    "tpu.region"() ({
      %run_scoped3A_22 = tpu.sem_alloc : memref<!tpu.dma_semaphore, #tpu.memory_space<semaphore_mem>>
      %dma_start3A = arith.constant 8000 : i32
      %dma_start3A_23 = tpu.memref_slice %arg5[%dma_start3A] : memref<10000xf32, #tpu.memory_space<vmem>> -> memref<1000xf32, #tpu.memory_space<vmem>>
      %dma_start3A_24 = arith.constant 0 : i32
      %dma_start3A_25 = tpu.memref_slice %arg3[%run_scoped3A_20, %add3A, %dma_start3A_24] : memref<10x32x1000xf32, #tpu.memory_space<hbm>> -> memref<1x1x1000xf32, #tpu.memory_space<hbm>>
      %dma_start3A_26 = tpu.memref_squeeze %dma_start3A_25 : memref<1x1x1000xf32, #tpu.memory_space<hbm>> -> memref<1000xf32, #tpu.memory_space<hbm>>
      %dma_start3A_27 = arith.constant 0 : i32
      %dma_start3A_28 = tpu.memref_slice %arg3[%run_scoped3A_20, %add3A, %dma_start3A_27] : memref<10x32x1000xf32, #tpu.memory_space<hbm>> -> memref<1x1x1000xf32, #tpu.memory_space<hbm>>
      %dma_start3A_29 = tpu.memref_squeeze %dma_start3A_28 : memref<1x1x1000xf32, #tpu.memory_space<hbm>> -> memref<1000xf32, #tpu.memory_space<hbm>>
      %dma_start3A_30 = arith.constant 8000 : i32
      %dma_start3A_31 = tpu.memref_slice %arg5[%dma_start3A_30] : memref<10000xf32, #tpu.memory_space<vmem>> -> memref<1000xf32, #tpu.memory_space<vmem>>
      tpu.enqueue_dma source(%dma_start3A_31 : memref<1000xf32, #tpu.memory_space<vmem>>) target(%dma_start3A_29 : memref<1000xf32, #tpu.memory_space<hbm>>) target_semaphore(%run_scoped3A_22 : memref<!tpu.dma_semaphore, #tpu.memory_space<semaphore_mem>>)
      %dma_wait3A = arith.constant 8000 : i32
      %dma_wait3A_32 = tpu.memref_slice %arg5[%dma_wait3A] : memref<10000xf32, #tpu.memory_space<vmem>> -> memref<1000xf32, #tpu.memory_space<vmem>>
      %dma_wait3A_33 = arith.constant 0 : i32
      %dma_wait3A_34 = tpu.memref_slice %arg3[%run_scoped3A_20, %add3A, %dma_wait3A_33] : memref<10x32x1000xf32, #tpu.memory_space<hbm>> -> memref<1x1x1000xf32, #tpu.memory_space<hbm>>
      %dma_wait3A_35 = tpu.memref_squeeze %dma_wait3A_34 : memref<1x1x1000xf32, #tpu.memory_space<hbm>> -> memref<1000xf32, #tpu.memory_space<hbm>>
      %dma_wait3A_36 = arith.constant 0 : i32
      %dma_wait3A_37 = tpu.memref_slice %arg3[%run_scoped3A_20, %add3A, %dma_wait3A_36] : memref<10x32x1000xf32, #tpu.memory_space<hbm>> -> memref<1x1x1000xf32, #tpu.memory_space<hbm>>
      %dma_wait3A_38 = tpu.memref_squeeze %dma_wait3A_37 : memref<1x1x1000xf32, #tpu.memory_space<hbm>> -> memref<1000xf32, #tpu.memory_space<hbm>>
      %dma_wait3A_39 = arith.constant 8000 : i32
      %dma_wait3A_40 = tpu.memref_slice %arg5[%dma_wait3A_39] : memref<10000xf32, #tpu.memory_space<vmem>> -> memref<1000xf32, #tpu.memory_space<vmem>>
      tpu.wait_dma2 semaphore(%run_scoped3A_22 : memref<!tpu.dma_semaphore, #tpu.memory_space<semaphore_mem>>) src(%dma_wait3A_40 : memref<1000xf32, #tpu.memory_space<vmem>>) dst(%dma_wait3A_38 : memref<1000xf32, #tpu.memory_space<hbm>>)
      tpu.yield
    }) : () -> ()
    %run_scoped3A_21 = arith.constant 9 : i32
    "tpu.region"() ({
      %run_scoped3A_22 = tpu.sem_alloc : memref<!tpu.dma_semaphore, #tpu.memory_space<semaphore_mem>>
      %dma_start3A = arith.constant 9000 : i32
      %dma_start3A_23 = tpu.memref_slice %arg5[%dma_start3A] : memref<10000xf32, #tpu.memory_space<vmem>> -> memref<1000xf32, #tpu.memory_space<vmem>>
      %dma_start3A_24 = arith.constant 0 : i32
      %dma_start3A_25 = tpu.memref_slice %arg3[%run_scoped3A_21, %add3A, %dma_start3A_24] : memref<10x32x1000xf32, #tpu.memory_space<hbm>> -> memref<1x1x1000xf32, #tpu.memory_space<hbm>>
      %dma_start3A_26 = tpu.memref_squeeze %dma_start3A_25 : memref<1x1x1000xf32, #tpu.memory_space<hbm>> -> memref<1000xf32, #tpu.memory_space<hbm>>
      %dma_start3A_27 = arith.constant 0 : i32
      %dma_start3A_28 = tpu.memref_slice %arg3[%run_scoped3A_21, %add3A, %dma_start3A_27] : memref<10x32x1000xf32, #tpu.memory_space<hbm>> -> memref<1x1x1000xf32, #tpu.memory_space<hbm>>
      %dma_start3A_29 = tpu.memref_squeeze %dma_start3A_28 : memref<1x1x1000xf32, #tpu.memory_space<hbm>> -> memref<1000xf32, #tpu.memory_space<hbm>>
      %dma_start3A_30 = arith.constant 9000 : i32
      %dma_start3A_31 = tpu.memref_slice %arg5[%dma_start3A_30] : memref<10000xf32, #tpu.memory_space<vmem>> -> memref<1000xf32, #tpu.memory_space<vmem>>
      tpu.enqueue_dma source(%dma_start3A_31 : memref<1000xf32, #tpu.memory_space<vmem>>) target(%dma_start3A_29 : memref<1000xf32, #tpu.memory_space<hbm>>) target_semaphore(%run_scoped3A_22 : memref<!tpu.dma_semaphore, #tpu.memory_space<semaphore_mem>>)
      %dma_wait3A = arith.constant 9000 : i32
      %dma_wait3A_32 = tpu.memref_slice %arg5[%dma_wait3A] : memref<10000xf32, #tpu.memory_space<vmem>> -> memref<1000xf32, #tpu.memory_space<vmem>>
      %dma_wait3A_33 = arith.constant 0 : i32
      %dma_wait3A_34 = tpu.memref_slice %arg3[%run_scoped3A_21, %add3A, %dma_wait3A_33] : memref<10x32x1000xf32, #tpu.memory_space<hbm>> -> memref<1x1x1000xf32, #tpu.memory_space<hbm>>
      %dma_wait3A_35 = tpu.memref_squeeze %dma_wait3A_34 : memref<1x1x1000xf32, #tpu.memory_space<hbm>> -> memref<1000xf32, #tpu.memory_space<hbm>>
      %dma_wait3A_36 = arith.constant 0 : i32
      %dma_wait3A_37 = tpu.memref_slice %arg3[%run_scoped3A_21, %add3A, %dma_wait3A_36] : memref<10x32x1000xf32, #tpu.memory_space<hbm>> -> memref<1x1x1000xf32, #tpu.memory_space<hbm>>
      %dma_wait3A_38 = tpu.memref_squeeze %dma_wait3A_37 : memref<1x1x1000xf32, #tpu.memory_space<hbm>> -> memref<1000xf32, #tpu.memory_space<hbm>>
      %dma_wait3A_39 = arith.constant 9000 : i32
      %dma_wait3A_40 = tpu.memref_slice %arg5[%dma_wait3A_39] : memref<10000xf32, #tpu.memory_space<vmem>> -> memref<1000xf32, #tpu.memory_space<vmem>>
      tpu.wait_dma2 semaphore(%run_scoped3A_22 : memref<!tpu.dma_semaphore, #tpu.memory_space<semaphore_mem>>) src(%dma_wait3A_40 : memref<1000xf32, #tpu.memory_space<vmem>>) dst(%dma_wait3A_38 : memref<1000xf32, #tpu.memory_space<hbm>>)
      tpu.yield
    }) : () -> ()
    return
  }
}

#map = affine_map<(d0, d1) -> (0, 0)>
#map1 = affine_map<(d0, d1) -> (0, 0, 0)>
module attributes {stable_mosaic.version = 14 : i64} {
  func.func @_agg_kernel_body(%arg0: i32, %arg1: i32, %arg2: memref<10000x128xf32, #tpu.memory_space<hbm>>, %arg3: memref<32x146x72xi32, #tpu.memory_space<hbm>>, %arg4: memref<32x146x72xi32, #tpu.memory_space<hbm>>, %arg5: memref<2x10000x128xf32, #tpu.memory_space<hbm>>, %arg6: memref<146x72xi32, #tpu.memory_space<vmem>>, %arg7: memref<146x72xi32, #tpu.memory_space<vmem>>, %arg8: memref<2x72x128xf32, #tpu.memory_space<vmem>>, %arg9: memref<10016x128xf32, #tpu.memory_space<vmem_shared>>, %arg10: memref<!tpu.dma_semaphore, #tpu.memory_space<semaphore_mem>>, %arg11: memref<!tpu.dma_semaphore, #tpu.memory_space<semaphore_mem>>, %arg12: memref<!tpu.dma_semaphore, #tpu.memory_space<semaphore_mem>>, %arg13: memref<!tpu.dma_semaphore, #tpu.memory_space<semaphore_mem>>) attributes {dimension_semantics = [#tpu.dimension_semantics<core_parallel>, #tpu.dimension_semantics<subcore_parallel>], iteration_bounds = array<i64: 2, 16>, scalar_prefetch = 0 : i64, scratch_operands = 8 : i64, tpu.core_type = #tpu.core_type<sc_vector_subcore>, window_params = [{transform_indices = #map}, {transform_indices = #map1}, {transform_indices = #map1}, {transform_indices = #map1}]} {
    %mul3A = arith.constant 16 : i32
    %mul3A_0 = arith.muli %arg0, %mul3A : i32
    %add3A = arith.addi %mul3A_0, %arg1 : i32
    %mul3A_1 = arith.constant 625 : i32
    %mul3A_2 = arith.muli %arg1, %mul3A_1 : i32
    %eq3A = arith.constant 0 : i32
    %eq3A_3 = arith.cmpi eq, %arg0, %eq3A : i32
    %jit3A = arith.constant 146 : i32
    %jit3A_4 = arith.constant 132 : i32
    %select_n3A = arith.select %eq3A_3, %jit3A, %jit3A_4 : i32
    "tpu.region"() ({
      %run_scoped3A = tpu.sem_alloc : memref<!tpu.dma_semaphore, #tpu.memory_space<semaphore_mem>>
      %dma_start3A_57 = arith.constant 0 : i32
      %dma_start3A_58 = tpu.memref_slice %arg9[%mul3A_2, %dma_start3A_57] : memref<10016x128xf32, #tpu.memory_space<vmem_shared>> -> memref<625x128xf32, #tpu.memory_space<vmem_shared>>
      %dma_start3A_59 = arith.constant 0 : i32
      %dma_start3A_60 = tpu.memref_slice %arg2[%mul3A_2, %dma_start3A_59] : memref<10000x128xf32, #tpu.memory_space<hbm>> -> memref<625x128xf32, #tpu.memory_space<hbm>>
      tpu.enqueue_dma source(%dma_start3A_60 : memref<625x128xf32, #tpu.memory_space<hbm>>) target(%dma_start3A_58 : memref<625x128xf32, #tpu.memory_space<vmem_shared>>) target_semaphore(%run_scoped3A : memref<!tpu.dma_semaphore, #tpu.memory_space<semaphore_mem>>)
      %dma_wait3A_61 = arith.constant 0 : i32
      %dma_wait3A_62 = tpu.memref_slice %arg9[%mul3A_2, %dma_wait3A_61] : memref<10016x128xf32, #tpu.memory_space<vmem_shared>> -> memref<625x128xf32, #tpu.memory_space<vmem_shared>>
      %dma_wait3A_63 = arith.constant 0 : i32
      %dma_wait3A_64 = tpu.memref_slice %arg2[%mul3A_2, %dma_wait3A_63] : memref<10000x128xf32, #tpu.memory_space<hbm>> -> memref<625x128xf32, #tpu.memory_space<hbm>>
      tpu.wait_dma2 semaphore(%run_scoped3A : memref<!tpu.dma_semaphore, #tpu.memory_space<semaphore_mem>>) src(%dma_wait3A_64 : memref<625x128xf32, #tpu.memory_space<hbm>>) dst(%dma_wait3A_62 : memref<625x128xf32, #tpu.memory_space<vmem_shared>>)
      tpu.yield
    }) : () -> ()
    "tpu.region"() ({
      %run_scoped3A = tpu.sem_alloc : memref<!tpu.dma_semaphore, #tpu.memory_space<semaphore_mem>>
      %dma_start3A_57 = arith.constant 0 : i32
      %dma_start3A_58 = arith.constant 0 : i32
      %dma_start3A_59 = tpu.memref_slice %arg6[%dma_start3A_57, %dma_start3A_58] : memref<146x72xi32, #tpu.memory_space<vmem>> -> memref<132x72xi32, #tpu.memory_space<vmem>>
      %dma_start3A_60 = arith.constant 0 : i32
      %dma_start3A_61 = arith.constant 0 : i32
      %dma_start3A_62 = tpu.memref_slice %arg3[%add3A, %dma_start3A_60, %dma_start3A_61] : memref<32x146x72xi32, #tpu.memory_space<hbm>> -> memref<1x132x72xi32, #tpu.memory_space<hbm>>
      %dma_start3A_63 = tpu.memref_squeeze %dma_start3A_62 : memref<1x132x72xi32, #tpu.memory_space<hbm>> -> memref<132x72xi32, #tpu.memory_space<hbm>>
      %dma_start3A_64 = arith.constant 0 : i32
      %dma_start3A_65 = arith.constant 0 : i32
      %dma_start3A_66 = tpu.memref_slice %arg6[%dma_start3A_64, %dma_start3A_65] : memref<146x72xi32, #tpu.memory_space<vmem>> -> memref<132x72xi32, #tpu.memory_space<vmem>>
      %dma_start3A_67 = arith.constant 0 : i32
      %dma_start3A_68 = arith.constant 0 : i32
      %dma_start3A_69 = tpu.memref_slice %arg3[%add3A, %dma_start3A_67, %dma_start3A_68] : memref<32x146x72xi32, #tpu.memory_space<hbm>> -> memref<1x132x72xi32, #tpu.memory_space<hbm>>
      %dma_start3A_70 = tpu.memref_squeeze %dma_start3A_69 : memref<1x132x72xi32, #tpu.memory_space<hbm>> -> memref<132x72xi32, #tpu.memory_space<hbm>>
      tpu.enqueue_dma source(%dma_start3A_70 : memref<132x72xi32, #tpu.memory_space<hbm>>) target(%dma_start3A_66 : memref<132x72xi32, #tpu.memory_space<vmem>>) target_semaphore(%run_scoped3A : memref<!tpu.dma_semaphore, #tpu.memory_space<semaphore_mem>>)
      %dma_wait3A_71 = arith.constant 0 : i32
      %dma_wait3A_72 = arith.constant 0 : i32
      %dma_wait3A_73 = tpu.memref_slice %arg6[%dma_wait3A_71, %dma_wait3A_72] : memref<146x72xi32, #tpu.memory_space<vmem>> -> memref<132x72xi32, #tpu.memory_space<vmem>>
      %dma_wait3A_74 = arith.constant 0 : i32
      %dma_wait3A_75 = arith.constant 0 : i32
      %dma_wait3A_76 = tpu.memref_slice %arg3[%add3A, %dma_wait3A_74, %dma_wait3A_75] : memref<32x146x72xi32, #tpu.memory_space<hbm>> -> memref<1x132x72xi32, #tpu.memory_space<hbm>>
      %dma_wait3A_77 = tpu.memref_squeeze %dma_wait3A_76 : memref<1x132x72xi32, #tpu.memory_space<hbm>> -> memref<132x72xi32, #tpu.memory_space<hbm>>
      %dma_wait3A_78 = arith.constant 0 : i32
      %dma_wait3A_79 = arith.constant 0 : i32
      %dma_wait3A_80 = tpu.memref_slice %arg6[%dma_wait3A_78, %dma_wait3A_79] : memref<146x72xi32, #tpu.memory_space<vmem>> -> memref<132x72xi32, #tpu.memory_space<vmem>>
      %dma_wait3A_81 = arith.constant 0 : i32
      %dma_wait3A_82 = arith.constant 0 : i32
      %dma_wait3A_83 = tpu.memref_slice %arg3[%add3A, %dma_wait3A_81, %dma_wait3A_82] : memref<32x146x72xi32, #tpu.memory_space<hbm>> -> memref<1x132x72xi32, #tpu.memory_space<hbm>>
      %dma_wait3A_84 = tpu.memref_squeeze %dma_wait3A_83 : memref<1x132x72xi32, #tpu.memory_space<hbm>> -> memref<132x72xi32, #tpu.memory_space<hbm>>
      tpu.wait_dma2 semaphore(%run_scoped3A : memref<!tpu.dma_semaphore, #tpu.memory_space<semaphore_mem>>) src(%dma_wait3A_84 : memref<132x72xi32, #tpu.memory_space<hbm>>) dst(%dma_wait3A_80 : memref<132x72xi32, #tpu.memory_space<vmem>>)
      tpu.yield
    }) : () -> ()
    "tpu.region"() ({
      %run_scoped3A = tpu.sem_alloc : memref<!tpu.dma_semaphore, #tpu.memory_space<semaphore_mem>>
      %dma_start3A_57 = arith.constant 0 : i32
      %dma_start3A_58 = arith.constant 0 : i32
      %dma_start3A_59 = tpu.memref_slice %arg7[%dma_start3A_57, %dma_start3A_58] : memref<146x72xi32, #tpu.memory_space<vmem>> -> memref<132x72xi32, #tpu.memory_space<vmem>>
      %dma_start3A_60 = arith.constant 0 : i32
      %dma_start3A_61 = arith.constant 0 : i32
      %dma_start3A_62 = tpu.memref_slice %arg4[%add3A, %dma_start3A_60, %dma_start3A_61] : memref<32x146x72xi32, #tpu.memory_space<hbm>> -> memref<1x132x72xi32, #tpu.memory_space<hbm>>
      %dma_start3A_63 = tpu.memref_squeeze %dma_start3A_62 : memref<1x132x72xi32, #tpu.memory_space<hbm>> -> memref<132x72xi32, #tpu.memory_space<hbm>>
      %dma_start3A_64 = arith.constant 0 : i32
      %dma_start3A_65 = arith.constant 0 : i32
      %dma_start3A_66 = tpu.memref_slice %arg7[%dma_start3A_64, %dma_start3A_65] : memref<146x72xi32, #tpu.memory_space<vmem>> -> memref<132x72xi32, #tpu.memory_space<vmem>>
      %dma_start3A_67 = arith.constant 0 : i32
      %dma_start3A_68 = arith.constant 0 : i32
      %dma_start3A_69 = tpu.memref_slice %arg4[%add3A, %dma_start3A_67, %dma_start3A_68] : memref<32x146x72xi32, #tpu.memory_space<hbm>> -> memref<1x132x72xi32, #tpu.memory_space<hbm>>
      %dma_start3A_70 = tpu.memref_squeeze %dma_start3A_69 : memref<1x132x72xi32, #tpu.memory_space<hbm>> -> memref<132x72xi32, #tpu.memory_space<hbm>>
      tpu.enqueue_dma source(%dma_start3A_70 : memref<132x72xi32, #tpu.memory_space<hbm>>) target(%dma_start3A_66 : memref<132x72xi32, #tpu.memory_space<vmem>>) target_semaphore(%run_scoped3A : memref<!tpu.dma_semaphore, #tpu.memory_space<semaphore_mem>>)
      %dma_wait3A_71 = arith.constant 0 : i32
      %dma_wait3A_72 = arith.constant 0 : i32
      %dma_wait3A_73 = tpu.memref_slice %arg7[%dma_wait3A_71, %dma_wait3A_72] : memref<146x72xi32, #tpu.memory_space<vmem>> -> memref<132x72xi32, #tpu.memory_space<vmem>>
      %dma_wait3A_74 = arith.constant 0 : i32
      %dma_wait3A_75 = arith.constant 0 : i32
      %dma_wait3A_76 = tpu.memref_slice %arg4[%add3A, %dma_wait3A_74, %dma_wait3A_75] : memref<32x146x72xi32, #tpu.memory_space<hbm>> -> memref<1x132x72xi32, #tpu.memory_space<hbm>>
      %dma_wait3A_77 = tpu.memref_squeeze %dma_wait3A_76 : memref<1x132x72xi32, #tpu.memory_space<hbm>> -> memref<132x72xi32, #tpu.memory_space<hbm>>
      %dma_wait3A_78 = arith.constant 0 : i32
      %dma_wait3A_79 = arith.constant 0 : i32
      %dma_wait3A_80 = tpu.memref_slice %arg7[%dma_wait3A_78, %dma_wait3A_79] : memref<146x72xi32, #tpu.memory_space<vmem>> -> memref<132x72xi32, #tpu.memory_space<vmem>>
      %dma_wait3A_81 = arith.constant 0 : i32
      %dma_wait3A_82 = arith.constant 0 : i32
      %dma_wait3A_83 = tpu.memref_slice %arg4[%add3A, %dma_wait3A_81, %dma_wait3A_82] : memref<32x146x72xi32, #tpu.memory_space<hbm>> -> memref<1x132x72xi32, #tpu.memory_space<hbm>>
      %dma_wait3A_84 = tpu.memref_squeeze %dma_wait3A_83 : memref<1x132x72xi32, #tpu.memory_space<hbm>> -> memref<132x72xi32, #tpu.memory_space<hbm>>
      tpu.wait_dma2 semaphore(%run_scoped3A : memref<!tpu.dma_semaphore, #tpu.memory_space<semaphore_mem>>) src(%dma_wait3A_84 : memref<132x72xi32, #tpu.memory_space<hbm>>) dst(%dma_wait3A_80 : memref<132x72xi32, #tpu.memory_space<vmem>>)
      tpu.yield
    }) : () -> ()
    %eq3A_5 = arith.constant 0 : i32
    %eq3A_6 = arith.cmpi eq, %arg0, %eq3A_5 : i32
    %convert_element_type3A = arith.extui %eq3A_6 : i1 to i32
    %cond3A = arith.constant 0 : i32
    %cond3A_7 = arith.cmpi ne, %convert_element_type3A, %cond3A : i32
    scf.if %cond3A_7 {
      "tpu.region"() ({
        %run_scoped3A = tpu.sem_alloc : memref<!tpu.dma_semaphore, #tpu.memory_space<semaphore_mem>>
        %dma_start3A_57 = arith.constant 132 : i32
        %dma_start3A_58 = arith.constant 0 : i32
        %dma_start3A_59 = tpu.memref_slice %arg6[%dma_start3A_57, %dma_start3A_58] : memref<146x72xi32, #tpu.memory_space<vmem>> -> memref<14x72xi32, #tpu.memory_space<vmem>>
        %dma_start3A_60 = arith.constant 132 : i32
        %dma_start3A_61 = arith.constant 0 : i32
        %dma_start3A_62 = tpu.memref_slice %arg3[%add3A, %dma_start3A_60, %dma_start3A_61] : memref<32x146x72xi32, #tpu.memory_space<hbm>> -> memref<1x14x72xi32, #tpu.memory_space<hbm>>
        %dma_start3A_63 = tpu.memref_squeeze %dma_start3A_62 : memref<1x14x72xi32, #tpu.memory_space<hbm>> -> memref<14x72xi32, #tpu.memory_space<hbm>>
        %dma_start3A_64 = arith.constant 132 : i32
        %dma_start3A_65 = arith.constant 0 : i32
        %dma_start3A_66 = tpu.memref_slice %arg6[%dma_start3A_64, %dma_start3A_65] : memref<146x72xi32, #tpu.memory_space<vmem>> -> memref<14x72xi32, #tpu.memory_space<vmem>>
        %dma_start3A_67 = arith.constant 132 : i32
        %dma_start3A_68 = arith.constant 0 : i32
        %dma_start3A_69 = tpu.memref_slice %arg3[%add3A, %dma_start3A_67, %dma_start3A_68] : memref<32x146x72xi32, #tpu.memory_space<hbm>> -> memref<1x14x72xi32, #tpu.memory_space<hbm>>
        %dma_start3A_70 = tpu.memref_squeeze %dma_start3A_69 : memref<1x14x72xi32, #tpu.memory_space<hbm>> -> memref<14x72xi32, #tpu.memory_space<hbm>>
        tpu.enqueue_dma source(%dma_start3A_70 : memref<14x72xi32, #tpu.memory_space<hbm>>) target(%dma_start3A_66 : memref<14x72xi32, #tpu.memory_space<vmem>>) target_semaphore(%run_scoped3A : memref<!tpu.dma_semaphore, #tpu.memory_space<semaphore_mem>>)
        %dma_wait3A_71 = arith.constant 132 : i32
        %dma_wait3A_72 = arith.constant 0 : i32
        %dma_wait3A_73 = tpu.memref_slice %arg6[%dma_wait3A_71, %dma_wait3A_72] : memref<146x72xi32, #tpu.memory_space<vmem>> -> memref<14x72xi32, #tpu.memory_space<vmem>>
        %dma_wait3A_74 = arith.constant 132 : i32
        %dma_wait3A_75 = arith.constant 0 : i32
        %dma_wait3A_76 = tpu.memref_slice %arg3[%add3A, %dma_wait3A_74, %dma_wait3A_75] : memref<32x146x72xi32, #tpu.memory_space<hbm>> -> memref<1x14x72xi32, #tpu.memory_space<hbm>>
        %dma_wait3A_77 = tpu.memref_squeeze %dma_wait3A_76 : memref<1x14x72xi32, #tpu.memory_space<hbm>> -> memref<14x72xi32, #tpu.memory_space<hbm>>
        %dma_wait3A_78 = arith.constant 132 : i32
        %dma_wait3A_79 = arith.constant 0 : i32
        %dma_wait3A_80 = tpu.memref_slice %arg6[%dma_wait3A_78, %dma_wait3A_79] : memref<146x72xi32, #tpu.memory_space<vmem>> -> memref<14x72xi32, #tpu.memory_space<vmem>>
        %dma_wait3A_81 = arith.constant 132 : i32
        %dma_wait3A_82 = arith.constant 0 : i32
        %dma_wait3A_83 = tpu.memref_slice %arg3[%add3A, %dma_wait3A_81, %dma_wait3A_82] : memref<32x146x72xi32, #tpu.memory_space<hbm>> -> memref<1x14x72xi32, #tpu.memory_space<hbm>>
        %dma_wait3A_84 = tpu.memref_squeeze %dma_wait3A_83 : memref<1x14x72xi32, #tpu.memory_space<hbm>> -> memref<14x72xi32, #tpu.memory_space<hbm>>
        tpu.wait_dma2 semaphore(%run_scoped3A : memref<!tpu.dma_semaphore, #tpu.memory_space<semaphore_mem>>) src(%dma_wait3A_84 : memref<14x72xi32, #tpu.memory_space<hbm>>) dst(%dma_wait3A_80 : memref<14x72xi32, #tpu.memory_space<vmem>>)
        tpu.yield
      }) : () -> ()
      "tpu.region"() ({
        %run_scoped3A = tpu.sem_alloc : memref<!tpu.dma_semaphore, #tpu.memory_space<semaphore_mem>>
        %dma_start3A_57 = arith.constant 132 : i32
        %dma_start3A_58 = arith.constant 0 : i32
        %dma_start3A_59 = tpu.memref_slice %arg7[%dma_start3A_57, %dma_start3A_58] : memref<146x72xi32, #tpu.memory_space<vmem>> -> memref<14x72xi32, #tpu.memory_space<vmem>>
        %dma_start3A_60 = arith.constant 132 : i32
        %dma_start3A_61 = arith.constant 0 : i32
        %dma_start3A_62 = tpu.memref_slice %arg4[%add3A, %dma_start3A_60, %dma_start3A_61] : memref<32x146x72xi32, #tpu.memory_space<hbm>> -> memref<1x14x72xi32, #tpu.memory_space<hbm>>
        %dma_start3A_63 = tpu.memref_squeeze %dma_start3A_62 : memref<1x14x72xi32, #tpu.memory_space<hbm>> -> memref<14x72xi32, #tpu.memory_space<hbm>>
        %dma_start3A_64 = arith.constant 132 : i32
        %dma_start3A_65 = arith.constant 0 : i32
        %dma_start3A_66 = tpu.memref_slice %arg7[%dma_start3A_64, %dma_start3A_65] : memref<146x72xi32, #tpu.memory_space<vmem>> -> memref<14x72xi32, #tpu.memory_space<vmem>>
        %dma_start3A_67 = arith.constant 132 : i32
        %dma_start3A_68 = arith.constant 0 : i32
        %dma_start3A_69 = tpu.memref_slice %arg4[%add3A, %dma_start3A_67, %dma_start3A_68] : memref<32x146x72xi32, #tpu.memory_space<hbm>> -> memref<1x14x72xi32, #tpu.memory_space<hbm>>
        %dma_start3A_70 = tpu.memref_squeeze %dma_start3A_69 : memref<1x14x72xi32, #tpu.memory_space<hbm>> -> memref<14x72xi32, #tpu.memory_space<hbm>>
        tpu.enqueue_dma source(%dma_start3A_70 : memref<14x72xi32, #tpu.memory_space<hbm>>) target(%dma_start3A_66 : memref<14x72xi32, #tpu.memory_space<vmem>>) target_semaphore(%run_scoped3A : memref<!tpu.dma_semaphore, #tpu.memory_space<semaphore_mem>>)
        %dma_wait3A_71 = arith.constant 132 : i32
        %dma_wait3A_72 = arith.constant 0 : i32
        %dma_wait3A_73 = tpu.memref_slice %arg7[%dma_wait3A_71, %dma_wait3A_72] : memref<146x72xi32, #tpu.memory_space<vmem>> -> memref<14x72xi32, #tpu.memory_space<vmem>>
        %dma_wait3A_74 = arith.constant 132 : i32
        %dma_wait3A_75 = arith.constant 0 : i32
        %dma_wait3A_76 = tpu.memref_slice %arg4[%add3A, %dma_wait3A_74, %dma_wait3A_75] : memref<32x146x72xi32, #tpu.memory_space<hbm>> -> memref<1x14x72xi32, #tpu.memory_space<hbm>>
        %dma_wait3A_77 = tpu.memref_squeeze %dma_wait3A_76 : memref<1x14x72xi32, #tpu.memory_space<hbm>> -> memref<14x72xi32, #tpu.memory_space<hbm>>
        %dma_wait3A_78 = arith.constant 132 : i32
        %dma_wait3A_79 = arith.constant 0 : i32
        %dma_wait3A_80 = tpu.memref_slice %arg7[%dma_wait3A_78, %dma_wait3A_79] : memref<146x72xi32, #tpu.memory_space<vmem>> -> memref<14x72xi32, #tpu.memory_space<vmem>>
        %dma_wait3A_81 = arith.constant 132 : i32
        %dma_wait3A_82 = arith.constant 0 : i32
        %dma_wait3A_83 = tpu.memref_slice %arg4[%add3A, %dma_wait3A_81, %dma_wait3A_82] : memref<32x146x72xi32, #tpu.memory_space<hbm>> -> memref<1x14x72xi32, #tpu.memory_space<hbm>>
        %dma_wait3A_84 = tpu.memref_squeeze %dma_wait3A_83 : memref<1x14x72xi32, #tpu.memory_space<hbm>> -> memref<14x72xi32, #tpu.memory_space<hbm>>
        tpu.wait_dma2 semaphore(%run_scoped3A : memref<!tpu.dma_semaphore, #tpu.memory_space<semaphore_mem>>) src(%dma_wait3A_84 : memref<14x72xi32, #tpu.memory_space<hbm>>) dst(%dma_wait3A_80 : memref<14x72xi32, #tpu.memory_space<vmem>>)
        tpu.yield
      }) : () -> ()
    } else {
    }
    %barrier3A = arith.constant 0 : index
    tpu.barrier barrier_id(%barrier3A)
    %dma_start3A = arith.constant 0 : i32
    %dma_start3A_8 = arith.constant 0 : i32
    %dma_start3A_9 = arith.constant 0 : i32
    %dma_start3A_10 = arith.constant 0 : i32
    %dma_start3A_11 = tpu.memref_slice %arg8[%dma_start3A_8, %dma_start3A_9, %dma_start3A_10] : memref<2x72x128xf32, #tpu.memory_space<vmem>> -> memref<1x72x128xf32, #tpu.memory_space<vmem>>
    %dma_start3A_12 = tpu.memref_squeeze %dma_start3A_11 : memref<1x72x128xf32, #tpu.memory_space<vmem>> -> memref<72x128xf32, #tpu.memory_space<vmem>>
    %dma_start3A_13 = arith.constant 0 : i32
    %dma_start3A_14 = tpu.memref_slice %arg6[%dma_start3A, %dma_start3A_13] : memref<146x72xi32, #tpu.memory_space<vmem>> -> memref<1x72xi32, #tpu.memory_space<vmem>>
    %dma_start3A_15 = tpu.memref_squeeze %dma_start3A_14 : memref<1x72xi32, #tpu.memory_space<vmem>> -> memref<72xi32, #tpu.memory_space<vmem>>
    %dma_start3A_16 = arith.constant 0 : i32
    %dma_start3A_17 = arith.constant 0 : i32
    %dma_start3A_18 = tpu.memref_slice %arg2[%dma_start3A_16, %dma_start3A_17] : memref<10000x128xf32, #tpu.memory_space<hbm>> -> memref<10000x128xf32, #tpu.memory_space<hbm>>
    tpu.enqueue_indirect_dma source(%dma_start3A_18 : memref<10000x128xf32, #tpu.memory_space<hbm>>) target(%dma_start3A_12 : memref<72x128xf32, #tpu.memory_space<vmem>>) offsets(%dma_start3A_15 : memref<72xi32, #tpu.memory_space<vmem>>) semaphore(%arg10 : memref<!tpu.dma_semaphore, #tpu.memory_space<semaphore_mem>>)
    %eq3A_19 = arith.constant 0 : i32
    %eq3A_20 = arith.cmpi eq, %arg0, %eq3A_19 : i32
    %jit3A_21 = arith.constant 73 : i32
    %jit3A_22 = arith.constant 66 : i32
    %select_n3A_23 = arith.select %eq3A_20, %jit3A_21, %jit3A_22 : i32
    %while3A = arith.constant 0 : i32
    %while3A_24 = arith.subi %select_n3A_23, %while3A : i32
    %while3A_25 = arith.addi %while3A, %while3A_24 : i32
    %while3A_26 = arith.constant 1 : i32
    %while3A_27 = arith.divsi %while3A_24, %while3A_26 : i32
    %while3A_28 = arith.muli %while3A_27, %while3A_26 : i32
    %while3A_29 = arith.addi %while3A, %while3A_28 : i32
    %while3A_30 = arith.constant 1 : i32
    scf.for %while3A_57 = %while3A to %while3A_29 step %while3A_30  : i32 {
      %mul3A_58 = arith.constant 2 : i32
      %mul3A_59 = arith.muli %while3A_57, %mul3A_58 : i32
      %add3A_60 = arith.constant 0 : i32
      %add3A_61 = arith.addi %mul3A_59, %add3A_60 : i32
      %dma_wait3A_62 = arith.constant 0 : i32
      %dma_wait3A_63 = arith.constant 0 : i32
      %dma_wait3A_64 = arith.constant 0 : i32
      %dma_wait3A_65 = tpu.memref_slice %arg8[%dma_wait3A_62, %dma_wait3A_63, %dma_wait3A_64] : memref<2x72x128xf32, #tpu.memory_space<vmem>> -> memref<1x72x128xf32, #tpu.memory_space<vmem>>
      %dma_wait3A_66 = tpu.memref_squeeze %dma_wait3A_65 : memref<1x72x128xf32, #tpu.memory_space<vmem>> -> memref<72x128xf32, #tpu.memory_space<vmem>>
      %dma_wait3A_67 = arith.constant 0 : i32
      %dma_wait3A_68 = tpu.memref_slice %arg6[%add3A_61, %dma_wait3A_67] : memref<146x72xi32, #tpu.memory_space<vmem>> -> memref<1x72xi32, #tpu.memory_space<vmem>>
      %dma_wait3A_69 = tpu.memref_squeeze %dma_wait3A_68 : memref<1x72xi32, #tpu.memory_space<vmem>> -> memref<72xi32, #tpu.memory_space<vmem>>
      %dma_wait3A_70 = arith.constant 0 : i32
      %dma_wait3A_71 = arith.constant 0 : i32
      %dma_wait3A_72 = tpu.memref_slice %arg2[%dma_wait3A_70, %dma_wait3A_71] : memref<10000x128xf32, #tpu.memory_space<hbm>> -> memref<10000x128xf32, #tpu.memory_space<hbm>>
      tpu.wait_indirect_dma semaphore(%arg10 : memref<!tpu.dma_semaphore, #tpu.memory_space<semaphore_mem>>) src(%dma_wait3A_72 : memref<10000x128xf32, #tpu.memory_space<hbm>>) dst(%dma_wait3A_66 : memref<72x128xf32, #tpu.memory_space<vmem>>)
      %add3A_73 = arith.constant 1 : i32
      %add3A_74 = arith.addi %add3A_61, %add3A_73 : i32
      %lt3A = arith.cmpi slt, %add3A_74, %select_n3A : i32
      %convert_element_type3A_75 = arith.extui %lt3A : i1 to i32
      %cond3A_76 = arith.constant 0 : i32
      %cond3A_77 = arith.cmpi ne, %convert_element_type3A_75, %cond3A_76 : i32
      scf.if %cond3A_77 {
        %ge3A = arith.constant 1 : i32
        %ge3A_121 = arith.cmpi sge, %add3A_61, %ge3A : i32
        %convert_element_type3A_122 = arith.extui %ge3A_121 : i1 to i32
        %cond3A_123 = arith.constant 0 : i32
        %cond3A_124 = arith.cmpi ne, %convert_element_type3A_122, %cond3A_123 : i32
        scf.if %cond3A_124 {
          %sub3A_136 = arith.constant 1 : i32
          %sub3A_137 = arith.subi %add3A_61, %sub3A_136 : i32
          %dma_wait3A_138 = arith.constant 1 : i32
          %dma_wait3A_139 = arith.constant 0 : i32
          %dma_wait3A_140 = arith.constant 0 : i32
          %dma_wait3A_141 = tpu.memref_slice %arg8[%dma_wait3A_138, %dma_wait3A_139, %dma_wait3A_140] : memref<2x72x128xf32, #tpu.memory_space<vmem>> -> memref<1x72x128xf32, #tpu.memory_space<vmem>>
          %dma_wait3A_142 = tpu.memref_squeeze %dma_wait3A_141 : memref<1x72x128xf32, #tpu.memory_space<vmem>> -> memref<72x128xf32, #tpu.memory_space<vmem>>
          %dma_wait3A_143 = arith.constant 0 : i32
          %dma_wait3A_144 = tpu.memref_slice %arg7[%sub3A_137, %dma_wait3A_143] : memref<146x72xi32, #tpu.memory_space<vmem>> -> memref<1x72xi32, #tpu.memory_space<vmem>>
          %dma_wait3A_145 = tpu.memref_squeeze %dma_wait3A_144 : memref<1x72xi32, #tpu.memory_space<vmem>> -> memref<72xi32, #tpu.memory_space<vmem>>
          %dma_wait3A_146 = arith.constant 0 : i32
          %dma_wait3A_147 = arith.constant 0 : i32
          %dma_wait3A_148 = tpu.memref_slice %arg9[%dma_wait3A_146, %dma_wait3A_147] : memref<10016x128xf32, #tpu.memory_space<vmem_shared>> -> memref<10016x128xf32, #tpu.memory_space<vmem_shared>>
          tpu.wait_indirect_dma semaphore(%arg13 : memref<!tpu.dma_semaphore, #tpu.memory_space<semaphore_mem>>) src(%dma_wait3A_142 : memref<72x128xf32, #tpu.memory_space<vmem>>) dst(%dma_wait3A_148 : memref<10016x128xf32, #tpu.memory_space<vmem_shared>>)
        } else {
        }
        %dma_start3A_125 = arith.constant 1 : i32
        %dma_start3A_126 = arith.constant 0 : i32
        %dma_start3A_127 = arith.constant 0 : i32
        %dma_start3A_128 = tpu.memref_slice %arg8[%dma_start3A_125, %dma_start3A_126, %dma_start3A_127] : memref<2x72x128xf32, #tpu.memory_space<vmem>> -> memref<1x72x128xf32, #tpu.memory_space<vmem>>
        %dma_start3A_129 = tpu.memref_squeeze %dma_start3A_128 : memref<1x72x128xf32, #tpu.memory_space<vmem>> -> memref<72x128xf32, #tpu.memory_space<vmem>>
        %dma_start3A_130 = arith.constant 0 : i32
        %dma_start3A_131 = tpu.memref_slice %arg6[%add3A_74, %dma_start3A_130] : memref<146x72xi32, #tpu.memory_space<vmem>> -> memref<1x72xi32, #tpu.memory_space<vmem>>
        %dma_start3A_132 = tpu.memref_squeeze %dma_start3A_131 : memref<1x72xi32, #tpu.memory_space<vmem>> -> memref<72xi32, #tpu.memory_space<vmem>>
        %dma_start3A_133 = arith.constant 0 : i32
        %dma_start3A_134 = arith.constant 0 : i32
        %dma_start3A_135 = tpu.memref_slice %arg2[%dma_start3A_133, %dma_start3A_134] : memref<10000x128xf32, #tpu.memory_space<hbm>> -> memref<10000x128xf32, #tpu.memory_space<hbm>>
        tpu.enqueue_indirect_dma source(%dma_start3A_135 : memref<10000x128xf32, #tpu.memory_space<hbm>>) target(%dma_start3A_129 : memref<72x128xf32, #tpu.memory_space<vmem>>) offsets(%dma_start3A_132 : memref<72xi32, #tpu.memory_space<vmem>>) semaphore(%arg11 : memref<!tpu.dma_semaphore, #tpu.memory_space<semaphore_mem>>)
      } else {
      }
      %dma_start3A_78 = arith.constant 0 : i32
      %dma_start3A_79 = arith.constant 0 : i32
      %dma_start3A_80 = arith.constant 0 : i32
      %dma_start3A_81 = tpu.memref_slice %arg8[%dma_start3A_78, %dma_start3A_79, %dma_start3A_80] : memref<2x72x128xf32, #tpu.memory_space<vmem>> -> memref<1x72x128xf32, #tpu.memory_space<vmem>>
      %dma_start3A_82 = tpu.memref_squeeze %dma_start3A_81 : memref<1x72x128xf32, #tpu.memory_space<vmem>> -> memref<72x128xf32, #tpu.memory_space<vmem>>
      %dma_start3A_83 = arith.constant 0 : i32
      %dma_start3A_84 = tpu.memref_slice %arg7[%add3A_61, %dma_start3A_83] : memref<146x72xi32, #tpu.memory_space<vmem>> -> memref<1x72xi32, #tpu.memory_space<vmem>>
      %dma_start3A_85 = tpu.memref_squeeze %dma_start3A_84 : memref<1x72xi32, #tpu.memory_space<vmem>> -> memref<72xi32, #tpu.memory_space<vmem>>
      %dma_start3A_86 = arith.constant 0 : i32
      %dma_start3A_87 = arith.constant 0 : i32
      %dma_start3A_88 = tpu.memref_slice %arg9[%dma_start3A_86, %dma_start3A_87] : memref<10016x128xf32, #tpu.memory_space<vmem_shared>> -> memref<10016x128xf32, #tpu.memory_space<vmem_shared>>
      tpu.enqueue_indirect_dma source(%dma_start3A_82 : memref<72x128xf32, #tpu.memory_space<vmem>>) target(%dma_start3A_88 : memref<10016x128xf32, #tpu.memory_space<vmem_shared>>) offsets(%dma_start3A_85 : memref<72xi32, #tpu.memory_space<vmem>>) semaphore(%arg12 : memref<!tpu.dma_semaphore, #tpu.memory_space<semaphore_mem>>) {add = true}
      %mul3A_89 = arith.constant 2 : i32
      %mul3A_90 = arith.muli %while3A_57, %mul3A_89 : i32
      %add3A_91 = arith.constant 1 : i32
      %add3A_92 = arith.addi %mul3A_90, %add3A_91 : i32
      %dma_wait3A_93 = arith.constant 1 : i32
      %dma_wait3A_94 = arith.constant 0 : i32
      %dma_wait3A_95 = arith.constant 0 : i32
      %dma_wait3A_96 = tpu.memref_slice %arg8[%dma_wait3A_93, %dma_wait3A_94, %dma_wait3A_95] : memref<2x72x128xf32, #tpu.memory_space<vmem>> -> memref<1x72x128xf32, #tpu.memory_space<vmem>>
      %dma_wait3A_97 = tpu.memref_squeeze %dma_wait3A_96 : memref<1x72x128xf32, #tpu.memory_space<vmem>> -> memref<72x128xf32, #tpu.memory_space<vmem>>
      %dma_wait3A_98 = arith.constant 0 : i32
      %dma_wait3A_99 = tpu.memref_slice %arg6[%add3A_92, %dma_wait3A_98] : memref<146x72xi32, #tpu.memory_space<vmem>> -> memref<1x72xi32, #tpu.memory_space<vmem>>
      %dma_wait3A_100 = tpu.memref_squeeze %dma_wait3A_99 : memref<1x72xi32, #tpu.memory_space<vmem>> -> memref<72xi32, #tpu.memory_space<vmem>>
      %dma_wait3A_101 = arith.constant 0 : i32
      %dma_wait3A_102 = arith.constant 0 : i32
      %dma_wait3A_103 = tpu.memref_slice %arg2[%dma_wait3A_101, %dma_wait3A_102] : memref<10000x128xf32, #tpu.memory_space<hbm>> -> memref<10000x128xf32, #tpu.memory_space<hbm>>
      tpu.wait_indirect_dma semaphore(%arg11 : memref<!tpu.dma_semaphore, #tpu.memory_space<semaphore_mem>>) src(%dma_wait3A_103 : memref<10000x128xf32, #tpu.memory_space<hbm>>) dst(%dma_wait3A_97 : memref<72x128xf32, #tpu.memory_space<vmem>>)
      %add3A_104 = arith.constant 1 : i32
      %add3A_105 = arith.addi %add3A_92, %add3A_104 : i32
      %lt3A_106 = arith.cmpi slt, %add3A_105, %select_n3A : i32
      %convert_element_type3A_107 = arith.extui %lt3A_106 : i1 to i32
      %cond3A_108 = arith.constant 0 : i32
      %cond3A_109 = arith.cmpi ne, %convert_element_type3A_107, %cond3A_108 : i32
      scf.if %cond3A_109 {
        %ge3A = arith.constant 1 : i32
        %ge3A_121 = arith.cmpi sge, %add3A_92, %ge3A : i32
        %convert_element_type3A_122 = arith.extui %ge3A_121 : i1 to i32
        %cond3A_123 = arith.constant 0 : i32
        %cond3A_124 = arith.cmpi ne, %convert_element_type3A_122, %cond3A_123 : i32
        scf.if %cond3A_124 {
          %sub3A_136 = arith.constant 1 : i32
          %sub3A_137 = arith.subi %add3A_92, %sub3A_136 : i32
          %dma_wait3A_138 = arith.constant 0 : i32
          %dma_wait3A_139 = arith.constant 0 : i32
          %dma_wait3A_140 = arith.constant 0 : i32
          %dma_wait3A_141 = tpu.memref_slice %arg8[%dma_wait3A_138, %dma_wait3A_139, %dma_wait3A_140] : memref<2x72x128xf32, #tpu.memory_space<vmem>> -> memref<1x72x128xf32, #tpu.memory_space<vmem>>
          %dma_wait3A_142 = tpu.memref_squeeze %dma_wait3A_141 : memref<1x72x128xf32, #tpu.memory_space<vmem>> -> memref<72x128xf32, #tpu.memory_space<vmem>>
          %dma_wait3A_143 = arith.constant 0 : i32
          %dma_wait3A_144 = tpu.memref_slice %arg7[%sub3A_137, %dma_wait3A_143] : memref<146x72xi32, #tpu.memory_space<vmem>> -> memref<1x72xi32, #tpu.memory_space<vmem>>
          %dma_wait3A_145 = tpu.memref_squeeze %dma_wait3A_144 : memref<1x72xi32, #tpu.memory_space<vmem>> -> memref<72xi32, #tpu.memory_space<vmem>>
          %dma_wait3A_146 = arith.constant 0 : i32
          %dma_wait3A_147 = arith.constant 0 : i32
          %dma_wait3A_148 = tpu.memref_slice %arg9[%dma_wait3A_146, %dma_wait3A_147] : memref<10016x128xf32, #tpu.memory_space<vmem_shared>> -> memref<10016x128xf32, #tpu.memory_space<vmem_shared>>
          tpu.wait_indirect_dma semaphore(%arg12 : memref<!tpu.dma_semaphore, #tpu.memory_space<semaphore_mem>>) src(%dma_wait3A_142 : memref<72x128xf32, #tpu.memory_space<vmem>>) dst(%dma_wait3A_148 : memref<10016x128xf32, #tpu.memory_space<vmem_shared>>)
        } else {
        }
        %dma_start3A_125 = arith.constant 0 : i32
        %dma_start3A_126 = arith.constant 0 : i32
        %dma_start3A_127 = arith.constant 0 : i32
        %dma_start3A_128 = tpu.memref_slice %arg8[%dma_start3A_125, %dma_start3A_126, %dma_start3A_127] : memref<2x72x128xf32, #tpu.memory_space<vmem>> -> memref<1x72x128xf32, #tpu.memory_space<vmem>>
        %dma_start3A_129 = tpu.memref_squeeze %dma_start3A_128 : memref<1x72x128xf32, #tpu.memory_space<vmem>> -> memref<72x128xf32, #tpu.memory_space<vmem>>
        %dma_start3A_130 = arith.constant 0 : i32
        %dma_start3A_131 = tpu.memref_slice %arg6[%add3A_105, %dma_start3A_130] : memref<146x72xi32, #tpu.memory_space<vmem>> -> memref<1x72xi32, #tpu.memory_space<vmem>>
        %dma_start3A_132 = tpu.memref_squeeze %dma_start3A_131 : memref<1x72xi32, #tpu.memory_space<vmem>> -> memref<72xi32, #tpu.memory_space<vmem>>
        %dma_start3A_133 = arith.constant 0 : i32
        %dma_start3A_134 = arith.constant 0 : i32
        %dma_start3A_135 = tpu.memref_slice %arg2[%dma_start3A_133, %dma_start3A_134] : memref<10000x128xf32, #tpu.memory_space<hbm>> -> memref<10000x128xf32, #tpu.memory_space<hbm>>
        tpu.enqueue_indirect_dma source(%dma_start3A_135 : memref<10000x128xf32, #tpu.memory_space<hbm>>) target(%dma_start3A_129 : memref<72x128xf32, #tpu.memory_space<vmem>>) offsets(%dma_start3A_132 : memref<72xi32, #tpu.memory_space<vmem>>) semaphore(%arg10 : memref<!tpu.dma_semaphore, #tpu.memory_space<semaphore_mem>>)
      } else {
      }
      %dma_start3A_110 = arith.constant 1 : i32
      %dma_start3A_111 = arith.constant 0 : i32
      %dma_start3A_112 = arith.constant 0 : i32
      %dma_start3A_113 = tpu.memref_slice %arg8[%dma_start3A_110, %dma_start3A_111, %dma_start3A_112] : memref<2x72x128xf32, #tpu.memory_space<vmem>> -> memref<1x72x128xf32, #tpu.memory_space<vmem>>
      %dma_start3A_114 = tpu.memref_squeeze %dma_start3A_113 : memref<1x72x128xf32, #tpu.memory_space<vmem>> -> memref<72x128xf32, #tpu.memory_space<vmem>>
      %dma_start3A_115 = arith.constant 0 : i32
      %dma_start3A_116 = tpu.memref_slice %arg7[%add3A_92, %dma_start3A_115] : memref<146x72xi32, #tpu.memory_space<vmem>> -> memref<1x72xi32, #tpu.memory_space<vmem>>
      %dma_start3A_117 = tpu.memref_squeeze %dma_start3A_116 : memref<1x72xi32, #tpu.memory_space<vmem>> -> memref<72xi32, #tpu.memory_space<vmem>>
      %dma_start3A_118 = arith.constant 0 : i32
      %dma_start3A_119 = arith.constant 0 : i32
      %dma_start3A_120 = tpu.memref_slice %arg9[%dma_start3A_118, %dma_start3A_119] : memref<10016x128xf32, #tpu.memory_space<vmem_shared>> -> memref<10016x128xf32, #tpu.memory_space<vmem_shared>>
      tpu.enqueue_indirect_dma source(%dma_start3A_114 : memref<72x128xf32, #tpu.memory_space<vmem>>) target(%dma_start3A_120 : memref<10016x128xf32, #tpu.memory_space<vmem_shared>>) offsets(%dma_start3A_117 : memref<72xi32, #tpu.memory_space<vmem>>) semaphore(%arg13 : memref<!tpu.dma_semaphore, #tpu.memory_space<semaphore_mem>>) {add = true}
    }
    %while3A_31 = arith.constant 1 : i32
    scf.for %while3A_57 = %while3A_29 to %while3A_25 step %while3A_31  : i32 {
      %mul3A_58 = arith.constant 2 : i32
      %mul3A_59 = arith.muli %while3A_57, %mul3A_58 : i32
      %add3A_60 = arith.constant 0 : i32
      %add3A_61 = arith.addi %mul3A_59, %add3A_60 : i32
      %dma_wait3A_62 = arith.constant 0 : i32
      %dma_wait3A_63 = arith.constant 0 : i32
      %dma_wait3A_64 = arith.constant 0 : i32
      %dma_wait3A_65 = tpu.memref_slice %arg8[%dma_wait3A_62, %dma_wait3A_63, %dma_wait3A_64] : memref<2x72x128xf32, #tpu.memory_space<vmem>> -> memref<1x72x128xf32, #tpu.memory_space<vmem>>
      %dma_wait3A_66 = tpu.memref_squeeze %dma_wait3A_65 : memref<1x72x128xf32, #tpu.memory_space<vmem>> -> memref<72x128xf32, #tpu.memory_space<vmem>>
      %dma_wait3A_67 = arith.constant 0 : i32
      %dma_wait3A_68 = tpu.memref_slice %arg6[%add3A_61, %dma_wait3A_67] : memref<146x72xi32, #tpu.memory_space<vmem>> -> memref<1x72xi32, #tpu.memory_space<vmem>>
      %dma_wait3A_69 = tpu.memref_squeeze %dma_wait3A_68 : memref<1x72xi32, #tpu.memory_space<vmem>> -> memref<72xi32, #tpu.memory_space<vmem>>
      %dma_wait3A_70 = arith.constant 0 : i32
      %dma_wait3A_71 = arith.constant 0 : i32
      %dma_wait3A_72 = tpu.memref_slice %arg2[%dma_wait3A_70, %dma_wait3A_71] : memref<10000x128xf32, #tpu.memory_space<hbm>> -> memref<10000x128xf32, #tpu.memory_space<hbm>>
      tpu.wait_indirect_dma semaphore(%arg10 : memref<!tpu.dma_semaphore, #tpu.memory_space<semaphore_mem>>) src(%dma_wait3A_72 : memref<10000x128xf32, #tpu.memory_space<hbm>>) dst(%dma_wait3A_66 : memref<72x128xf32, #tpu.memory_space<vmem>>)
      %add3A_73 = arith.constant 1 : i32
      %add3A_74 = arith.addi %add3A_61, %add3A_73 : i32
      %lt3A = arith.cmpi slt, %add3A_74, %select_n3A : i32
      %convert_element_type3A_75 = arith.extui %lt3A : i1 to i32
      %cond3A_76 = arith.constant 0 : i32
      %cond3A_77 = arith.cmpi ne, %convert_element_type3A_75, %cond3A_76 : i32
      scf.if %cond3A_77 {
        %ge3A = arith.constant 1 : i32
        %ge3A_121 = arith.cmpi sge, %add3A_61, %ge3A : i32
        %convert_element_type3A_122 = arith.extui %ge3A_121 : i1 to i32
        %cond3A_123 = arith.constant 0 : i32
        %cond3A_124 = arith.cmpi ne, %convert_element_type3A_122, %cond3A_123 : i32
        scf.if %cond3A_124 {
          %sub3A_136 = arith.constant 1 : i32
          %sub3A_137 = arith.subi %add3A_61, %sub3A_136 : i32
          %dma_wait3A_138 = arith.constant 1 : i32
          %dma_wait3A_139 = arith.constant 0 : i32
          %dma_wait3A_140 = arith.constant 0 : i32
          %dma_wait3A_141 = tpu.memref_slice %arg8[%dma_wait3A_138, %dma_wait3A_139, %dma_wait3A_140] : memref<2x72x128xf32, #tpu.memory_space<vmem>> -> memref<1x72x128xf32, #tpu.memory_space<vmem>>
          %dma_wait3A_142 = tpu.memref_squeeze %dma_wait3A_141 : memref<1x72x128xf32, #tpu.memory_space<vmem>> -> memref<72x128xf32, #tpu.memory_space<vmem>>
          %dma_wait3A_143 = arith.constant 0 : i32
          %dma_wait3A_144 = tpu.memref_slice %arg7[%sub3A_137, %dma_wait3A_143] : memref<146x72xi32, #tpu.memory_space<vmem>> -> memref<1x72xi32, #tpu.memory_space<vmem>>
          %dma_wait3A_145 = tpu.memref_squeeze %dma_wait3A_144 : memref<1x72xi32, #tpu.memory_space<vmem>> -> memref<72xi32, #tpu.memory_space<vmem>>
          %dma_wait3A_146 = arith.constant 0 : i32
          %dma_wait3A_147 = arith.constant 0 : i32
          %dma_wait3A_148 = tpu.memref_slice %arg9[%dma_wait3A_146, %dma_wait3A_147] : memref<10016x128xf32, #tpu.memory_space<vmem_shared>> -> memref<10016x128xf32, #tpu.memory_space<vmem_shared>>
          tpu.wait_indirect_dma semaphore(%arg13 : memref<!tpu.dma_semaphore, #tpu.memory_space<semaphore_mem>>) src(%dma_wait3A_142 : memref<72x128xf32, #tpu.memory_space<vmem>>) dst(%dma_wait3A_148 : memref<10016x128xf32, #tpu.memory_space<vmem_shared>>)
        } else {
        }
        %dma_start3A_125 = arith.constant 1 : i32
        %dma_start3A_126 = arith.constant 0 : i32
        %dma_start3A_127 = arith.constant 0 : i32
        %dma_start3A_128 = tpu.memref_slice %arg8[%dma_start3A_125, %dma_start3A_126, %dma_start3A_127] : memref<2x72x128xf32, #tpu.memory_space<vmem>> -> memref<1x72x128xf32, #tpu.memory_space<vmem>>
        %dma_start3A_129 = tpu.memref_squeeze %dma_start3A_128 : memref<1x72x128xf32, #tpu.memory_space<vmem>> -> memref<72x128xf32, #tpu.memory_space<vmem>>
        %dma_start3A_130 = arith.constant 0 : i32
        %dma_start3A_131 = tpu.memref_slice %arg6[%add3A_74, %dma_start3A_130] : memref<146x72xi32, #tpu.memory_space<vmem>> -> memref<1x72xi32, #tpu.memory_space<vmem>>
        %dma_start3A_132 = tpu.memref_squeeze %dma_start3A_131 : memref<1x72xi32, #tpu.memory_space<vmem>> -> memref<72xi32, #tpu.memory_space<vmem>>
        %dma_start3A_133 = arith.constant 0 : i32
        %dma_start3A_134 = arith.constant 0 : i32
        %dma_start3A_135 = tpu.memref_slice %arg2[%dma_start3A_133, %dma_start3A_134] : memref<10000x128xf32, #tpu.memory_space<hbm>> -> memref<10000x128xf32, #tpu.memory_space<hbm>>
        tpu.enqueue_indirect_dma source(%dma_start3A_135 : memref<10000x128xf32, #tpu.memory_space<hbm>>) target(%dma_start3A_129 : memref<72x128xf32, #tpu.memory_space<vmem>>) offsets(%dma_start3A_132 : memref<72xi32, #tpu.memory_space<vmem>>) semaphore(%arg11 : memref<!tpu.dma_semaphore, #tpu.memory_space<semaphore_mem>>)
      } else {
      }
      %dma_start3A_78 = arith.constant 0 : i32
      %dma_start3A_79 = arith.constant 0 : i32
      %dma_start3A_80 = arith.constant 0 : i32
      %dma_start3A_81 = tpu.memref_slice %arg8[%dma_start3A_78, %dma_start3A_79, %dma_start3A_80] : memref<2x72x128xf32, #tpu.memory_space<vmem>> -> memref<1x72x128xf32, #tpu.memory_space<vmem>>
      %dma_start3A_82 = tpu.memref_squeeze %dma_start3A_81 : memref<1x72x128xf32, #tpu.memory_space<vmem>> -> memref<72x128xf32, #tpu.memory_space<vmem>>
      %dma_start3A_83 = arith.constant 0 : i32
      %dma_start3A_84 = tpu.memref_slice %arg7[%add3A_61, %dma_start3A_83] : memref<146x72xi32, #tpu.memory_space<vmem>> -> memref<1x72xi32, #tpu.memory_space<vmem>>
      %dma_start3A_85 = tpu.memref_squeeze %dma_start3A_84 : memref<1x72xi32, #tpu.memory_space<vmem>> -> memref<72xi32, #tpu.memory_space<vmem>>
      %dma_start3A_86 = arith.constant 0 : i32
      %dma_start3A_87 = arith.constant 0 : i32
      %dma_start3A_88 = tpu.memref_slice %arg9[%dma_start3A_86, %dma_start3A_87] : memref<10016x128xf32, #tpu.memory_space<vmem_shared>> -> memref<10016x128xf32, #tpu.memory_space<vmem_shared>>
      tpu.enqueue_indirect_dma source(%dma_start3A_82 : memref<72x128xf32, #tpu.memory_space<vmem>>) target(%dma_start3A_88 : memref<10016x128xf32, #tpu.memory_space<vmem_shared>>) offsets(%dma_start3A_85 : memref<72xi32, #tpu.memory_space<vmem>>) semaphore(%arg12 : memref<!tpu.dma_semaphore, #tpu.memory_space<semaphore_mem>>) {add = true}
      %mul3A_89 = arith.constant 2 : i32
      %mul3A_90 = arith.muli %while3A_57, %mul3A_89 : i32
      %add3A_91 = arith.constant 1 : i32
      %add3A_92 = arith.addi %mul3A_90, %add3A_91 : i32
      %dma_wait3A_93 = arith.constant 1 : i32
      %dma_wait3A_94 = arith.constant 0 : i32
      %dma_wait3A_95 = arith.constant 0 : i32
      %dma_wait3A_96 = tpu.memref_slice %arg8[%dma_wait3A_93, %dma_wait3A_94, %dma_wait3A_95] : memref<2x72x128xf32, #tpu.memory_space<vmem>> -> memref<1x72x128xf32, #tpu.memory_space<vmem>>
      %dma_wait3A_97 = tpu.memref_squeeze %dma_wait3A_96 : memref<1x72x128xf32, #tpu.memory_space<vmem>> -> memref<72x128xf32, #tpu.memory_space<vmem>>
      %dma_wait3A_98 = arith.constant 0 : i32
      %dma_wait3A_99 = tpu.memref_slice %arg6[%add3A_92, %dma_wait3A_98] : memref<146x72xi32, #tpu.memory_space<vmem>> -> memref<1x72xi32, #tpu.memory_space<vmem>>
      %dma_wait3A_100 = tpu.memref_squeeze %dma_wait3A_99 : memref<1x72xi32, #tpu.memory_space<vmem>> -> memref<72xi32, #tpu.memory_space<vmem>>
      %dma_wait3A_101 = arith.constant 0 : i32
      %dma_wait3A_102 = arith.constant 0 : i32
      %dma_wait3A_103 = tpu.memref_slice %arg2[%dma_wait3A_101, %dma_wait3A_102] : memref<10000x128xf32, #tpu.memory_space<hbm>> -> memref<10000x128xf32, #tpu.memory_space<hbm>>
      tpu.wait_indirect_dma semaphore(%arg11 : memref<!tpu.dma_semaphore, #tpu.memory_space<semaphore_mem>>) src(%dma_wait3A_103 : memref<10000x128xf32, #tpu.memory_space<hbm>>) dst(%dma_wait3A_97 : memref<72x128xf32, #tpu.memory_space<vmem>>)
      %add3A_104 = arith.constant 1 : i32
      %add3A_105 = arith.addi %add3A_92, %add3A_104 : i32
      %lt3A_106 = arith.cmpi slt, %add3A_105, %select_n3A : i32
      %convert_element_type3A_107 = arith.extui %lt3A_106 : i1 to i32
      %cond3A_108 = arith.constant 0 : i32
      %cond3A_109 = arith.cmpi ne, %convert_element_type3A_107, %cond3A_108 : i32
      scf.if %cond3A_109 {
        %ge3A = arith.constant 1 : i32
        %ge3A_121 = arith.cmpi sge, %add3A_92, %ge3A : i32
        %convert_element_type3A_122 = arith.extui %ge3A_121 : i1 to i32
        %cond3A_123 = arith.constant 0 : i32
        %cond3A_124 = arith.cmpi ne, %convert_element_type3A_122, %cond3A_123 : i32
        scf.if %cond3A_124 {
          %sub3A_136 = arith.constant 1 : i32
          %sub3A_137 = arith.subi %add3A_92, %sub3A_136 : i32
          %dma_wait3A_138 = arith.constant 0 : i32
          %dma_wait3A_139 = arith.constant 0 : i32
          %dma_wait3A_140 = arith.constant 0 : i32
          %dma_wait3A_141 = tpu.memref_slice %arg8[%dma_wait3A_138, %dma_wait3A_139, %dma_wait3A_140] : memref<2x72x128xf32, #tpu.memory_space<vmem>> -> memref<1x72x128xf32, #tpu.memory_space<vmem>>
          %dma_wait3A_142 = tpu.memref_squeeze %dma_wait3A_141 : memref<1x72x128xf32, #tpu.memory_space<vmem>> -> memref<72x128xf32, #tpu.memory_space<vmem>>
          %dma_wait3A_143 = arith.constant 0 : i32
          %dma_wait3A_144 = tpu.memref_slice %arg7[%sub3A_137, %dma_wait3A_143] : memref<146x72xi32, #tpu.memory_space<vmem>> -> memref<1x72xi32, #tpu.memory_space<vmem>>
          %dma_wait3A_145 = tpu.memref_squeeze %dma_wait3A_144 : memref<1x72xi32, #tpu.memory_space<vmem>> -> memref<72xi32, #tpu.memory_space<vmem>>
          %dma_wait3A_146 = arith.constant 0 : i32
          %dma_wait3A_147 = arith.constant 0 : i32
          %dma_wait3A_148 = tpu.memref_slice %arg9[%dma_wait3A_146, %dma_wait3A_147] : memref<10016x128xf32, #tpu.memory_space<vmem_shared>> -> memref<10016x128xf32, #tpu.memory_space<vmem_shared>>
          tpu.wait_indirect_dma semaphore(%arg12 : memref<!tpu.dma_semaphore, #tpu.memory_space<semaphore_mem>>) src(%dma_wait3A_142 : memref<72x128xf32, #tpu.memory_space<vmem>>) dst(%dma_wait3A_148 : memref<10016x128xf32, #tpu.memory_space<vmem_shared>>)
        } else {
        }
        %dma_start3A_125 = arith.constant 0 : i32
        %dma_start3A_126 = arith.constant 0 : i32
        %dma_start3A_127 = arith.constant 0 : i32
        %dma_start3A_128 = tpu.memref_slice %arg8[%dma_start3A_125, %dma_start3A_126, %dma_start3A_127] : memref<2x72x128xf32, #tpu.memory_space<vmem>> -> memref<1x72x128xf32, #tpu.memory_space<vmem>>
        %dma_start3A_129 = tpu.memref_squeeze %dma_start3A_128 : memref<1x72x128xf32, #tpu.memory_space<vmem>> -> memref<72x128xf32, #tpu.memory_space<vmem>>
        %dma_start3A_130 = arith.constant 0 : i32
        %dma_start3A_131 = tpu.memref_slice %arg6[%add3A_105, %dma_start3A_130] : memref<146x72xi32, #tpu.memory_space<vmem>> -> memref<1x72xi32, #tpu.memory_space<vmem>>
        %dma_start3A_132 = tpu.memref_squeeze %dma_start3A_131 : memref<1x72xi32, #tpu.memory_space<vmem>> -> memref<72xi32, #tpu.memory_space<vmem>>
        %dma_start3A_133 = arith.constant 0 : i32
        %dma_start3A_134 = arith.constant 0 : i32
        %dma_start3A_135 = tpu.memref_slice %arg2[%dma_start3A_133, %dma_start3A_134] : memref<10000x128xf32, #tpu.memory_space<hbm>> -> memref<10000x128xf32, #tpu.memory_space<hbm>>
        tpu.enqueue_indirect_dma source(%dma_start3A_135 : memref<10000x128xf32, #tpu.memory_space<hbm>>) target(%dma_start3A_129 : memref<72x128xf32, #tpu.memory_space<vmem>>) offsets(%dma_start3A_132 : memref<72xi32, #tpu.memory_space<vmem>>) semaphore(%arg10 : memref<!tpu.dma_semaphore, #tpu.memory_space<semaphore_mem>>)
      } else {
      }
      %dma_start3A_110 = arith.constant 1 : i32
      %dma_start3A_111 = arith.constant 0 : i32
      %dma_start3A_112 = arith.constant 0 : i32
      %dma_start3A_113 = tpu.memref_slice %arg8[%dma_start3A_110, %dma_start3A_111, %dma_start3A_112] : memref<2x72x128xf32, #tpu.memory_space<vmem>> -> memref<1x72x128xf32, #tpu.memory_space<vmem>>
      %dma_start3A_114 = tpu.memref_squeeze %dma_start3A_113 : memref<1x72x128xf32, #tpu.memory_space<vmem>> -> memref<72x128xf32, #tpu.memory_space<vmem>>
      %dma_start3A_115 = arith.constant 0 : i32
      %dma_start3A_116 = tpu.memref_slice %arg7[%add3A_92, %dma_start3A_115] : memref<146x72xi32, #tpu.memory_space<vmem>> -> memref<1x72xi32, #tpu.memory_space<vmem>>
      %dma_start3A_117 = tpu.memref_squeeze %dma_start3A_116 : memref<1x72xi32, #tpu.memory_space<vmem>> -> memref<72xi32, #tpu.memory_space<vmem>>
      %dma_start3A_118 = arith.constant 0 : i32
      %dma_start3A_119 = arith.constant 0 : i32
      %dma_start3A_120 = tpu.memref_slice %arg9[%dma_start3A_118, %dma_start3A_119] : memref<10016x128xf32, #tpu.memory_space<vmem_shared>> -> memref<10016x128xf32, #tpu.memory_space<vmem_shared>>
      tpu.enqueue_indirect_dma source(%dma_start3A_114 : memref<72x128xf32, #tpu.memory_space<vmem>>) target(%dma_start3A_120 : memref<10016x128xf32, #tpu.memory_space<vmem_shared>>) offsets(%dma_start3A_117 : memref<72xi32, #tpu.memory_space<vmem>>) semaphore(%arg13 : memref<!tpu.dma_semaphore, #tpu.memory_space<semaphore_mem>>) {add = true}
    }
    %sub3A = arith.constant 2 : i32
    %sub3A_32 = arith.subi %select_n3A, %sub3A : i32
    %dma_wait3A = arith.constant 0 : i32
    %dma_wait3A_33 = arith.constant 0 : i32
    %dma_wait3A_34 = arith.constant 0 : i32
    %dma_wait3A_35 = tpu.memref_slice %arg8[%dma_wait3A, %dma_wait3A_33, %dma_wait3A_34] : memref<2x72x128xf32, #tpu.memory_space<vmem>> -> memref<1x72x128xf32, #tpu.memory_space<vmem>>
    %dma_wait3A_36 = tpu.memref_squeeze %dma_wait3A_35 : memref<1x72x128xf32, #tpu.memory_space<vmem>> -> memref<72x128xf32, #tpu.memory_space<vmem>>
    %dma_wait3A_37 = arith.constant 0 : i32
    %dma_wait3A_38 = tpu.memref_slice %arg7[%sub3A_32, %dma_wait3A_37] : memref<146x72xi32, #tpu.memory_space<vmem>> -> memref<1x72xi32, #tpu.memory_space<vmem>>
    %dma_wait3A_39 = tpu.memref_squeeze %dma_wait3A_38 : memref<1x72xi32, #tpu.memory_space<vmem>> -> memref<72xi32, #tpu.memory_space<vmem>>
    %dma_wait3A_40 = arith.constant 0 : i32
    %dma_wait3A_41 = arith.constant 0 : i32
    %dma_wait3A_42 = tpu.memref_slice %arg9[%dma_wait3A_40, %dma_wait3A_41] : memref<10016x128xf32, #tpu.memory_space<vmem_shared>> -> memref<10016x128xf32, #tpu.memory_space<vmem_shared>>
    tpu.wait_indirect_dma semaphore(%arg12 : memref<!tpu.dma_semaphore, #tpu.memory_space<semaphore_mem>>) src(%dma_wait3A_36 : memref<72x128xf32, #tpu.memory_space<vmem>>) dst(%dma_wait3A_42 : memref<10016x128xf32, #tpu.memory_space<vmem_shared>>)
    %sub3A_43 = arith.constant 1 : i32
    %sub3A_44 = arith.subi %select_n3A, %sub3A_43 : i32
    %dma_wait3A_45 = arith.constant 1 : i32
    %dma_wait3A_46 = arith.constant 0 : i32
    %dma_wait3A_47 = arith.constant 0 : i32
    %dma_wait3A_48 = tpu.memref_slice %arg8[%dma_wait3A_45, %dma_wait3A_46, %dma_wait3A_47] : memref<2x72x128xf32, #tpu.memory_space<vmem>> -> memref<1x72x128xf32, #tpu.memory_space<vmem>>
    %dma_wait3A_49 = tpu.memref_squeeze %dma_wait3A_48 : memref<1x72x128xf32, #tpu.memory_space<vmem>> -> memref<72x128xf32, #tpu.memory_space<vmem>>
    %dma_wait3A_50 = arith.constant 0 : i32
    %dma_wait3A_51 = tpu.memref_slice %arg7[%sub3A_44, %dma_wait3A_50] : memref<146x72xi32, #tpu.memory_space<vmem>> -> memref<1x72xi32, #tpu.memory_space<vmem>>
    %dma_wait3A_52 = tpu.memref_squeeze %dma_wait3A_51 : memref<1x72xi32, #tpu.memory_space<vmem>> -> memref<72xi32, #tpu.memory_space<vmem>>
    %dma_wait3A_53 = arith.constant 0 : i32
    %dma_wait3A_54 = arith.constant 0 : i32
    %dma_wait3A_55 = tpu.memref_slice %arg9[%dma_wait3A_53, %dma_wait3A_54] : memref<10016x128xf32, #tpu.memory_space<vmem_shared>> -> memref<10016x128xf32, #tpu.memory_space<vmem_shared>>
    tpu.wait_indirect_dma semaphore(%arg13 : memref<!tpu.dma_semaphore, #tpu.memory_space<semaphore_mem>>) src(%dma_wait3A_49 : memref<72x128xf32, #tpu.memory_space<vmem>>) dst(%dma_wait3A_55 : memref<10016x128xf32, #tpu.memory_space<vmem_shared>>)
    %barrier3A_56 = arith.constant 0 : index
    tpu.barrier barrier_id(%barrier3A_56)
    "tpu.region"() ({
      %run_scoped3A = tpu.sem_alloc : memref<!tpu.dma_semaphore, #tpu.memory_space<semaphore_mem>>
      %dma_start3A_57 = arith.constant 0 : i32
      %dma_start3A_58 = tpu.memref_slice %arg5[%arg0, %mul3A_2, %dma_start3A_57] : memref<2x10000x128xf32, #tpu.memory_space<hbm>> -> memref<1x625x128xf32, #tpu.memory_space<hbm>>
      %dma_start3A_59 = tpu.memref_squeeze %dma_start3A_58 : memref<1x625x128xf32, #tpu.memory_space<hbm>> -> memref<625x128xf32, #tpu.memory_space<hbm>>
      %dma_start3A_60 = arith.constant 0 : i32
      %dma_start3A_61 = tpu.memref_slice %arg9[%mul3A_2, %dma_start3A_60] : memref<10016x128xf32, #tpu.memory_space<vmem_shared>> -> memref<625x128xf32, #tpu.memory_space<vmem_shared>>
      tpu.enqueue_dma source(%dma_start3A_61 : memref<625x128xf32, #tpu.memory_space<vmem_shared>>) target(%dma_start3A_59 : memref<625x128xf32, #tpu.memory_space<hbm>>) target_semaphore(%run_scoped3A : memref<!tpu.dma_semaphore, #tpu.memory_space<semaphore_mem>>)
      %dma_wait3A_62 = arith.constant 0 : i32
      %dma_wait3A_63 = tpu.memref_slice %arg5[%arg0, %mul3A_2, %dma_wait3A_62] : memref<2x10000x128xf32, #tpu.memory_space<hbm>> -> memref<1x625x128xf32, #tpu.memory_space<hbm>>
      %dma_wait3A_64 = tpu.memref_squeeze %dma_wait3A_63 : memref<1x625x128xf32, #tpu.memory_space<hbm>> -> memref<625x128xf32, #tpu.memory_space<hbm>>
      %dma_wait3A_65 = arith.constant 0 : i32
      %dma_wait3A_66 = tpu.memref_slice %arg9[%mul3A_2, %dma_wait3A_65] : memref<10016x128xf32, #tpu.memory_space<vmem_shared>> -> memref<625x128xf32, #tpu.memory_space<vmem_shared>>
      tpu.wait_dma2 semaphore(%run_scoped3A : memref<!tpu.dma_semaphore, #tpu.memory_space<semaphore_mem>>) src(%dma_wait3A_66 : memref<625x128xf32, #tpu.memory_space<vmem_shared>>) dst(%dma_wait3A_64 : memref<625x128xf32, #tpu.memory_space<hbm>>)
      tpu.yield
    }) : () -> ()
    return
  }
}

module attributes {stable_mosaic.version = 14 : i64} {
  func.func @_tc1_body(%arg0: i32, %arg1: memref<1x32x1000xf32, #tpu.memory_space<vmem>>, %arg2: memref<1000x128xf32, #tpu.memory_space<vmem>>, %arg3: memref<128x128xf32, #tpu.memory_space<vmem>>, %arg4: memref<1000x128xf32, #tpu.memory_space<vmem>>, %arg5: memref<1000x1xf32, #tpu.memory_space<vmem>>) attributes {dimension_semantics = [#tpu.dimension_semantics<arbitrary>], iteration_bounds = array<i64: 10>, scalar_prefetch = 0 : i64, scratch_operands = 0 : i64, tpu.core_type = #tpu.core_type<tc>, window_params = [{transform_indices = @transform_0, window_bounds = array<i64: 1, 32, 1000>}, {transform_indices = @transform_1, window_bounds = array<i64: 1000, 128>}, {pipeline_mode = #tpu.pipeline_mode<synchronous>, transform_indices = @transform_2, window_bounds = array<i64: 128, 128>}, {transform_indices = @transform_3, window_bounds = array<i64: 1000, 128>}, {transform_indices = @transform_4, window_bounds = array<i64: 1000, 1>}]} {
    %get3A = arith.constant 0 : index
    %get3A_0 = arith.constant 0 : index
    %get3A_1 = arith.constant 0 : index
    %get3A_2 = vector.load %arg1[%get3A, %get3A_0, %get3A_1] : memref<1x32x1000xf32, #tpu.memory_space<vmem>>, vector<1x32x1000xf32>
    %get3A_3 = vector.shape_cast %get3A_2 : vector<1x32x1000xf32> to vector<32x1000xf32>
    %reduce_sum3A = arith.constant dense<0.000000e+00> : vector<1000xf32>
    %reduce_sum3A_4 = vector.multi_reduction <add>, %get3A_3, %reduce_sum3A [0] : vector<32x1000xf32> to vector<1000xf32>
    %add3A = arith.constant 1.000000e+00 : f32
    %add3A_5 = vector.broadcast %add3A : f32 to vector<1000xf32>
    %add3A_6 = arith.addf %reduce_sum3A_4, %add3A_5 : vector<1000xf32>
    %rsqrt3A = math.rsqrt %add3A_6 : vector<1000xf32>
    %get3A_7 = arith.constant 0 : index
    %get3A_8 = arith.constant 0 : index
    %get3A_9 = vector.load %arg2[%get3A_7, %get3A_8] : memref<1000x128xf32, #tpu.memory_space<vmem>>, vector<1000x128xf32>
    %get3A_10 = arith.constant 0 : index
    %get3A_11 = arith.constant 0 : index
    %get3A_12 = vector.load %arg3[%get3A_10, %get3A_11] : memref<128x128xf32, #tpu.memory_space<vmem>>, vector<128x128xf32>
    %dot_general3A = arith.constant dense<0.000000e+00> : vector<1000x128xf32>
    %dot_general3A_13 = tpu.matmul %get3A_9, %get3A_12, %dot_general3A {dimension_numbers = #tpu.dot_dimension_numbers<[1], [0], [0], [1], [0, 0, 1, 1], [], []>, transpose_lhs_hint = false} : vector<1000x128xf32>, vector<128x128xf32>, vector<1000x128xf32> -> vector<1000x128xf32>
    %broadcast_in_dim3A = vector.shape_cast %rsqrt3A : vector<1000xf32> to vector<1000x1xf32>
    %mul3A = vector.broadcast %broadcast_in_dim3A : vector<1000x1xf32> to vector<1000x128xf32>
    %mul3A_14 = arith.mulf %dot_general3A_13, %mul3A : vector<1000x128xf32>
    %swap3A = arith.constant 0 : index
    %swap3A_15 = arith.constant 0 : index
    %swap3A_16 = vector.load %arg4[%swap3A, %swap3A_15] : memref<1000x128xf32, #tpu.memory_space<vmem>>, vector<1000x128xf32>
    tpu.vector_store %arg4[%swap3A, %swap3A_15], %mul3A_14 {strides = array<i32>} : memref<1000x128xf32, #tpu.memory_space<vmem>>, vector<1000x128xf32>,
    %broadcast_in_dim3A_17 = vector.shape_cast %rsqrt3A : vector<1000xf32> to vector<1000x1xf32>
    %swap3A_18 = arith.constant 0 : index
    %swap3A_19 = arith.constant 0 : index
    %swap3A_20 = vector.load %arg5[%swap3A_18, %swap3A_19] : memref<1000x1xf32, #tpu.memory_space<vmem>>, vector<1000x1xf32>
    tpu.vector_store %arg5[%swap3A_18, %swap3A_19], %broadcast_in_dim3A_17 {strides = array<i32>} : memref<1000x1xf32, #tpu.memory_space<vmem>>, vector<1000x1xf32>,
    return
  }
  func.func @transform_0(%arg0: i32) -> (i32, i32, i32) {
    %c0_i32 = arith.constant 0 : i32
    %c0_i32_0 = arith.constant 0 : i32
    %c0_i32_1 = arith.constant 0 : i32
    return %arg0, %c0_i32, %c0_i32_0 : i32, i32, i32
  }
  func.func @transform_1(%arg0: i32) -> (i32, i32) {
    %c0_i32 = arith.constant 0 : i32
    %c0_i32_0 = arith.constant 0 : i32
    return %arg0, %c0_i32 : i32, i32
  }
  func.func @transform_2(%arg0: i32) -> (i32, i32) {
    %c0_i32 = arith.constant 0 : i32
    %c0_i32_0 = arith.constant 0 : i32
    %c0_i32_1 = arith.constant 0 : i32
    return %c0_i32, %c0_i32_0 : i32, i32
  }
  func.func @transform_3(%arg0: i32) -> (i32, i32) {
    %c0_i32 = arith.constant 0 : i32
    %c0_i32_0 = arith.constant 0 : i32
    return %arg0, %c0_i32 : i32, i32
  }
  func.func @transform_4(%arg0: i32) -> (i32, i32) {
    %c0_i32 = arith.constant 0 : i32
    %c0_i32_0 = arith.constant 0 : i32
    return %arg0, %c0_i32 : i32, i32
  }
}

module attributes {stable_mosaic.version = 14 : i64} {
  func.func @_tc2_body(%arg0: i32, %arg1: memref<2x1000x128xf32, #tpu.memory_space<vmem>>, %arg2: memref<1000x128xf32, #tpu.memory_space<vmem>>, %arg3: memref<1000x1xf32, #tpu.memory_space<vmem>>, %arg4: memref<128x128xf32, #tpu.memory_space<vmem>>, %arg5: memref<1x128xf32, #tpu.memory_space<vmem>>, %arg6: memref<1000x128xf32, #tpu.memory_space<vmem>>) attributes {dimension_semantics = [#tpu.dimension_semantics<arbitrary>], iteration_bounds = array<i64: 10>, scalar_prefetch = 0 : i64, scratch_operands = 0 : i64, tpu.core_type = #tpu.core_type<tc>, window_params = [{transform_indices = @transform_0, window_bounds = array<i64: 2, 1000, 128>}, {transform_indices = @transform_1, window_bounds = array<i64: 1000, 128>}, {transform_indices = @transform_2, window_bounds = array<i64: 1000, 1>}, {pipeline_mode = #tpu.pipeline_mode<synchronous>, transform_indices = @transform_3, window_bounds = array<i64: 128, 128>}, {pipeline_mode = #tpu.pipeline_mode<synchronous>, transform_indices = @transform_4, window_bounds = array<i64: 1, 128>}, {transform_indices = @transform_5, window_bounds = array<i64: 1000, 128>}]} {
    %get3A = arith.constant 0 : index
    %get3A_0 = arith.constant 0 : index
    %get3A_1 = vector.load %arg3[%get3A, %get3A_0] : memref<1000x1xf32, #tpu.memory_space<vmem>>, vector<1000x1xf32>
    %get3A_2 = arith.constant 0 : index
    %get3A_3 = arith.constant 0 : index
    %get3A_4 = arith.constant 0 : index
    %get3A_5 = vector.load %arg1[%get3A_2, %get3A_3, %get3A_4] : memref<2x1000x128xf32, #tpu.memory_space<vmem>>, vector<1x1000x128xf32>
    %get3A_6 = vector.shape_cast %get3A_5 : vector<1x1000x128xf32> to vector<1000x128xf32>
    %get3A_7 = arith.constant 1 : index
    %get3A_8 = arith.constant 0 : index
    %get3A_9 = arith.constant 0 : index
    %get3A_10 = vector.load %arg1[%get3A_7, %get3A_8, %get3A_9] : memref<2x1000x128xf32, #tpu.memory_space<vmem>>, vector<1x1000x128xf32>
    %get3A_11 = vector.shape_cast %get3A_10 : vector<1x1000x128xf32> to vector<1000x128xf32>
    %add3A = arith.addf %get3A_6, %get3A_11 : vector<1000x128xf32>
    %get3A_12 = arith.constant 0 : index
    %get3A_13 = arith.constant 0 : index
    %get3A_14 = vector.load %arg2[%get3A_12, %get3A_13] : memref<1000x128xf32, #tpu.memory_space<vmem>>, vector<1000x128xf32>
    %sub3A = arith.subf %add3A, %get3A_14 : vector<1000x128xf32>
    %mul3A = vector.broadcast %get3A_1 : vector<1000x1xf32> to vector<1000x128xf32>
    %mul3A_15 = arith.mulf %sub3A, %mul3A : vector<1000x128xf32>
    %get3A_16 = arith.constant 0 : index
    %get3A_17 = arith.constant 0 : index
    %get3A_18 = vector.load %arg5[%get3A_16, %get3A_17] : memref<1x128xf32, #tpu.memory_space<vmem>>, vector<1x128xf32>
    %add3A_19 = vector.broadcast %get3A_18 : vector<1x128xf32> to vector<1000x128xf32>
    %add3A_20 = arith.addf %mul3A_15, %add3A_19 : vector<1000x128xf32>
    %max3A = arith.constant 0.000000e+00 : f32
    %max3A_21 = vector.broadcast %max3A : f32 to vector<1000x128xf32>
    %max3A_22 = arith.maximumf %add3A_20, %max3A_21 : vector<1000x128xf32>
    %get3A_23 = arith.constant 0 : index
    %get3A_24 = arith.constant 0 : index
    %get3A_25 = vector.load %arg4[%get3A_23, %get3A_24] : memref<128x128xf32, #tpu.memory_space<vmem>>, vector<128x128xf32>
    %dot_general3A = arith.constant dense<0.000000e+00> : vector<1000x128xf32>
    %dot_general3A_26 = tpu.matmul %max3A_22, %get3A_25, %dot_general3A {dimension_numbers = #tpu.dot_dimension_numbers<[1], [0], [0], [1], [0, 0, 1, 1], [], []>, transpose_lhs_hint = false} : vector<1000x128xf32>, vector<128x128xf32>, vector<1000x128xf32> -> vector<1000x128xf32>
    %mul3A_27 = vector.broadcast %get3A_1 : vector<1000x1xf32> to vector<1000x128xf32>
    %mul3A_28 = arith.mulf %dot_general3A_26, %mul3A_27 : vector<1000x128xf32>
    %swap3A = arith.constant 0 : index
    %swap3A_29 = arith.constant 0 : index
    %swap3A_30 = vector.load %arg6[%swap3A, %swap3A_29] : memref<1000x128xf32, #tpu.memory_space<vmem>>, vector<1000x128xf32>
    tpu.vector_store %arg6[%swap3A, %swap3A_29], %mul3A_28 {strides = array<i32>} : memref<1000x128xf32, #tpu.memory_space<vmem>>, vector<1000x128xf32>,
    return
  }
  func.func @transform_0(%arg0: i32) -> (i32, i32, i32) {
    %c0_i32 = arith.constant 0 : i32
    %c0_i32_0 = arith.constant 0 : i32
    %c0_i32_1 = arith.constant 0 : i32
    return %c0_i32, %arg0, %c0_i32_0 : i32, i32, i32
  }
  func.func @transform_1(%arg0: i32) -> (i32, i32) {
    %c0_i32 = arith.constant 0 : i32
    %c0_i32_0 = arith.constant 0 : i32
    return %arg0, %c0_i32 : i32, i32
  }
  func.func @transform_2(%arg0: i32) -> (i32, i32) {
    %c0_i32 = arith.constant 0 : i32
    %c0_i32_0 = arith.constant 0 : i32
    return %arg0, %c0_i32 : i32, i32
  }
  func.func @transform_3(%arg0: i32) -> (i32, i32) {
    %c0_i32 = arith.constant 0 : i32
    %c0_i32_0 = arith.constant 0 : i32
    %c0_i32_1 = arith.constant 0 : i32
    return %c0_i32, %c0_i32_0 : i32, i32
  }
  func.func @transform_4(%arg0: i32) -> (i32, i32) {
    %c0_i32 = arith.constant 0 : i32
    %c0_i32_0 = arith.constant 0 : i32
    %c0_i32_1 = arith.constant 0 : i32
    return %c0_i32, %c0_i32_0 : i32, i32
  }
  func.func @transform_5(%arg0: i32) -> (i32, i32) {
    %c0_i32 = arith.constant 0 : i32
    %c0_i32_0 = arith.constant 0 : i32
    return %arg0, %c0_i32 : i32, i32
  }
}

module attributes {stable_mosaic.version = 14 : i64} {
  func.func @_tc3_body(%arg0: i32, %arg1: memref<2x1000x128xf32, #tpu.memory_space<vmem>>, %arg2: memref<1000x128xf32, #tpu.memory_space<vmem>>, %arg3: memref<1000x1xf32, #tpu.memory_space<vmem>>, %arg4: memref<1x128xf32, #tpu.memory_space<vmem>>, %arg5: memref<1000x128xf32, #tpu.memory_space<vmem>>) attributes {dimension_semantics = [#tpu.dimension_semantics<arbitrary>], iteration_bounds = array<i64: 10>, scalar_prefetch = 0 : i64, scratch_operands = 0 : i64, tpu.core_type = #tpu.core_type<tc>, window_params = [{transform_indices = @transform_0, window_bounds = array<i64: 2, 1000, 128>}, {transform_indices = @transform_1, window_bounds = array<i64: 1000, 128>}, {transform_indices = @transform_2, window_bounds = array<i64: 1000, 1>}, {pipeline_mode = #tpu.pipeline_mode<synchronous>, transform_indices = @transform_3, window_bounds = array<i64: 1, 128>}, {transform_indices = @transform_4, window_bounds = array<i64: 1000, 128>}]} {
    %get3A = arith.constant 0 : index
    %get3A_0 = arith.constant 0 : index
    %get3A_1 = arith.constant 0 : index
    %get3A_2 = vector.load %arg1[%get3A, %get3A_0, %get3A_1] : memref<2x1000x128xf32, #tpu.memory_space<vmem>>, vector<1x1000x128xf32>
    %get3A_3 = vector.shape_cast %get3A_2 : vector<1x1000x128xf32> to vector<1000x128xf32>
    %get3A_4 = arith.constant 1 : index
    %get3A_5 = arith.constant 0 : index
    %get3A_6 = arith.constant 0 : index
    %get3A_7 = vector.load %arg1[%get3A_4, %get3A_5, %get3A_6] : memref<2x1000x128xf32, #tpu.memory_space<vmem>>, vector<1x1000x128xf32>
    %get3A_8 = vector.shape_cast %get3A_7 : vector<1x1000x128xf32> to vector<1000x128xf32>
    %add3A = arith.addf %get3A_3, %get3A_8 : vector<1000x128xf32>
    %get3A_9 = arith.constant 0 : index
    %get3A_10 = arith.constant 0 : index
    %get3A_11 = vector.load %arg2[%get3A_9, %get3A_10] : memref<1000x128xf32, #tpu.memory_space<vmem>>, vector<1000x128xf32>
    %sub3A = arith.subf %add3A, %get3A_11 : vector<1000x128xf32>
    %get3A_12 = arith.constant 0 : index
    %get3A_13 = arith.constant 0 : index
    %get3A_14 = vector.load %arg3[%get3A_12, %get3A_13] : memref<1000x1xf32, #tpu.memory_space<vmem>>, vector<1000x1xf32>
    %mul3A = vector.broadcast %get3A_14 : vector<1000x1xf32> to vector<1000x128xf32>
    %mul3A_15 = arith.mulf %sub3A, %mul3A : vector<1000x128xf32>
    %get3A_16 = arith.constant 0 : index
    %get3A_17 = arith.constant 0 : index
    %get3A_18 = vector.load %arg4[%get3A_16, %get3A_17] : memref<1x128xf32, #tpu.memory_space<vmem>>, vector<1x128xf32>
    %add3A_19 = vector.broadcast %get3A_18 : vector<1x128xf32> to vector<1000x128xf32>
    %add3A_20 = arith.addf %mul3A_15, %add3A_19 : vector<1000x128xf32>
    %swap3A = arith.constant 0 : index
    %swap3A_21 = arith.constant 0 : index
    %swap3A_22 = vector.load %arg5[%swap3A, %swap3A_21] : memref<1000x128xf32, #tpu.memory_space<vmem>>, vector<1000x128xf32>
    tpu.vector_store %arg5[%swap3A, %swap3A_21], %add3A_20 {strides = array<i32>} : memref<1000x128xf32, #tpu.memory_space<vmem>>, vector<1000x128xf32>,
    return
  }
  func.func @transform_0(%arg0: i32) -> (i32, i32, i32) {
    %c0_i32 = arith.constant 0 : i32
    %c0_i32_0 = arith.constant 0 : i32
    %c0_i32_1 = arith.constant 0 : i32
    return %c0_i32, %arg0, %c0_i32_0 : i32, i32, i32
  }
  func.func @transform_1(%arg0: i32) -> (i32, i32) {
    %c0_i32 = arith.constant 0 : i32
    %c0_i32_0 = arith.constant 0 : i32
    return %arg0, %c0_i32 : i32, i32
  }
  func.func @transform_2(%arg0: i32) -> (i32, i32) {
    %c0_i32 = arith.constant 0 : i32
    %c0_i32_0 = arith.constant 0 : i32
    return %arg0, %c0_i32 : i32, i32
  }
  func.func @transform_3(%arg0: i32) -> (i32, i32) {
    %c0_i32 = arith.constant 0 : i32
    %c0_i32_0 = arith.constant 0 : i32
    %c0_i32_1 = arith.constant 0 : i32
    return %c0_i32, %c0_i32_0 : i32, i32
  }
  func.func @transform_4(%arg0: i32) -> (i32, i32) {
    %c0_i32 = arith.constant 0 : i32
    %c0_i32_0 = arith.constant 0 : i32
    return %arg0, %c0_i32 : i32, i32
  }
}

</mosaic_0001>

<sc_bundles>
// kernel: kernel.11.cloned.1.call-start
scs
__scs_entry_jumppad:
0x0: {  	(pc) =	sbr.rel $0x88, $3  }
0x1: {  	(tag) =	ssettag $0x0;
	lr =	simm.s32 $0x1  }
0x2: {  	[smem:$0x3F9B] =	sst lr;
	_ =	strace $0xD0000000  }
0x3: {  	_ = 	snop  }
0x4: {  	_ = 	snop  }
0x5: {  	_ = 	snop  }
0x6: {  	_ = 	snop  }
0x7: {  	_ = 	snop  }
__scs_overlays_trampoline_lowered:
0x8: {  	[smem:$0x3FAA] =	sst s0  }
0x9: {  	[smem:$0x3FAB] =	sst s1  }
0xa: {  	[smem:$0x3FAC] =	sst s2  }
0xb: {  	[smem:$0x3FAD] =	sst s3  }
0xc: {  	[smem:$0x3FAE] =	sst s4  }
0xd: {  	[smem:$0x3FAF] =	sst s5  }
0xe: {  	[smem:$0x3FB0] =	sst s6  }
0xf: {  	[smem:$0x3FB1] =	sst s7  }
0x10: {  	[smem:$0x3FB2] =	sst s8  }
0x11: {  	[smem:$0x3FB3] =	sst s9;
	s0 =	simm.s32 @!p0 $0x0  }
0x12: {  	s1 =	sld [smem:$0x3F99];
	s0 =	simm.s32 @p0 $0x1  }
0x13: {  	[smem:$0x3FB4] =	sst s0;
	s0 =	simm.s32 @!p1 $0x0  }
0x14: {  	s2 =	sld [smem:$0x3F98];
	s0 =	simm.s32 @p1 $0x1  }
0x15: {  	[smem:$0x3FB5] =	sst s0;
	s0 =	simm.s32 @!p2 $0x0  }
0x16: {  	s3 =	sld [smem:$0x3FDB];
	s0 =	simm.s32 @p2 $0x1  }
0x17: {  	s4 =	simm.s32 $0x1BF5;
	[smem:$0x3FB7] =	sst s0  }
0x18: {  	s0 =	sld [smem:$0x3F9A];
	_ =	swait.ge [sflag:s4], $0x0  }
0x19: {  	s7 =	sld [smem:$0x3F9B]  }
0x1a: {  	s8 =	sadd.s32 $0xFFFFE003, lr  }
0x1b: {  	s9 =	sadd.s32 $0xFFFFFEF7, lr;
	s5 =	simm.s32 $0xFFFFFFFF;
	p2 =	slt.u32 s8, $0xFFFFF086  }
0x1c: {  	p1 =	slt.u32 s9, $0xF7A;
	s5 =	simm.s32 @!p2 $0x0  }
0x1d: {  	s5 =	simm.s32 @p1 $0x1;
	p0 =	seq.s32 s7, s2  }
0x1e: {  	s7 =	smul.u32 @!p0 $0xF7A, s2;
	p2 =	seq.s32 @!p0 s5, $0x0  }
0x1f: {  	s9 =	smul.u32 $0xF7A, s1;
	s8 =	simm.s32 @!p0 $0x1BF5;
	p2 =	por !p2, p0  }
0x20: {  	[sflag:s8] =	ssyncset.s32 @!p0 $0xFFFFF086;
	s6 =	sadd.s32 @!p0 s3, s7;
	s7 =	simm.s32 @!p0 $0x108  }
0x21: {  	s3 =	sadd.s32 s3, s9;
	s6 =	sadd.s32 @!p0 $0x88, s6;
	s7 =	simm.s32 @p2 $0x1082  }
0x22: {  	[simem:s7], [sflag:s8] =	dma.local @!p0 [hbm:s6], $0xF7A  }
0x23: {  	s9 =	sor.u32 $0xD0000000, s2;
	s6 =	simm.s32 $0x108;
	_ =	swait.ge @!p0 [sflag:s8], $0x0  }
0x24: {  	s3 =	sadd.s32 $0x88, s3;
	s6 =	simm.s32 @!p1 $0x1082;
	[sflag:s4] =	ssyncset.s32 $0xFFFFF086  }
0x25: {  	[simem:s6], [sflag:s4] =	dma.local [hbm:s3], $0xF7A  }
0x26: {  	[smem:$0x3F9B] =	sst s1;
	(tag) =	ssettag s2;
	_ =	strace s9  }
0x27: {  	s1 =	sld [smem:$0x3FAB]  }
0x28: {  	s2 =	sld [smem:$0x3FAC]  }
0x29: {  	s4 =	sld [smem:$0x3FAE]  }
0x2a: {  	p0 =	seq.s32 s5, $0x0;
	s5 =	sld [smem:$0x3FAF]  }
0x2b: {  	s6 =	sld [smem:$0x3FB0]  }
0x2c: {  	s7 =	sld [smem:$0x3FB1]  }
0x2d: {  	s3 =	simm.s32 $0x108;
	s8 =	sld [smem:$0x3FB2]  }
0x2e: {  	s3 =	simm.s32 @!p0 $0x1082;
	s9 =	sld [smem:$0x3FB3]  }
0x2f: {  	lr =	sadd.s32 s0, s3;
	s0 =	sld [smem:$0x3FAA]  }
0x30: {  	s3 =	sld [smem:$0x3FAD]  }
0x31: {  	[smem:$0x3FB6] =	sst s10  }
0x32: {  	s10 =	sld [smem:$0x3FB4];
	_ =	sdelay $0x3  }
0x33: {  	p0 =	seq.s32 s10, $0x1;
	s10 =	sld [smem:$0x3FB6];
	_ =	sdelay $0x3  }
0x34: {  	[smem:$0x3FB6] =	sst s10  }
0x35: {  	s10 =	sld [smem:$0x3FB5];
	_ =	sdelay $0x3  }
0x36: {  	p1 =	seq.s32 s10, $0x1;
	s10 =	sld [smem:$0x3FB6];
	_ =	sdelay $0x3  }
0x37: {  	[smem:$0x3FB6] =	sst s10  }
0x38: {  	s10 =	sld [smem:$0x3FB7]  }
0x39: {  	_ = 	snop;
	(pc) =	sbr.ind lr, $3  }
0x3a: {  	_ = 	snop  }
0x3b: {  	_ = 	snop  }
0x3c: {  	p2 =	seq.s32 s10, $0x1;
	s10 =	sld [smem:$0x3FB6]  }
0x3d: {  	_ =	shalt  }
0x3e: {  	_ =	shalt  }
0x3f: {  	_ =	shalt  }
0x40: {  	_ =	shalt  }
0x41: {  	_ =	shalt  }
0x42: {  	_ =	shalt  }
0x43: {  	_ =	shalt  }
0x44: {  	_ =	shalt  }
0x45: {  	_ =	shalt  }
0x46: {  	_ =	shalt  }
0x47: {  	_ =	shalt  }
0x48: {  	_ =	shalt  }
0x49: {  	_ =	shalt  }
0x4a: {  	_ =	shalt  }
0x4b: {  	_ =	shalt  }
0x4c: {  	_ =	shalt  }
0x4d: {  	_ =	shalt  }
0x4e: {  	_ =	shalt  }
0x4f: {  	_ =	shalt  }
0x50: {  	_ =	shalt  }
0x51: {  	_ =	shalt  }
0x52: {  	_ =	shalt  }
0x53: {  	_ =	shalt  }
0x54: {  	_ =	shalt  }
0x55: {  	_ =	shalt  }
0x56: {  	_ =	shalt  }
0x57: {  	_ =	shalt  }
0x58: {  	_ =	shalt  }
0x59: {  	_ =	shalt  }
0x5a: {  	_ =	shalt  }
0x5b: {  	_ =	shalt  }
0x5c: {  	_ =	shalt  }
0x5d: {  	_ =	shalt  }
0x5e: {  	_ =	shalt  }
0x5f: {  	_ =	shalt  }
0x60: {  	_ =	shalt  }
0x61: {  	_ =	shalt  }
0x62: {  	_ =	shalt  }
0x63: {  	_ =	shalt  }
0x64: {  	_ =	shalt  }
0x65: {  	_ =	shalt  }
0x66: {  	_ =	shalt  }
0x67: {  	_ =	shalt  }
0x68: {  	_ =	shalt  }
0x69: {  	_ =	shalt  }
0x6a: {  	_ =	shalt  }
0x6b: {  	_ =	shalt  }
0x6c: {  	_ =	shalt  }
0x6d: {  	_ =	shalt  }
0x6e: {  	_ =	shalt  }
0x6f: {  	_ =	shalt  }
0x70: {  	_ =	shalt  }
0x71: {  	_ =	shalt  }
0x72: {  	_ =	shalt  }
0x73: {  	_ =	shalt  }
0x74: {  	_ =	shalt  }
0x75: {  	_ =	shalt  }
0x76: {  	_ =	shalt  }
0x77: {  	_ =	shalt  }
0x78: {  	_ =	shalt  }
0x79: {  	_ =	shalt  }
0x7a: {  	_ =	shalt  }
0x7b: {  	_ =	shalt  }
0x7c: {  	_ =	shalt  }
0x7d: {  	_ =	shalt  }
0x7e: {  	_ =	shalt  }
0x7f: {  	_ =	shalt  }
0x80: {  	_ =	shalt  }
0x81: {  	_ =	shalt  }
0x82: {  	_ =	shalt  }
0x83: {  	_ =	shalt  }
0x84: {  	_ =	shalt  }
0x85: {  	_ =	shalt  }
0x86: {  	_ =	shalt  }
0x87: {  	_ =	shalt  }
.Lfunc_end0:
.L_simem_size_0:
called_computation.1_lowered:
.L_overlay_start_0:
0x88: {  	s2 =	sld [smem:$0x3FD9]  }
0x89: {  	s3 =	sld [smem:$0x3FFE];
	_ =	sdelay $0x1  }
0x8a: {  	s1 =	srdreg.scid  }
0x8b: {  	s0 =	sand.u32 $0x1, s1  }
0x8c: {  	s17 =	sshll.u32 s0, $0xA;
	s2 =	sadd.s32 s3, s2  }
0x8d: {  	s2 =	sadd.s32 s2, s17  }
0x8e: {  	[smem:$0x3FC2] =	sst s2  }
0x8f: {  	_ = 	snop  }
0x90: {  	s2 =	sld [smem:$0x3FD0];
	(tm) =	ssettm $0x1  }
0x91: {  	s18 =	sld [smem:$0x3FFB];
	_ =	sdelay $0x3  }
0x92: {  	_ =	strace s18  }
0x93: {  	s3 =	sld [smem:$0x3FFC];
	_ =	sdelay $0x3  }
0x94: {  	_ =	strace s3  }
0x95: {  	s3 =	sld [smem:$0x3FFD];
	_ =	sdelay $0x3  }
0x96: {  	_ =	strace s3  }
0x97: {  	_ =	strace $0x8FFFFFFF  }
0x98: {  	s19 =	sld [smem:$0x3FDB];
	_ =	sdelay $0x1  }
0x99: {  	s4 =	simm.s32 $_scs_section_size  }
0x9a: {  	s5 =	simm.s32 $_size__tile_overlayer_lowered;
	s6 =	simm.s32 $_tile_overlayer_lowered  }
0x9b: {  	s22 =	simm.s32 $0x1BFF;
	s21 =	sshll.u32 s6, $0x1;
	s3 =	sadd.s32 s4, s19  }
0x9c: {  	s7 =	simm.s32 $0x0;
	s20 =	sshll.u32 s5, $0x1;
	s5 =	sadd.s32 s21, s3  }
0x9d: {  	[timem:s7], [sflag:s22] =	dma.local [hbm:s5], s20  }
0x9e: {  	_ =	swait.ge [sflag:s22], s20  }
0x9f: {  	s4 =	ssub.s32 $0x0, s20;
	[sflag:s22] =	ssyncset.done $0x0  }
0xa0: {  	[sflag:s22] =	ssyncadd.s32 s4;
	_ =	sdelay $0x1  }
0xa1: {  	s23 =	simm.s32 $0x1B8B  }
0xa2: {  	_ =	swait.ge [sflag:s23], $0x1  }
0xa3: {  	[sflag:s23] =	ssyncset.done $0x0  }
0xa4: {  	s25 =	simm.s32 $0x1B8E;
	s24 =	sld [smem:$0x3FFE];
	[sflag:s23] =	ssyncadd.s32 $0xFFFFFFFF  }
0xa5: {  	s26 =	simm.s32 $execute0_lowered;
	[smem:$0x3FD2] =	sst s25  }
0xa6: {  	s5 =	sshll.u32 s26, $0x1;
	_ =	strace $0x80000049;
	[dreg:$0x1] =	wrdreg $0xFFFFFFFF  }
0xa7: {  	s28 =	simm.s32 $_size_execute0_lowered;
	s3 =	sadd.s32 s3, s5;
	[dreg:$0x0] =	wrdreg $0x0  }
0xa8: {  	s5 =	sshll.u32 s28, $0x1;
	[dreg:$0x2] =	wrdreg s3  }
0xa9: {  	[dreg:$0x3] =	wrdreg s5  }
0xaa: {  	[dreg:$0x4] =	wrdreg $0xC0  }
0xab: {  	_ =	task [dreg:s7], $0x5FFFF  }
0xac: {  	[dreg:$0x1] =	wrdreg $0xFFFFFFFF  }
0xad: {  	[dreg:$0x0] =	wrdreg $0x60  }
0xae: {  	[dreg:$0x2] =	wrdreg s2  }
0xaf: {  	[dreg:$0x3] =	wrdreg s24  }
0xb0: {  	[dreg:$0x4] =	wrdreg $0x9A200  }
0xb1: {  	[dreg:$0x5] =	wrdreg $0x9  }
0xb2: {  	_ =	task.clear_ibuf [dreg:s7], $0x6FFFF;
	_ =	strace $0x90000049  }
0xb3: {  	s29 =	simm.s32 $0x9;
	_ =	strace $0x8000004B  }
0xb4: {  	_ =	swait.ge [sflag:s29], $0x1  }
0xb5: {  	[sflag:s29] =	ssyncadd.s32 $0xFFFFFFFF  }
0xb6: {  	_ =	strace $0x9000004B  }
0xb7: {  	_ =	sfence  }
0xb8: {  	s30 =	sld [smem:$0x0];
	_ =	sdelay $0x2  }
0xb9: {  	s31 =	sshll.u32 s1, $0xD;
	s1 =	sshrl.u32 s1, $0x2  }
0xba: {  	s3 =	sand.u32 $0x4000, s31;
	s1 =	sadd.s32 s1, s30  }
0xbb: {  	s0 =	sor.u32 s3, s0;
	s1 =	sshll.u32 s1, $0x11  }
0xbc: {  	s0 =	sor.u32 s1, s0  }
0xbd: {  	s0 =	sadd.s32 $0x8F2B, s0  }
0xbe: {  	[sflag:s0] =	ssyncadd.remote.s32 $0x1  }
0xbf: {  	_ =	sfence.sel $0xFFFF  }
0xc0: {  	[dreg:$0x0] =	wrdreg $0xFFFFFFFF;
	(pc) =	sbr.abs _section_cstart, $3  }
0xc1: {  	[dreg:$0x1] =	wrdreg $0xFFFFFFFF  }
0xc2: {  	_ =	task.clear_ibuf [dreg:s7], $0x2FFFF;
	_ =	strace $0x9FFFFFFF  }
0xc3: {  	(tm) =	ssettm $0x7FFFFFFF  }
tec
execute0_lowered:
.L_overlay_start_1:
0x0: {  	(tag) =	ssettag $0x1  }
0x1: {  	s1 =	rddreg [dreg:$0x0]  }
0x2: {  	s5 =	rddreg [dreg:$0x1];
	s2 =	srdreg.scid  }
0x3: {  	s0 =	stileid.u32;
	s3 =	rddreg [dreg:$0x2]  }
0x4: {  	s4 =	simm.s32 $0x0;
	s17 =	simm.s32 $0x48;
	s18 =	simm.s32 $0x5220  }
0x5: {  	s19 =	simm.s32 $0x1;
	s20 =	simm.s32 $0x7620;
	s21 =	simm.s32 $0x2  }
0x6: {  	s22 =	simm.s32 $0x3;
	s25 =	simm.s32 $0x4;
	s26 =	simm.s32 $0x0  }
0x7: {  	s14 =	sand.u32 $0x1, s2;
	s6 =	smul.u32 $0x13880, s0;
	[smem:$0x7FF] =	sst s4  }
0x8: {  	s10 =	sadd.s32 $0x16C00, s5;
	s11 =	sadd.s32 $0xC600, s5;
	s31 =	sshll.u32 s0, $0x6  }
0x9: {  	s7 =	smul.u32 $0x138800, s14;
	_ =	strace $0x8000004A;
	s8 =	ssub.s32 $0x2, s14  }
0xa: {  	s9 =	sshll.u32 s14, $0x4;
	p0 =	seq.s32 s14, $0x0;
	s29 =	sshrl.u32 s8, $0x1  }
0xb: {  	s9 =	sor.u32 s0, s9;
	s15 =	sadd.s32 s6, s3;
	s7 =	sadd.s32 s6, s7  }
0xc: {  	s13 =	ssub.s32 s8, s29;
	s30 =	smul.u32 $0x2910, s9;
	s6 =	sshrl.u32 s6, $0x3  }
0xd: {  	s7 =	sshrl.u32 s7, $0x3;
	s6 =	sadd.s32 s1, s6;
	s13 =	smax.u32 s13, $0x1  }
0xe: {  	s12 =	sadd.s32 s7, s5;
	s5 =	simm.s32 $0x92;
	s16 =	sshrl.u32 s30, $0x3  }
0xf: {  	s7 =	sor.u32 $0x1C05, s31;
	s5 =	simm.s32 @!p0 $0x84;
	s8 =	sadd.s32 s10, s16  }
0x10: {  	s9 =	sadd.s32 s11, s16;
	s16 =	sadd.s32 $0x4A4, s16;
	s12 =	sadd.s32 $0x21200, s12  }
0x11: {  	p0 =	sne.s32 s14, $0x0;
	s14 =	sshrl.u32 s15, $0x3;
	s15 =	simm.s32 $0x5  }
0x12: {  	s10 =	sadd.s32 s10, s16;
	s11 =	sadd.s32 s11, s16;
	s16 =	simm.s32 $0x2910  }
.LBB2_1:
0x13: {  	[spmem:s14], [sflag:s7] =	dma.local [hbm:s6], $0x2710  }
0x14: {  	_ =	swait.ge [sflag:s15], $0x2710  }
0x15: {  	[sflag:s15] =	ssyncset.done $0x0  }
0x16: {  	[sflag:s15] =	ssyncadd.s32 $0xFFFFD8F0  }
0x17: {  	[tilespmem:s4], [sflag:$0x5] =	stream.linear.gather [hbm4b:s8+s4], $0x2520, $0x38;
	[tilespmem:$0x1D320] =	vst v63  }
0x18: {  	_ =	swait.ge [sflag:s15], $0x2520  }
0x19: {  	[sflag:s15] =	ssyncset.done $0x0  }
0x1a: {  	[sflag:s15] =	ssyncadd.s32 $0xFFFFDAE0  }
0x1b: {  	[tilespmem:s16], [sflag:$0x5] =	stream.linear.gather [hbm4b:s9+s4], $0x2520, $0x38;
	[tilespmem:$0x1D320] =	vst v63  }
0x1c: {  	_ =	swait.ge [sflag:s15], $0x2520  }
0x1d: {  	[sflag:s15] =	ssyncset.done $0x0  }
0x1e: {  	s28 =	simm.s32 @!p0 $0x0;
	s29 =	simm.s32 @!p0 $0x2520;
	[sflag:s15] =	ssyncadd.s32 $0xFFFFDAE0  }
0x1f: {  	[tilespmem:s29], [sflag:$0x5] =	stream.linear.gather @!p0 [hbm4b:s10+s28], $0x3F0, $0x38;
	[tilespmem:$0x1D320] =	vst v63  }
0x20: {  	s29 =	simm.s32 @!p0 $0x5  }
0x21: {  	_ =	swait.ge @!p0 [sflag:s29], $0x3F0  }
0x22: {  	[sflag:s29] =	ssyncset.done @!p0 $0x0  }
0x23: {  	s30 =	simm.s32 @!p0 $0x4E30;
	[sflag:s29] =	ssyncadd.s32 @!p0 $0xFFFFFC10  }
0x24: {  	[tilespmem:s30], [sflag:$0x5] =	stream.linear.gather @!p0 [hbm4b:s11+s28], $0x3F0, $0x38;
	[tilespmem:$0x1D320] =	vst v63  }
0x25: {  	_ =	swait.ge @!p0 [sflag:s29], $0x3F0  }
0x26: {  	[sflag:s29] =	ssyncset.done @!p0 $0x0  }
0x27: {  	[sflag:s29] =	ssyncadd.s32 @!p0 $0xFFFFFC10  }
0x28: {  	[bflag:$0x0] =	sbarrier.arrive $0xFFFF  }
0x29: {  	[tilespmem:s18], [sflag:$0x1] =	stream.indirect.gather [hbm4b:s1+s17], $0x80, s4, s17, $0xb8;
	[tilespmem:$0x1D320] =	vst v63  }
0x2a: {  	_ =	swait.ge [sflag:s19], $0x2400  }
0x2b: {  	[sflag:s19] =	ssyncset.done $0x0  }
0x2c: {  	[sflag:s19] =	ssyncadd.s32 $0xFFFFDC00  }
0x2d: {  	[tilespmem:s20], [sflag:$0x2] =	stream.indirect.gather [hbm4b:s1+s17], $0x80, s17, s17, $0xb8;
	[tilespmem:$0x1D320] =	vst v63  }
0x2e: {  	_ = 	snop  }
0x2f: {  	[spmem:s3] =	stream.indirect.scatter.add.f32 [tilespmem:s18], [sflag:$0x3], $0x80, s16, s17, $0xb8;
	[tilespmem:$0x1D320] =	vst v63  }
0x30: {  	_ =	swait.ge [sflag:s21], $0x2400  }
0x31: {  	[sflag:s21] =	ssyncset.done $0x0  }
0x32: {  	[sflag:s21] =	ssyncadd.s32 $0xFFFFDC00  }
0x33: {  	_ =	swait.ge [sflag:s22], $0x2400  }
0x34: {  	[sflag:s22] =	ssyncset.done $0x0  }
0x35: {  	s0 =	simm.s32 $0x90;
	[sflag:s22] =	ssyncadd.s32 $0xFFFFDC00  }
0x36: {  	[tilespmem:s18], [sflag:$0x1] =	stream.indirect.gather [hbm4b:s1+s17], $0x80, s0, s17, $0xb8;
	[tilespmem:$0x1D320] =	vst v63  }
0x37: {  	s24 =	simm.s32 $0x2958  }
0x38: {  	[spmem:s3] =	stream.indirect.scatter.add.f32 [tilespmem:s20], [sflag:$0x4], $0x80, s24, s17, $0xb8;
	[tilespmem:$0x1D320] =	vst v63  }
0x39: {  	_ =	swait.ge [sflag:s19], $0x2400  }
0x3a: {  	p1 =	sle.u32 s5, $0x3;
	[sflag:s19] =	ssyncset.done $0x0  }
0x3b: {  	s28 =	simm.s32 @!p1 $0x4;
	[sflag:s19] =	ssyncadd.s32 $0xFFFFDC00  }
0x3c: {  	_ =	swait.ge @!p1 [sflag:s28], $0x2400  }
0x3d: {  	s30 =	simm.s32 @!p1 $0x7620;
	[sflag:s28] =	ssyncset.done @!p1 $0x0  }
0x3e: {  	s29 =	simm.s32 @!p1 $0xD8;
	[sflag:s28] =	ssyncadd.s32 @!p1 $0xFFFFDC00;
	s28 =	simm.s32 @!p1 $0x48  }
0x3f: {  	[tilespmem:s30], [sflag:$0x2] =	stream.indirect.gather @!p1 [hbm4b:s1+s28], $0x80, s29, s28, $0xb8;
	[tilespmem:$0x1D320] =	vst v63  }
0x40: {  	s28 =	simm.s32 $0x29A0  }
0x41: {  	[spmem:s3] =	stream.indirect.scatter.add.f32 [tilespmem:s18], [sflag:$0x3], $0x80, s28, s17, $0xb8;
	[tilespmem:$0x1D320] =	vst v63  }
0x42: {  	_ =	swait.ge [sflag:s21], $0x2400  }
0x43: {  	p1 =	sle.u32 s5, $0x4;
	s28 =	simm.s32 @!p0 $0x49;
	[sflag:s21] =	ssyncset.done $0x0  }
0x44: {  	s29 =	simm.s32 @!p1 $0x3;
	s28 =	simm.s32 @p0 $0x42;
	[sflag:s21] =	ssyncadd.s32 $0xFFFFDC00  }
0x45: {  	s28 =	smul.u32 $0x240, s28;
	_ =	swait.ge @!p1 [sflag:s29], $0x2400  }
0x46: {  	s30 =	simm.s32 @!p1 $0x120;
	s31 =	simm.s32 @!p1 $0x5220;
	[sflag:s29] =	ssyncset.done @!p1 $0x0  }
0x47: {  	s28 =	sadd.s32 $0xFFFFFDC0, s28;
	[sflag:s29] =	ssyncadd.s32 @!p1 $0xFFFFDC00;
	s29 =	simm.s32 @!p1 $0x48  }
0x48: {  	[tilespmem:s31], [sflag:$0x1] =	stream.indirect.gather @!p1 [hbm4b:s1+s29], $0x80, s30, s29, $0xb8;
	[tilespmem:$0x1D320] =	vst v63  }
0x49: {  	p1 =	sne.s32 s28, $0x240  }
.Ltmp0:
0x4a: {  	_ = 	snop;
	(pc) =	sbr.rel @!p1 .LBB2_3-.Ltmp0, $2  }
0x4b: {  	_ =	sdelay $0x2  }
0x4c: {  	s29 =	simm.s32 $0x240;
	s31 =	simm.s32 $0x29E8;
	s30 =	simm.s32 $0x6  }
.LBB2_2:
0x4d: {  	[spmem:s3] =	stream.indirect.scatter.add.f32 [tilespmem:s20], [sflag:$0x4], $0x80, s31, s17, $0xb8;
	[tilespmem:$0x1D320] =	vst v63  }
0x4e: {  	s31 =	smov.u32 s29  }
0x4f: {  	s2 =	sadd.s32 $0xFFFFFFFF, s30;
	s29 =	sadd.s32 $0x240, s29;
	_ =	swait.ge [sflag:s19], $0x2400  }
0x50: {  	p2 =	sge.u32 s2, s5;
	p1 =	sne.s32 s28, s29;
	[sflag:s19] =	ssyncset.done $0x0  }
0x51: {  	s2 =	simm.s32 @!p2 $0x4;
	s0 =	sshra.s32 @!p2 s31, $0x2;
	[sflag:s19] =	ssyncadd.s32 $0xFFFFDC00  }
0x52: {  	s0 =	sadd.s32 @!p2 $0xD8, s0;
	_ =	swait.ge @!p2 [sflag:s2], $0x2400  }
0x53: {  	s23 =	sshra.s32 s31, $0x2;
	[sflag:s2] =	ssyncset.done @!p2 $0x0  }
0x54: {  	s24 =	simm.s32 @!p2 $0x7620;
	[sflag:s2] =	ssyncadd.s32 @!p2 $0xFFFFDC00;
	s2 =	simm.s32 @!p2 $0x48  }
0x55: {  	[tilespmem:s24], [sflag:$0x2] =	stream.indirect.gather @!p2 [hbm4b:s1+s2], $0x80, s0, s2, $0xb8;
	[tilespmem:$0x1D320] =	vst v63  }
0x56: {  	s0 =	sadd.s32 $0x29A0, s23  }
0x57: {  	[spmem:s3] =	stream.indirect.scatter.add.f32 [tilespmem:s18], [sflag:$0x3], $0x80, s0, s17, $0xb8;
	[tilespmem:$0x1D320] =	vst v63  }
0x58: {  	_ =	swait.ge [sflag:s21], $0x2400  }
0x59: {  	p2 =	sge.u32 s30, s5;
	[sflag:s21] =	ssyncset.done $0x0  }
0x5a: {  	s2 =	sshra.s32 @!p2 s31, $0x2;
	s0 =	simm.s32 @!p2 $0x3;
	[sflag:s21] =	ssyncadd.s32 $0xFFFFDC00  }
.Ltmp1:
0x5b: {  	s2 =	sadd.s32 @!p2 $0x120, s2;
	_ =	swait.ge @!p2 [sflag:s0], $0x2400;
	(pc) =	sbr.rel @p1 .LBB2_2-.Ltmp1, $4  }
0x5c: {  	[sflag:s0] =	ssyncset.done @!p2 $0x0  }
0x5d: {  	s24 =	simm.s32 @!p2 $0x5220;
	[sflag:s0] =	ssyncadd.s32 @!p2 $0xFFFFDC00;
	s0 =	simm.s32 @!p2 $0x48  }
0x5e: {  	[tilespmem:s24], [sflag:$0x1] =	stream.indirect.gather @!p2 [hbm4b:s1+s0], $0x80, s2, s0, $0xb8;
	[tilespmem:$0x1D320] =	vst v63  }
0x5f: {  	s30 =	sadd.s32 $0x2, s30;
	s31 =	sadd.s32 $0x29E8, s23  }
.LBB2_3:
0x60: {  	[spmem:s3] =	stream.indirect.scatter.add.f32 [tilespmem:s20], [sflag:$0x4], $0x80, s31, s17, $0xb8;
	[tilespmem:$0x1D320] =	vst v63  }
0x61: {  	_ =	swait.ge [sflag:s22], $0x2400  }
0x62: {  	[sflag:s22] =	ssyncset.done $0x0  }
0x63: {  	[sflag:s22] =	ssyncadd.s32 $0xFFFFDC00  }
0x64: {  	_ =	swait.ge [sflag:s25], $0x2400  }
0x65: {  	s26 =	sadd.s32 $0x1, s26;
	[sflag:s25] =	ssyncset.done $0x0  }
0x66: {  	p1 =	sne.s32 s26, s13;
	[sflag:s25] =	ssyncadd.s32 $0xFFFFDC00  }
.Ltmp2:
0x67: {  	[bflag:$0x0] =	sbarrier.arrive $0xFFFF;
	(pc) =	sbr.rel @p1 .LBB2_1-.Ltmp2, $4  }
0x68: {  	[hbm:s12], [sflag:s7] =	dma.local [spmem:s14], $0x2710  }
0x69: {  	_ =	swait.ge [sflag:s15], $0x2710  }
0x6a: {  	[sflag:s15] =	ssyncset.done $0x0  }
0x6b: {  	[sflag:s15] =	ssyncadd.s32 $0xFFFFD8F0  }
0x6c: {  	_ =	sfence.sel $0x180000  }
0x6d: {  	[bflag:$0x0] =	sbarrier.arrive $0xFFFF  }
0x6e: {  	_ =	strace $0x9000004A  }
0x6f: {  	s0 =	stileid.u32;
	[bflag:$0x2] =	sbarrier.arrive $0xFFFF  }
0x70: {  	p0 =	sne.s32 s0, $0x0;
	s0 =	rddreg [dreg:$0x3]  }
0x71: {  	s0 =	sadd.s32 @!p0 $0x100000, s0  }
0x72: {  	[sflag:s0] =	ssyncadd.tile.s32 @!p0 $0x1;
	_ =	shalt  }
.Lfunc_end2:
_tile_overlayer_lowered:
.L_overlay_start_2:
0x73: {  	(tag) =	ssettag $0x2  }
0x74: {  	s0 =	rddreg [dreg:$0x0];
	s2 =	stileid.u32  }
0x75: {  	s1 =	rddreg [dreg:$0x1];
	p0 =	sne.s32 s2, $0x0  }
0x76: {  	s3 =	rddreg [dreg:$0x2];
	[bflag:$0x3] =	sbarrier.arrive $0xFFFF;
	s2 =	simm.s32 @!p0 $0x1C05  }
0x77: {  	[timem:s3], [sflag:s2] =	dma.local @!p0 [hbm:s0], s1  }
0x78: {  	s0 =	simm.s32 @!p0 $0x5  }
0x79: {  	_ =	swait.ge @!p0 [sflag:s0], s1  }
0x7a: {  	s1 =	ssub.s32 @!p0 $0x0, s1;
	[sflag:s0] =	ssyncset.done @!p0 $0x0  }
0x7b: {  	[sflag:s0] =	ssyncadd.s32 @!p0 s1  }
0x7c: {  	[bflag:$0x3] =	sbarrier.arrive $0xFFFF  }
0x7d: {  	_ =	shalt  }

// kernel: kernel.14.cloned.1.call-start
scs
__scs_entry_jumppad:
0x0: {  	(pc) =	sbr.rel $0x88, $3  }
0x1: {  	(tag) =	ssettag $0x0;
	lr =	simm.s32 $0x1  }
0x2: {  	[smem:$0x3F9B] =	sst lr;
	_ =	strace $0xD0000000  }
0x3: {  	_ = 	snop  }
0x4: {  	_ = 	snop  }
0x5: {  	_ = 	snop  }
0x6: {  	_ = 	snop  }
0x7: {  	_ = 	snop  }
__scs_overlays_trampoline_lowered:
0x8: {  	[smem:$0x3FAA] =	sst s0  }
0x9: {  	[smem:$0x3FAB] =	sst s1  }
0xa: {  	[smem:$0x3FAC] =	sst s2  }
0xb: {  	[smem:$0x3FAD] =	sst s3  }
0xc: {  	[smem:$0x3FAE] =	sst s4  }
0xd: {  	[smem:$0x3FAF] =	sst s5  }
0xe: {  	[smem:$0x3FB0] =	sst s6  }
0xf: {  	[smem:$0x3FB1] =	sst s7  }
0x10: {  	[smem:$0x3FB2] =	sst s8  }
0x11: {  	[smem:$0x3FB3] =	sst s9;
	s0 =	simm.s32 @!p0 $0x0  }
0x12: {  	s1 =	sld [smem:$0x3F99];
	s0 =	simm.s32 @p0 $0x1  }
0x13: {  	[smem:$0x3FB4] =	sst s0;
	s0 =	simm.s32 @!p1 $0x0  }
0x14: {  	s2 =	sld [smem:$0x3F98];
	s0 =	simm.s32 @p1 $0x1  }
0x15: {  	[smem:$0x3FB5] =	sst s0;
	s0 =	simm.s32 @!p2 $0x0  }
0x16: {  	s3 =	sld [smem:$0x3FDB];
	s0 =	simm.s32 @p2 $0x1  }
0x17: {  	s4 =	simm.s32 $0x1BF5;
	[smem:$0x3FB7] =	sst s0  }
0x18: {  	s0 =	sld [smem:$0x3F9A];
	_ =	swait.ge [sflag:s4], $0x0  }
0x19: {  	s7 =	sld [smem:$0x3F9B]  }
0x1a: {  	s8 =	sadd.s32 $0xFFFFE003, lr  }
0x1b: {  	s9 =	sadd.s32 $0xFFFFFEF7, lr;
	s5 =	simm.s32 $0xFFFFFFFF;
	p2 =	slt.u32 s8, $0xFFFFF086  }
0x1c: {  	p1 =	slt.u32 s9, $0xF7A;
	s5 =	simm.s32 @!p2 $0x0  }
0x1d: {  	s5 =	simm.s32 @p1 $0x1;
	p0 =	seq.s32 s7, s2  }
0x1e: {  	s7 =	smul.u32 @!p0 $0xF7A, s2;
	p2 =	seq.s32 @!p0 s5, $0x0  }
0x1f: {  	s9 =	smul.u32 $0xF7A, s1;
	s8 =	simm.s32 @!p0 $0x1BF5;
	p2 =	por !p2, p0  }
0x20: {  	[sflag:s8] =	ssyncset.s32 @!p0 $0xFFFFF086;
	s6 =	sadd.s32 @!p0 s3, s7;
	s7 =	simm.s32 @!p0 $0x108  }
0x21: {  	s3 =	sadd.s32 s3, s9;
	s6 =	sadd.s32 @!p0 $0x88, s6;
	s7 =	simm.s32 @p2 $0x1082  }
0x22: {  	[simem:s7], [sflag:s8] =	dma.local @!p0 [hbm:s6], $0xF7A  }
0x23: {  	s9 =	sor.u32 $0xD0000000, s2;
	s6 =	simm.s32 $0x108;
	_ =	swait.ge @!p0 [sflag:s8], $0x0  }
0x24: {  	s3 =	sadd.s32 $0x88, s3;
	s6 =	simm.s32 @!p1 $0x1082;
	[sflag:s4] =	ssyncset.s32 $0xFFFFF086  }
0x25: {  	[simem:s6], [sflag:s4] =	dma.local [hbm:s3], $0xF7A  }
0x26: {  	[smem:$0x3F9B] =	sst s1;
	(tag) =	ssettag s2;
	_ =	strace s9  }
0x27: {  	s1 =	sld [smem:$0x3FAB]  }
0x28: {  	s2 =	sld [smem:$0x3FAC]  }
0x29: {  	s4 =	sld [smem:$0x3FAE]  }
0x2a: {  	p0 =	seq.s32 s5, $0x0;
	s5 =	sld [smem:$0x3FAF]  }
0x2b: {  	s6 =	sld [smem:$0x3FB0]  }
0x2c: {  	s7 =	sld [smem:$0x3FB1]  }
0x2d: {  	s3 =	simm.s32 $0x108;
	s8 =	sld [smem:$0x3FB2]  }
0x2e: {  	s3 =	simm.s32 @!p0 $0x1082;
	s9 =	sld [smem:$0x3FB3]  }
0x2f: {  	lr =	sadd.s32 s0, s3;
	s0 =	sld [smem:$0x3FAA]  }
0x30: {  	s3 =	sld [smem:$0x3FAD]  }
0x31: {  	[smem:$0x3FB6] =	sst s10  }
0x32: {  	s10 =	sld [smem:$0x3FB4];
	_ =	sdelay $0x3  }
0x33: {  	p0 =	seq.s32 s10, $0x1;
	s10 =	sld [smem:$0x3FB6];
	_ =	sdelay $0x3  }
0x34: {  	[smem:$0x3FB6] =	sst s10  }
0x35: {  	s10 =	sld [smem:$0x3FB5];
	_ =	sdelay $0x3  }
0x36: {  	p1 =	seq.s32 s10, $0x1;
	s10 =	sld [smem:$0x3FB6];
	_ =	sdelay $0x3  }
0x37: {  	[smem:$0x3FB6] =	sst s10  }
0x38: {  	s10 =	sld [smem:$0x3FB7]  }
0x39: {  	_ = 	snop;
	(pc) =	sbr.ind lr, $3  }
0x3a: {  	_ = 	snop  }
0x3b: {  	_ = 	snop  }
0x3c: {  	p2 =	seq.s32 s10, $0x1;
	s10 =	sld [smem:$0x3FB6]  }
0x3d: {  	_ =	shalt  }
0x3e: {  	_ =	shalt  }
0x3f: {  	_ =	shalt  }
0x40: {  	_ =	shalt  }
0x41: {  	_ =	shalt  }
0x42: {  	_ =	shalt  }
0x43: {  	_ =	shalt  }
0x44: {  	_ =	shalt  }
0x45: {  	_ =	shalt  }
0x46: {  	_ =	shalt  }
0x47: {  	_ =	shalt  }
0x48: {  	_ =	shalt  }
0x49: {  	_ =	shalt  }
0x4a: {  	_ =	shalt  }
0x4b: {  	_ =	shalt  }
0x4c: {  	_ =	shalt  }
0x4d: {  	_ =	shalt  }
0x4e: {  	_ =	shalt  }
0x4f: {  	_ =	shalt  }
0x50: {  	_ =	shalt  }
0x51: {  	_ =	shalt  }
0x52: {  	_ =	shalt  }
0x53: {  	_ =	shalt  }
0x54: {  	_ =	shalt  }
0x55: {  	_ =	shalt  }
0x56: {  	_ =	shalt  }
0x57: {  	_ =	shalt  }
0x58: {  	_ =	shalt  }
0x59: {  	_ =	shalt  }
0x5a: {  	_ =	shalt  }
0x5b: {  	_ =	shalt  }
0x5c: {  	_ =	shalt  }
0x5d: {  	_ =	shalt  }
0x5e: {  	_ =	shalt  }
0x5f: {  	_ =	shalt  }
0x60: {  	_ =	shalt  }
0x61: {  	_ =	shalt  }
0x62: {  	_ =	shalt  }
0x63: {  	_ =	shalt  }
0x64: {  	_ =	shalt  }
0x65: {  	_ =	shalt  }
0x66: {  	_ =	shalt  }
0x67: {  	_ =	shalt  }
0x68: {  	_ =	shalt  }
0x69: {  	_ =	shalt  }
0x6a: {  	_ =	shalt  }
0x6b: {  	_ =	shalt  }
0x6c: {  	_ =	shalt  }
0x6d: {  	_ =	shalt  }
0x6e: {  	_ =	shalt  }
0x6f: {  	_ =	shalt  }
0x70: {  	_ =	shalt  }
0x71: {  	_ =	shalt  }
0x72: {  	_ =	shalt  }
0x73: {  	_ =	shalt  }
0x74: {  	_ =	shalt  }
0x75: {  	_ =	shalt  }
0x76: {  	_ =	shalt  }
0x77: {  	_ =	shalt  }
0x78: {  	_ =	shalt  }
0x79: {  	_ =	shalt  }
0x7a: {  	_ =	shalt  }
0x7b: {  	_ =	shalt  }
0x7c: {  	_ =	shalt  }
0x7d: {  	_ =	shalt  }
0x7e: {  	_ =	shalt  }
0x7f: {  	_ =	shalt  }
0x80: {  	_ =	shalt  }
0x81: {  	_ =	shalt  }
0x82: {  	_ =	shalt  }
0x83: {  	_ =	shalt  }
0x84: {  	_ =	shalt  }
0x85: {  	_ =	shalt  }
0x86: {  	_ =	shalt  }
0x87: {  	_ =	shalt  }
.Lfunc_end0:
.L_simem_size_0:
called_computation.2_lowered:
.L_overlay_start_0:
0x88: {  	s2 =	sld [smem:$0x3FD9]  }
0x89: {  	s3 =	sld [smem:$0x3FFE];
	_ =	sdelay $0x1  }
0x8a: {  	s1 =	srdreg.scid  }
0x8b: {  	s0 =	sand.u32 $0x1, s1  }
0x8c: {  	s17 =	sshll.u32 s0, $0xA;
	s2 =	sadd.s32 s3, s2  }
0x8d: {  	s2 =	sadd.s32 s2, s17  }
0x8e: {  	[smem:$0x3FC2] =	sst s2  }
0x8f: {  	_ = 	snop  }
0x90: {  	s2 =	sld [smem:$0x3FD0];
	(tm) =	ssettm $0x1  }
0x91: {  	s18 =	sld [smem:$0x3FFB];
	_ =	sdelay $0x3  }
0x92: {  	_ =	strace s18  }
0x93: {  	s3 =	sld [smem:$0x3FFC];
	_ =	sdelay $0x3  }
0x94: {  	_ =	strace s3  }
0x95: {  	s3 =	sld [smem:$0x3FFD];
	_ =	sdelay $0x3  }
0x96: {  	_ =	strace s3  }
0x97: {  	_ =	strace $0x8FFFFFFF  }
0x98: {  	s19 =	sld [smem:$0x3FDB];
	_ =	sdelay $0x1  }
0x99: {  	s4 =	simm.s32 $_scs_section_size  }
0x9a: {  	s5 =	simm.s32 $_size__tile_overlayer_lowered;
	s6 =	simm.s32 $_tile_overlayer_lowered  }
0x9b: {  	s22 =	simm.s32 $0x1BFF;
	s21 =	sshll.u32 s6, $0x1;
	s3 =	sadd.s32 s4, s19  }
0x9c: {  	s7 =	simm.s32 $0x0;
	s20 =	sshll.u32 s5, $0x1;
	s5 =	sadd.s32 s21, s3  }
0x9d: {  	[timem:s7], [sflag:s22] =	dma.local [hbm:s5], s20  }
0x9e: {  	_ =	swait.ge [sflag:s22], s20  }
0x9f: {  	s4 =	ssub.s32 $0x0, s20;
	[sflag:s22] =	ssyncset.done $0x0  }
0xa0: {  	[sflag:s22] =	ssyncadd.s32 s4;
	_ =	sdelay $0x1  }
0xa1: {  	s23 =	simm.s32 $0x1B8B  }
0xa2: {  	_ =	swait.ge [sflag:s23], $0x1  }
0xa3: {  	[sflag:s23] =	ssyncset.done $0x0  }
0xa4: {  	s25 =	simm.s32 $0x1B8E;
	s24 =	sld [smem:$0x3FFE];
	[sflag:s23] =	ssyncadd.s32 $0xFFFFFFFF  }
0xa5: {  	s26 =	simm.s32 $execute0_lowered;
	[smem:$0x3FD2] =	sst s25  }
0xa6: {  	s5 =	sshll.u32 s26, $0x1;
	_ =	strace $0x8000004C;
	[dreg:$0x1] =	wrdreg $0xFFFFFFFF  }
0xa7: {  	s28 =	simm.s32 $_size_execute0_lowered;
	s3 =	sadd.s32 s3, s5;
	[dreg:$0x0] =	wrdreg $0x0  }
0xa8: {  	s5 =	sshll.u32 s28, $0x1;
	[dreg:$0x2] =	wrdreg s3  }
0xa9: {  	[dreg:$0x3] =	wrdreg s5  }
0xaa: {  	[dreg:$0x4] =	wrdreg $0xC0  }
0xab: {  	_ =	task [dreg:s7], $0x5FFFF  }
0xac: {  	[dreg:$0x1] =	wrdreg $0xFFFFFFFF  }
0xad: {  	[dreg:$0x0] =	wrdreg $0x60  }
0xae: {  	[dreg:$0x2] =	wrdreg s2  }
0xaf: {  	[dreg:$0x3] =	wrdreg s24  }
0xb0: {  	[dreg:$0x4] =	wrdreg $0x9A200  }
0xb1: {  	[dreg:$0x5] =	wrdreg $0x9  }
0xb2: {  	_ =	task.clear_ibuf [dreg:s7], $0x6FFFF;
	_ =	strace $0x9000004C  }
0xb3: {  	s29 =	simm.s32 $0x9;
	_ =	strace $0x8000004E  }
0xb4: {  	_ =	swait.ge [sflag:s29], $0x1  }
0xb5: {  	[sflag:s29] =	ssyncadd.s32 $0xFFFFFFFF  }
0xb6: {  	_ =	strace $0x9000004E  }
0xb7: {  	_ =	sfence  }
0xb8: {  	s30 =	sld [smem:$0x0];
	_ =	sdelay $0x2  }
0xb9: {  	s31 =	sshll.u32 s1, $0xD;
	s1 =	sshrl.u32 s1, $0x2  }
0xba: {  	s3 =	sand.u32 $0x4000, s31;
	s1 =	sadd.s32 s1, s30  }
0xbb: {  	s0 =	sor.u32 s3, s0;
	s1 =	sshll.u32 s1, $0x11  }
0xbc: {  	s0 =	sor.u32 s1, s0  }
0xbd: {  	s0 =	sadd.s32 $0x8F2B, s0  }
0xbe: {  	[sflag:s0] =	ssyncadd.remote.s32 $0x1  }
0xbf: {  	_ =	sfence.sel $0xFFFF  }
0xc0: {  	[dreg:$0x0] =	wrdreg $0xFFFFFFFF;
	(pc) =	sbr.abs _section_cstart, $3  }
0xc1: {  	[dreg:$0x1] =	wrdreg $0xFFFFFFFF  }
0xc2: {  	_ =	task.clear_ibuf [dreg:s7], $0x2FFFF;
	_ =	strace $0x9FFFFFFF  }
0xc3: {  	(tm) =	ssettm $0x7FFFFFFF  }
tec
execute0_lowered:
.L_overlay_start_1:
0x0: {  	(tag) =	ssettag $0x1  }
0x1: {  	s1 =	rddreg [dreg:$0x0]  }
0x2: {  	s5 =	rddreg [dreg:$0x1];
	s2 =	srdreg.scid  }
0x3: {  	s0 =	stileid.u32;
	s3 =	rddreg [dreg:$0x2]  }
0x4: {  	s4 =	simm.s32 $0x0;
	s17 =	simm.s32 $0x48;
	s18 =	simm.s32 $0x5220  }
0x5: {  	s19 =	simm.s32 $0x1;
	s20 =	simm.s32 $0x7620;
	s21 =	simm.s32 $0x2  }
0x6: {  	s22 =	simm.s32 $0x3;
	s25 =	simm.s32 $0x4;
	s26 =	simm.s32 $0x0  }
0x7: {  	s14 =	sand.u32 $0x1, s2;
	s6 =	smul.u32 $0x13880, s0;
	[smem:$0x7FF] =	sst s4  }
0x8: {  	s10 =	sadd.s32 $0x16C00, s5;
	s11 =	sadd.s32 $0xC600, s5;
	s31 =	sshll.u32 s0, $0x6  }
0x9: {  	s7 =	smul.u32 $0x138800, s14;
	_ =	strace $0x8000004D;
	s8 =	ssub.s32 $0x2, s14  }
0xa: {  	s9 =	sshll.u32 s14, $0x4;
	p0 =	seq.s32 s14, $0x0;
	s29 =	sshrl.u32 s8, $0x1  }
0xb: {  	s9 =	sor.u32 s0, s9;
	s15 =	sadd.s32 s6, s3;
	s7 =	sadd.s32 s6, s7  }
0xc: {  	s13 =	ssub.s32 s8, s29;
	s30 =	smul.u32 $0x2910, s9;
	s6 =	sshrl.u32 s6, $0x3  }
0xd: {  	s7 =	sshrl.u32 s7, $0x3;
	s6 =	sadd.s32 s1, s6;
	s13 =	smax.u32 s13, $0x1  }
0xe: {  	s12 =	sadd.s32 s7, s5;
	s5 =	simm.s32 $0x92;
	s16 =	sshrl.u32 s30, $0x3  }
0xf: {  	s7 =	sor.u32 $0x1C05, s31;
	s5 =	simm.s32 @!p0 $0x84;
	s8 =	sadd.s32 s10, s16  }
0x10: {  	s9 =	sadd.s32 s11, s16;
	s16 =	sadd.s32 $0x4A4, s16;
	s12 =	sadd.s32 $0x21200, s12  }
0x11: {  	p0 =	sne.s32 s14, $0x0;
	s14 =	sshrl.u32 s15, $0x3;
	s15 =	simm.s32 $0x5  }
0x12: {  	s10 =	sadd.s32 s10, s16;
	s11 =	sadd.s32 s11, s16;
	s16 =	simm.s32 $0x2910  }
.LBB2_1:
0x13: {  	[spmem:s14], [sflag:s7] =	dma.local [hbm:s6], $0x2710  }
0x14: {  	_ =	swait.ge [sflag:s15], $0x2710  }
0x15: {  	[sflag:s15] =	ssyncset.done $0x0  }
0x16: {  	[sflag:s15] =	ssyncadd.s32 $0xFFFFD8F0  }
0x17: {  	[tilespmem:s4], [sflag:$0x5] =	stream.linear.gather [hbm4b:s8+s4], $0x2520, $0x38;
	[tilespmem:$0x1D320] =	vst v63  }
0x18: {  	_ =	swait.ge [sflag:s15], $0x2520  }
0x19: {  	[sflag:s15] =	ssyncset.done $0x0  }
0x1a: {  	[sflag:s15] =	ssyncadd.s32 $0xFFFFDAE0  }
0x1b: {  	[tilespmem:s16], [sflag:$0x5] =	stream.linear.gather [hbm4b:s9+s4], $0x2520, $0x38;
	[tilespmem:$0x1D320] =	vst v63  }
0x1c: {  	_ =	swait.ge [sflag:s15], $0x2520  }
0x1d: {  	[sflag:s15] =	ssyncset.done $0x0  }
0x1e: {  	s28 =	simm.s32 @!p0 $0x0;
	s29 =	simm.s32 @!p0 $0x2520;
	[sflag:s15] =	ssyncadd.s32 $0xFFFFDAE0  }
0x1f: {  	[tilespmem:s29], [sflag:$0x5] =	stream.linear.gather @!p0 [hbm4b:s10+s28], $0x3F0, $0x38;
	[tilespmem:$0x1D320] =	vst v63  }
0x20: {  	s29 =	simm.s32 @!p0 $0x5  }
0x21: {  	_ =	swait.ge @!p0 [sflag:s29], $0x3F0  }
0x22: {  	[sflag:s29] =	ssyncset.done @!p0 $0x0  }
0x23: {  	s30 =	simm.s32 @!p0 $0x4E30;
	[sflag:s29] =	ssyncadd.s32 @!p0 $0xFFFFFC10  }
0x24: {  	[tilespmem:s30], [sflag:$0x5] =	stream.linear.gather @!p0 [hbm4b:s11+s28], $0x3F0, $0x38;
	[tilespmem:$0x1D320] =	vst v63  }
0x25: {  	_ =	swait.ge @!p0 [sflag:s29], $0x3F0  }
0x26: {  	[sflag:s29] =	ssyncset.done @!p0 $0x0  }
0x27: {  	[sflag:s29] =	ssyncadd.s32 @!p0 $0xFFFFFC10  }
0x28: {  	[bflag:$0x0] =	sbarrier.arrive $0xFFFF  }
0x29: {  	[tilespmem:s18], [sflag:$0x1] =	stream.indirect.gather [hbm4b:s1+s17], $0x80, s4, s17, $0xb8;
	[tilespmem:$0x1D320] =	vst v63  }
0x2a: {  	_ =	swait.ge [sflag:s19], $0x2400  }
0x2b: {  	[sflag:s19] =	ssyncset.done $0x0  }
0x2c: {  	[sflag:s19] =	ssyncadd.s32 $0xFFFFDC00  }
0x2d: {  	[tilespmem:s20], [sflag:$0x2] =	stream.indirect.gather [hbm4b:s1+s17], $0x80, s17, s17, $0xb8;
	[tilespmem:$0x1D320] =	vst v63  }
0x2e: {  	_ = 	snop  }
0x2f: {  	[spmem:s3] =	stream.indirect.scatter.add.f32 [tilespmem:s18], [sflag:$0x3], $0x80, s16, s17, $0xb8;
	[tilespmem:$0x1D320] =	vst v63  }
0x30: {  	_ =	swait.ge [sflag:s21], $0x2400  }
0x31: {  	[sflag:s21] =	ssyncset.done $0x0  }
0x32: {  	[sflag:s21] =	ssyncadd.s32 $0xFFFFDC00  }
0x33: {  	_ =	swait.ge [sflag:s22], $0x2400  }
0x34: {  	[sflag:s22] =	ssyncset.done $0x0  }
0x35: {  	s0 =	simm.s32 $0x90;
	[sflag:s22] =	ssyncadd.s32 $0xFFFFDC00  }
0x36: {  	[tilespmem:s18], [sflag:$0x1] =	stream.indirect.gather [hbm4b:s1+s17], $0x80, s0, s17, $0xb8;
	[tilespmem:$0x1D320] =	vst v63  }
0x37: {  	s24 =	simm.s32 $0x2958  }
0x38: {  	[spmem:s3] =	stream.indirect.scatter.add.f32 [tilespmem:s20], [sflag:$0x4], $0x80, s24, s17, $0xb8;
	[tilespmem:$0x1D320] =	vst v63  }
0x39: {  	_ =	swait.ge [sflag:s19], $0x2400  }
0x3a: {  	p1 =	sle.u32 s5, $0x3;
	[sflag:s19] =	ssyncset.done $0x0  }
0x3b: {  	s28 =	simm.s32 @!p1 $0x4;
	[sflag:s19] =	ssyncadd.s32 $0xFFFFDC00  }
0x3c: {  	_ =	swait.ge @!p1 [sflag:s28], $0x2400  }
0x3d: {  	s30 =	simm.s32 @!p1 $0x7620;
	[sflag:s28] =	ssyncset.done @!p1 $0x0  }
0x3e: {  	s29 =	simm.s32 @!p1 $0xD8;
	[sflag:s28] =	ssyncadd.s32 @!p1 $0xFFFFDC00;
	s28 =	simm.s32 @!p1 $0x48  }
0x3f: {  	[tilespmem:s30], [sflag:$0x2] =	stream.indirect.gather @!p1 [hbm4b:s1+s28], $0x80, s29, s28, $0xb8;
	[tilespmem:$0x1D320] =	vst v63  }
0x40: {  	s28 =	simm.s32 $0x29A0  }
0x41: {  	[spmem:s3] =	stream.indirect.scatter.add.f32 [tilespmem:s18], [sflag:$0x3], $0x80, s28, s17, $0xb8;
	[tilespmem:$0x1D320] =	vst v63  }
0x42: {  	_ =	swait.ge [sflag:s21], $0x2400  }
0x43: {  	p1 =	sle.u32 s5, $0x4;
	s28 =	simm.s32 @!p0 $0x49;
	[sflag:s21] =	ssyncset.done $0x0  }
0x44: {  	s29 =	simm.s32 @!p1 $0x3;
	s28 =	simm.s32 @p0 $0x42;
	[sflag:s21] =	ssyncadd.s32 $0xFFFFDC00  }
0x45: {  	s28 =	smul.u32 $0x240, s28;
	_ =	swait.ge @!p1 [sflag:s29], $0x2400  }
0x46: {  	s30 =	simm.s32 @!p1 $0x120;
	s31 =	simm.s32 @!p1 $0x5220;
	[sflag:s29] =	ssyncset.done @!p1 $0x0  }
0x47: {  	s28 =	sadd.s32 $0xFFFFFDC0, s28;
	[sflag:s29] =	ssyncadd.s32 @!p1 $0xFFFFDC00;
	s29 =	simm.s32 @!p1 $0x48  }
0x48: {  	[tilespmem:s31], [sflag:$0x1] =	stream.indirect.gather @!p1 [hbm4b:s1+s29], $0x80, s30, s29, $0xb8;
	[tilespmem:$0x1D320] =	vst v63  }
0x49: {  	p1 =	sne.s32 s28, $0x240  }
.Ltmp0:
0x4a: {  	_ = 	snop;
	(pc) =	sbr.rel @!p1 .LBB2_3-.Ltmp0, $2  }
0x4b: {  	_ =	sdelay $0x2  }
0x4c: {  	s29 =	simm.s32 $0x240;
	s31 =	simm.s32 $0x29E8;
	s30 =	simm.s32 $0x6  }
.LBB2_2:
0x4d: {  	[spmem:s3] =	stream.indirect.scatter.add.f32 [tilespmem:s20], [sflag:$0x4], $0x80, s31, s17, $0xb8;
	[tilespmem:$0x1D320] =	vst v63  }
0x4e: {  	s31 =	smov.u32 s29  }
0x4f: {  	s2 =	sadd.s32 $0xFFFFFFFF, s30;
	s29 =	sadd.s32 $0x240, s29;
	_ =	swait.ge [sflag:s19], $0x2400  }
0x50: {  	p2 =	sge.u32 s2, s5;
	p1 =	sne.s32 s28, s29;
	[sflag:s19] =	ssyncset.done $0x0  }
0x51: {  	s2 =	simm.s32 @!p2 $0x4;
	s0 =	sshra.s32 @!p2 s31, $0x2;
	[sflag:s19] =	ssyncadd.s32 $0xFFFFDC00  }
0x52: {  	s0 =	sadd.s32 @!p2 $0xD8, s0;
	_ =	swait.ge @!p2 [sflag:s2], $0x2400  }
0x53: {  	s23 =	sshra.s32 s31, $0x2;
	[sflag:s2] =	ssyncset.done @!p2 $0x0  }
0x54: {  	s24 =	simm.s32 @!p2 $0x7620;
	[sflag:s2] =	ssyncadd.s32 @!p2 $0xFFFFDC00;
	s2 =	simm.s32 @!p2 $0x48  }
0x55: {  	[tilespmem:s24], [sflag:$0x2] =	stream.indirect.gather @!p2 [hbm4b:s1+s2], $0x80, s0, s2, $0xb8;
	[tilespmem:$0x1D320] =	vst v63  }
0x56: {  	s0 =	sadd.s32 $0x29A0, s23  }
0x57: {  	[spmem:s3] =	stream.indirect.scatter.add.f32 [tilespmem:s18], [sflag:$0x3], $0x80, s0, s17, $0xb8;
	[tilespmem:$0x1D320] =	vst v63  }
0x58: {  	_ =	swait.ge [sflag:s21], $0x2400  }
0x59: {  	p2 =	sge.u32 s30, s5;
	[sflag:s21] =	ssyncset.done $0x0  }
0x5a: {  	s2 =	sshra.s32 @!p2 s31, $0x2;
	s0 =	simm.s32 @!p2 $0x3;
	[sflag:s21] =	ssyncadd.s32 $0xFFFFDC00  }
.Ltmp1:
0x5b: {  	s2 =	sadd.s32 @!p2 $0x120, s2;
	_ =	swait.ge @!p2 [sflag:s0], $0x2400;
	(pc) =	sbr.rel @p1 .LBB2_2-.Ltmp1, $4  }
0x5c: {  	[sflag:s0] =	ssyncset.done @!p2 $0x0  }
0x5d: {  	s24 =	simm.s32 @!p2 $0x5220;
	[sflag:s0] =	ssyncadd.s32 @!p2 $0xFFFFDC00;
	s0 =	simm.s32 @!p2 $0x48  }
0x5e: {  	[tilespmem:s24], [sflag:$0x1] =	stream.indirect.gather @!p2 [hbm4b:s1+s0], $0x80, s2, s0, $0xb8;
	[tilespmem:$0x1D320] =	vst v63  }
0x5f: {  	s30 =	sadd.s32 $0x2, s30;
	s31 =	sadd.s32 $0x29E8, s23  }
.LBB2_3:
0x60: {  	[spmem:s3] =	stream.indirect.scatter.add.f32 [tilespmem:s20], [sflag:$0x4], $0x80, s31, s17, $0xb8;
	[tilespmem:$0x1D320] =	vst v63  }
0x61: {  	_ =	swait.ge [sflag:s22], $0x2400  }
0x62: {  	[sflag:s22] =	ssyncset.done $0x0  }
0x63: {  	[sflag:s22] =	ssyncadd.s32 $0xFFFFDC00  }
0x64: {  	_ =	swait.ge [sflag:s25], $0x2400  }
0x65: {  	s26 =	sadd.s32 $0x1, s26;
	[sflag:s25] =	ssyncset.done $0x0  }
0x66: {  	p1 =	sne.s32 s26, s13;
	[sflag:s25] =	ssyncadd.s32 $0xFFFFDC00  }
.Ltmp2:
0x67: {  	[bflag:$0x0] =	sbarrier.arrive $0xFFFF;
	(pc) =	sbr.rel @p1 .LBB2_1-.Ltmp2, $4  }
0x68: {  	[hbm:s12], [sflag:s7] =	dma.local [spmem:s14], $0x2710  }
0x69: {  	_ =	swait.ge [sflag:s15], $0x2710  }
0x6a: {  	[sflag:s15] =	ssyncset.done $0x0  }
0x6b: {  	[sflag:s15] =	ssyncadd.s32 $0xFFFFD8F0  }
0x6c: {  	_ =	sfence.sel $0x180000  }
0x6d: {  	[bflag:$0x0] =	sbarrier.arrive $0xFFFF  }
0x6e: {  	_ =	strace $0x9000004D  }
0x6f: {  	s0 =	stileid.u32;
	[bflag:$0x2] =	sbarrier.arrive $0xFFFF  }
0x70: {  	p0 =	sne.s32 s0, $0x0;
	s0 =	rddreg [dreg:$0x3]  }
0x71: {  	s0 =	sadd.s32 @!p0 $0x100000, s0  }
0x72: {  	[sflag:s0] =	ssyncadd.tile.s32 @!p0 $0x1;
	_ =	shalt  }
.Lfunc_end2:
_tile_overlayer_lowered:
.L_overlay_start_2:
0x73: {  	(tag) =	ssettag $0x2  }
0x74: {  	s0 =	rddreg [dreg:$0x0];
	s2 =	stileid.u32  }
0x75: {  	s1 =	rddreg [dreg:$0x1];
	p0 =	sne.s32 s2, $0x0  }
0x76: {  	s3 =	rddreg [dreg:$0x2];
	[bflag:$0x3] =	sbarrier.arrive $0xFFFF;
	s2 =	simm.s32 @!p0 $0x1C05  }
0x77: {  	[timem:s3], [sflag:s2] =	dma.local @!p0 [hbm:s0], s1  }
0x78: {  	s0 =	simm.s32 @!p0 $0x5  }
0x79: {  	_ =	swait.ge @!p0 [sflag:s0], s1  }
0x7a: {  	s1 =	ssub.s32 @!p0 $0x0, s1;
	[sflag:s0] =	ssyncset.done @!p0 $0x0  }
0x7b: {  	[sflag:s0] =	ssyncadd.s32 @!p0 s1  }
0x7c: {  	[bflag:$0x3] =	sbarrier.arrive $0xFFFF  }
0x7d: {  	_ =	shalt  }

// kernel: kernel.8.cloned.1.call-start
scs
__scs_entry_jumppad:
0x0: {  	(pc) =	sbr.rel $0x88, $3  }
0x1: {  	(tag) =	ssettag $0x0;
	lr =	simm.s32 $0x1  }
0x2: {  	[smem:$0x3F9B] =	sst lr;
	_ =	strace $0xD0000000  }
0x3: {  	_ = 	snop  }
0x4: {  	_ = 	snop  }
0x5: {  	_ = 	snop  }
0x6: {  	_ = 	snop  }
0x7: {  	_ = 	snop  }
__scs_overlays_trampoline_lowered:
0x8: {  	[smem:$0x3FAA] =	sst s0  }
0x9: {  	[smem:$0x3FAB] =	sst s1  }
0xa: {  	[smem:$0x3FAC] =	sst s2  }
0xb: {  	[smem:$0x3FAD] =	sst s3  }
0xc: {  	[smem:$0x3FAE] =	sst s4  }
0xd: {  	[smem:$0x3FAF] =	sst s5  }
0xe: {  	[smem:$0x3FB0] =	sst s6  }
0xf: {  	[smem:$0x3FB1] =	sst s7  }
0x10: {  	[smem:$0x3FB2] =	sst s8  }
0x11: {  	[smem:$0x3FB3] =	sst s9;
	s0 =	simm.s32 @!p0 $0x0  }
0x12: {  	s1 =	sld [smem:$0x3F99];
	s0 =	simm.s32 @p0 $0x1  }
0x13: {  	[smem:$0x3FB4] =	sst s0;
	s0 =	simm.s32 @!p1 $0x0  }
0x14: {  	s2 =	sld [smem:$0x3F98];
	s0 =	simm.s32 @p1 $0x1  }
0x15: {  	[smem:$0x3FB5] =	sst s0;
	s0 =	simm.s32 @!p2 $0x0  }
0x16: {  	s3 =	sld [smem:$0x3FDB];
	s0 =	simm.s32 @p2 $0x1  }
0x17: {  	s4 =	simm.s32 $0x1BF5;
	[smem:$0x3FB7] =	sst s0  }
0x18: {  	s0 =	sld [smem:$0x3F9A];
	_ =	swait.ge [sflag:s4], $0x0  }
0x19: {  	s7 =	sld [smem:$0x3F9B]  }
0x1a: {  	s8 =	sadd.s32 $0xFFFFE003, lr  }
0x1b: {  	s9 =	sadd.s32 $0xFFFFFEF7, lr;
	s5 =	simm.s32 $0xFFFFFFFF;
	p2 =	slt.u32 s8, $0xFFFFF086  }
0x1c: {  	p1 =	slt.u32 s9, $0xF7A;
	s5 =	simm.s32 @!p2 $0x0  }
0x1d: {  	s5 =	simm.s32 @p1 $0x1;
	p0 =	seq.s32 s7, s2  }
0x1e: {  	s7 =	smul.u32 @!p0 $0xF7A, s2;
	p2 =	seq.s32 @!p0 s5, $0x0  }
0x1f: {  	s9 =	smul.u32 $0xF7A, s1;
	s8 =	simm.s32 @!p0 $0x1BF5;
	p2 =	por !p2, p0  }
0x20: {  	[sflag:s8] =	ssyncset.s32 @!p0 $0xFFFFF086;
	s6 =	sadd.s32 @!p0 s3, s7;
	s7 =	simm.s32 @!p0 $0x108  }
0x21: {  	s3 =	sadd.s32 s3, s9;
	s6 =	sadd.s32 @!p0 $0x88, s6;
	s7 =	simm.s32 @p2 $0x1082  }
0x22: {  	[simem:s7], [sflag:s8] =	dma.local @!p0 [hbm:s6], $0xF7A  }
0x23: {  	s9 =	sor.u32 $0xD0000000, s2;
	s6 =	simm.s32 $0x108;
	_ =	swait.ge @!p0 [sflag:s8], $0x0  }
0x24: {  	s3 =	sadd.s32 $0x88, s3;
	s6 =	simm.s32 @!p1 $0x1082;
	[sflag:s4] =	ssyncset.s32 $0xFFFFF086  }
0x25: {  	[simem:s6], [sflag:s4] =	dma.local [hbm:s3], $0xF7A  }
0x26: {  	[smem:$0x3F9B] =	sst s1;
	(tag) =	ssettag s2;
	_ =	strace s9  }
0x27: {  	s1 =	sld [smem:$0x3FAB]  }
0x28: {  	s2 =	sld [smem:$0x3FAC]  }
0x29: {  	s4 =	sld [smem:$0x3FAE]  }
0x2a: {  	p0 =	seq.s32 s5, $0x0;
	s5 =	sld [smem:$0x3FAF]  }
0x2b: {  	s6 =	sld [smem:$0x3FB0]  }
0x2c: {  	s7 =	sld [smem:$0x3FB1]  }
0x2d: {  	s3 =	simm.s32 $0x108;
	s8 =	sld [smem:$0x3FB2]  }
0x2e: {  	s3 =	simm.s32 @!p0 $0x1082;
	s9 =	sld [smem:$0x3FB3]  }
0x2f: {  	lr =	sadd.s32 s0, s3;
	s0 =	sld [smem:$0x3FAA]  }
0x30: {  	s3 =	sld [smem:$0x3FAD]  }
0x31: {  	[smem:$0x3FB6] =	sst s10  }
0x32: {  	s10 =	sld [smem:$0x3FB4];
	_ =	sdelay $0x3  }
0x33: {  	p0 =	seq.s32 s10, $0x1;
	s10 =	sld [smem:$0x3FB6];
	_ =	sdelay $0x3  }
0x34: {  	[smem:$0x3FB6] =	sst s10  }
0x35: {  	s10 =	sld [smem:$0x3FB5];
	_ =	sdelay $0x3  }
0x36: {  	p1 =	seq.s32 s10, $0x1;
	s10 =	sld [smem:$0x3FB6];
	_ =	sdelay $0x3  }
0x37: {  	[smem:$0x3FB6] =	sst s10  }
0x38: {  	s10 =	sld [smem:$0x3FB7]  }
0x39: {  	_ = 	snop;
	(pc) =	sbr.ind lr, $3  }
0x3a: {  	_ = 	snop  }
0x3b: {  	_ = 	snop  }
0x3c: {  	p2 =	seq.s32 s10, $0x1;
	s10 =	sld [smem:$0x3FB6]  }
0x3d: {  	_ =	shalt  }
0x3e: {  	_ =	shalt  }
0x3f: {  	_ =	shalt  }
0x40: {  	_ =	shalt  }
0x41: {  	_ =	shalt  }
0x42: {  	_ =	shalt  }
0x43: {  	_ =	shalt  }
0x44: {  	_ =	shalt  }
0x45: {  	_ =	shalt  }
0x46: {  	_ =	shalt  }
0x47: {  	_ =	shalt  }
0x48: {  	_ =	shalt  }
0x49: {  	_ =	shalt  }
0x4a: {  	_ =	shalt  }
0x4b: {  	_ =	shalt  }
0x4c: {  	_ =	shalt  }
0x4d: {  	_ =	shalt  }
0x4e: {  	_ =	shalt  }
0x4f: {  	_ =	shalt  }
0x50: {  	_ =	shalt  }
0x51: {  	_ =	shalt  }
0x52: {  	_ =	shalt  }
0x53: {  	_ =	shalt  }
0x54: {  	_ =	shalt  }
0x55: {  	_ =	shalt  }
0x56: {  	_ =	shalt  }
0x57: {  	_ =	shalt  }
0x58: {  	_ =	shalt  }
0x59: {  	_ =	shalt  }
0x5a: {  	_ =	shalt  }
0x5b: {  	_ =	shalt  }
0x5c: {  	_ =	shalt  }
0x5d: {  	_ =	shalt  }
0x5e: {  	_ =	shalt  }
0x5f: {  	_ =	shalt  }
0x60: {  	_ =	shalt  }
0x61: {  	_ =	shalt  }
0x62: {  	_ =	shalt  }
0x63: {  	_ =	shalt  }
0x64: {  	_ =	shalt  }
0x65: {  	_ =	shalt  }
0x66: {  	_ =	shalt  }
0x67: {  	_ =	shalt  }
0x68: {  	_ =	shalt  }
0x69: {  	_ =	shalt  }
0x6a: {  	_ =	shalt  }
0x6b: {  	_ =	shalt  }
0x6c: {  	_ =	shalt  }
0x6d: {  	_ =	shalt  }
0x6e: {  	_ =	shalt  }
0x6f: {  	_ =	shalt  }
0x70: {  	_ =	shalt  }
0x71: {  	_ =	shalt  }
0x72: {  	_ =	shalt  }
0x73: {  	_ =	shalt  }
0x74: {  	_ =	shalt  }
0x75: {  	_ =	shalt  }
0x76: {  	_ =	shalt  }
0x77: {  	_ =	shalt  }
0x78: {  	_ =	shalt  }
0x79: {  	_ =	shalt  }
0x7a: {  	_ =	shalt  }
0x7b: {  	_ =	shalt  }
0x7c: {  	_ =	shalt  }
0x7d: {  	_ =	shalt  }
0x7e: {  	_ =	shalt  }
0x7f: {  	_ =	shalt  }
0x80: {  	_ =	shalt  }
0x81: {  	_ =	shalt  }
0x82: {  	_ =	shalt  }
0x83: {  	_ =	shalt  }
0x84: {  	_ =	shalt  }
0x85: {  	_ =	shalt  }
0x86: {  	_ =	shalt  }
0x87: {  	_ =	shalt  }
.Lfunc_end0:
.L_simem_size_0:
called_computation_lowered:
.L_overlay_start_0:
0x88: {  	s2 =	sld [smem:$0x3FD9]  }
0x89: {  	s3 =	sld [smem:$0x3FFE];
	_ =	sdelay $0x1  }
0x8a: {  	s1 =	srdreg.scid  }
0x8b: {  	s0 =	sand.u32 $0x1, s1  }
0x8c: {  	s17 =	sshll.u32 s0, $0xA;
	s2 =	sadd.s32 s3, s2  }
0x8d: {  	s2 =	sadd.s32 s2, s17  }
0x8e: {  	[smem:$0x3FC2] =	sst s2  }
0x8f: {  	_ = 	snop  }
0x90: {  	s2 =	sld [smem:$0x3FD0];
	(tm) =	ssettm $0x1  }
0x91: {  	s18 =	sld [smem:$0x3FFB];
	_ =	sdelay $0x3  }
0x92: {  	_ =	strace s18  }
0x93: {  	s3 =	sld [smem:$0x3FFC];
	_ =	sdelay $0x3  }
0x94: {  	_ =	strace s3  }
0x95: {  	s3 =	sld [smem:$0x3FFD];
	_ =	sdelay $0x3  }
0x96: {  	_ =	strace s3  }
0x97: {  	_ =	strace $0x8FFFFFFF  }
0x98: {  	s19 =	sld [smem:$0x3FDB];
	_ =	sdelay $0x1  }
0x99: {  	s4 =	simm.s32 $_scs_section_size  }
0x9a: {  	s5 =	simm.s32 $_size__tile_overlayer_lowered;
	s6 =	simm.s32 $_tile_overlayer_lowered  }
0x9b: {  	s22 =	simm.s32 $0x1BFF;
	s21 =	sshll.u32 s6, $0x1;
	s3 =	sadd.s32 s4, s19  }
0x9c: {  	s7 =	simm.s32 $0x0;
	s20 =	sshll.u32 s5, $0x1;
	s5 =	sadd.s32 s21, s3  }
0x9d: {  	[timem:s7], [sflag:s22] =	dma.local [hbm:s5], s20  }
0x9e: {  	_ =	swait.ge [sflag:s22], s20  }
0x9f: {  	s4 =	ssub.s32 $0x0, s20;
	[sflag:s22] =	ssyncset.done $0x0  }
0xa0: {  	[sflag:s22] =	ssyncadd.s32 s4;
	_ =	sdelay $0x1  }
0xa1: {  	s23 =	simm.s32 $0x1B8B  }
0xa2: {  	_ =	swait.ge [sflag:s23], $0x1  }
0xa3: {  	[sflag:s23] =	ssyncset.done $0x0  }
0xa4: {  	s25 =	simm.s32 $0x1B8E;
	s24 =	sld [smem:$0x3FFE];
	[sflag:s23] =	ssyncadd.s32 $0xFFFFFFFF  }
0xa5: {  	s26 =	simm.s32 $execute0_lowered;
	[smem:$0x3FD2] =	sst s25  }
0xa6: {  	s5 =	sshll.u32 s26, $0x1;
	_ =	strace $0x80000046;
	[dreg:$0x1] =	wrdreg $0xFFFFFFFF  }
0xa7: {  	s28 =	simm.s32 $_size_execute0_lowered;
	s3 =	sadd.s32 s3, s5;
	[dreg:$0x0] =	wrdreg $0x0  }
0xa8: {  	s5 =	sshll.u32 s28, $0x1;
	[dreg:$0x2] =	wrdreg s3  }
0xa9: {  	[dreg:$0x3] =	wrdreg s5  }
0xaa: {  	[dreg:$0x4] =	wrdreg $0xC0  }
0xab: {  	_ =	task [dreg:s7], $0x5FFFF  }
0xac: {  	[dreg:$0x1] =	wrdreg $0xFFFFFFFF  }
0xad: {  	[dreg:$0x0] =	wrdreg $0x60  }
0xae: {  	[dreg:$0x2] =	wrdreg s2  }
0xaf: {  	[dreg:$0x3] =	wrdreg s24  }
0xb0: {  	[dreg:$0x4] =	wrdreg $0x9  }
0xb1: {  	_ =	task.clear_ibuf [dreg:s7], $0x5FFFF;
	_ =	strace $0x90000046  }
0xb2: {  	s29 =	simm.s32 $0x9;
	_ =	strace $0x80000048  }
0xb3: {  	_ =	swait.ge [sflag:s29], $0x1  }
0xb4: {  	[sflag:s29] =	ssyncadd.s32 $0xFFFFFFFF  }
0xb5: {  	_ =	strace $0x90000048  }
0xb6: {  	_ =	sfence  }
0xb7: {  	s30 =	sld [smem:$0x0];
	_ =	sdelay $0x2  }
0xb8: {  	s31 =	sshll.u32 s1, $0xD;
	s1 =	sshrl.u32 s1, $0x2  }
0xb9: {  	s3 =	sand.u32 $0x4000, s31;
	s1 =	sadd.s32 s1, s30  }
0xba: {  	s0 =	sor.u32 s3, s0;
	s1 =	sshll.u32 s1, $0x11  }
0xbb: {  	s0 =	sor.u32 s1, s0  }
0xbc: {  	s0 =	sadd.s32 $0x8F2B, s0  }
0xbd: {  	[sflag:s0] =	ssyncadd.remote.s32 $0x1  }
0xbe: {  	_ =	sfence.sel $0xFFFF  }
0xbf: {  	[dreg:$0x0] =	wrdreg $0xFFFFFFFF;
	(pc) =	sbr.abs _section_cstart, $3  }
0xc0: {  	[dreg:$0x1] =	wrdreg $0xFFFFFFFF  }
0xc1: {  	_ =	task.clear_ibuf [dreg:s7], $0x2FFFF;
	_ =	strace $0x9FFFFFFF  }
0xc2: {  	(tm) =	ssettm $0x7FFFFFFF  }
0xc3: {  	_ =	shalt  }
tec
execute0_lowered:
.L_overlay_start_1:
0x0: {  	(tag) =	ssettag $0x1  }
0x1: {  	s4 =	rddreg [dreg:$0x0]  }
0x2: {  	s0 =	srdreg.scid;
	s5 =	rddreg [dreg:$0x1]  }
0x3: {  	s2 =	simm.s32 $0x0;
	s15 =	simm.s32 $0x1;
	s16 =	simm.s32 $0x2710  }
0x4: {  	s17 =	simm.s32 $0x2AF8;
	s18 =	simm.s32 $0x2EE0;
	s19 =	simm.s32 $0x32C8  }
0x5: {  	s20 =	simm.s32 $0x36B0;
	s21 =	simm.s32 $0x3A98;
	s3 =	sand.u32 $0x1, s0  }
0x6: {  	s22 =	simm.s32 $0x3E80;
	s0 =	stileid.u32;
	s1 =	sshll.u32 s3, $0x4  }
0x7: {  	s23 =	simm.s32 $0x4268;
	s24 =	simm.s32 $0x4650;
	s6 =	sor.u32 s0, s1  }
0x8: {  	s25 =	simm.s32 $0x4A38;
	[smem:$0x7FF] =	sst s2;
	s7 =	smul.u32 $0x3E8, s6  }
0x9: {  	s26 =	simm.s32 $0x0;
	s3 =	ssub.s32 $0x2, s3;
	s1 =	rddreg [dreg:$0x2]  }
0xa: {  	s8 =	sshrl.u32 s3, $0x1;
	s6 =	smul.u32 $0x4E2, s6;
	s7 =	sshrl.u32 s7, $0x3  }
0xb: {  	_ =	strace $0x80000047;
	s14 =	ssub.s32 s3, s8;
	s13 =	sadd.s32 s7, s5  }
0xc: {  	s14 =	smax.u32 s14, $0x1;
	s3 =	sadd.s32 s4, s6;
	s4 =	sadd.s32 $0x2800, s13  }
0xd: {  	s5 =	sadd.s32 $0x37A0, s13;
	s6 =	sadd.s32 $0x4740, s13;
	s7 =	sadd.s32 $0x56E0, s13  }
0xe: {  	s8 =	sadd.s32 $0x6680, s13;
	s9 =	sadd.s32 $0x7620, s13;
	s10 =	sadd.s32 $0x85C0, s13  }
0xf: {  	v0 =	vimm.f32 $0.0e+00;
	v1 =	vimm.f32 $1.000000000e+00;
	s11 =	sadd.s32 $0x9560, s13;
	s12 =	sadd.s32 $0xA500, s13;
	s13 =	sadd.s32 $0xB4A0, s13  }
.LBB2_1:
0x10: {  	[tilespmem:s2], [sflag:$0x1] =	stream.linear.gather [hbm4b:s3+s2], $0x2710, $0x38;
	[tilespmem:$0x4E20] =	vst v63  }
0x11: {  	_ =	swait.ge [sflag:s15], $0x2710  }
0x12: {  	[sflag:s15] =	ssyncset.done $0x0  }
0x13: {  	s28 =	simm.s32 $0x0;
	[sflag:s15] =	ssyncadd.s32 $0xFFFFD8F0  }
.LBB2_2:
0x14: {  	p0 =	sne.s32 s28, $0x9C00  }
.Ltmp0:
0x15: {  	_ = 	snop;
	(pc) =	sbr.rel @p0 .LBB2_2-.Ltmp0, $3  }
0x16: {  	_ =	sdelay $0x1  }
0x17: {  	s29 =	sshra.s32 s28, $0x2  }
0x18: {  	s28 =	sadd.s32 $0x40, s28;
	[tilespmem:s29+$0x2710] =	vst v0  }
0x19: {  	s29 =	simm.s32 $0x0;
	s28 =	simm.s32 $0x40  }
.LBB2_4:
0x1a: {  	p0 =	sne.s32 s28, $0x9C00;
	v2 =	vld [tilespmem:s29+$0x0];
	_ =	sdelay $0x3  }
.Ltmp1:
0x1b: {  	(pc) =	sbr.rel @p0 .LBB2_4-.Ltmp1, $2  }
0x1c: {  	_ =	sdelay $0x2  }
0x1d: {  	s29 =	sshra.s32 s28, $0x2;
	s28 =	sadd.s32 $0x40, s28;
	[tilespmem:v2+s16+$0x0] =	vst.idx.add.f32.msk $0xffff, v1  }
0x1e: {  	v2 =	vld [tilespmem:s29+$0x0];
	_ =	sdelay $0x7  }
0x1f: {  	[tilespmem:v2+s16+$0x0] =	vst.idx.add.f32.msk $0xffff, v1  }
0x20: {  	[hbm4b:s4+s2] =	stream.linear.scatter [tilespmem:s16], [sflag:$0x1], $0x3E8, $0x38;
	[tilespmem:$0x4E20] =	vst v63  }
0x21: {  	_ =	swait.ge [sflag:s15], $0x3E8  }
0x22: {  	[sflag:s15] =	ssyncset.done $0x0  }
0x23: {  	[sflag:s15] =	ssyncadd.s32 $0xFFFFFC18  }
0x24: {  	[hbm4b:s5+s2] =	stream.linear.scatter [tilespmem:s17], [sflag:$0x1], $0x3E8, $0x38;
	[tilespmem:$0x4E20] =	vst v63  }
0x25: {  	_ =	swait.ge [sflag:s15], $0x3E8  }
0x26: {  	[sflag:s15] =	ssyncset.done $0x0  }
0x27: {  	[sflag:s15] =	ssyncadd.s32 $0xFFFFFC18  }
0x28: {  	[hbm4b:s6+s2] =	stream.linear.scatter [tilespmem:s18], [sflag:$0x1], $0x3E8, $0x38;
	[tilespmem:$0x4E20] =	vst v63  }
0x29: {  	_ =	swait.ge [sflag:s15], $0x3E8  }
0x2a: {  	[sflag:s15] =	ssyncset.done $0x0  }
0x2b: {  	[sflag:s15] =	ssyncadd.s32 $0xFFFFFC18  }
0x2c: {  	[hbm4b:s7+s2] =	stream.linear.scatter [tilespmem:s19], [sflag:$0x1], $0x3E8, $0x38;
	[tilespmem:$0x4E20] =	vst v63  }
0x2d: {  	_ =	swait.ge [sflag:s15], $0x3E8  }
0x2e: {  	[sflag:s15] =	ssyncset.done $0x0  }
0x2f: {  	[sflag:s15] =	ssyncadd.s32 $0xFFFFFC18  }
0x30: {  	[hbm4b:s8+s2] =	stream.linear.scatter [tilespmem:s20], [sflag:$0x1], $0x3E8, $0x38;
	[tilespmem:$0x4E20] =	vst v63  }
0x31: {  	_ =	swait.ge [sflag:s15], $0x3E8  }
0x32: {  	[sflag:s15] =	ssyncset.done $0x0  }
0x33: {  	[sflag:s15] =	ssyncadd.s32 $0xFFFFFC18  }
0x34: {  	[hbm4b:s9+s2] =	stream.linear.scatter [tilespmem:s21], [sflag:$0x1], $0x3E8, $0x38;
	[tilespmem:$0x4E20] =	vst v63  }
0x35: {  	_ =	swait.ge [sflag:s15], $0x3E8  }
0x36: {  	[sflag:s15] =	ssyncset.done $0x0  }
0x37: {  	[sflag:s15] =	ssyncadd.s32 $0xFFFFFC18  }
0x38: {  	[hbm4b:s10+s2] =	stream.linear.scatter [tilespmem:s22], [sflag:$0x1], $0x3E8, $0x38;
	[tilespmem:$0x4E20] =	vst v63  }
0x39: {  	_ =	swait.ge [sflag:s15], $0x3E8  }
0x3a: {  	[sflag:s15] =	ssyncset.done $0x0  }
0x3b: {  	[sflag:s15] =	ssyncadd.s32 $0xFFFFFC18  }
0x3c: {  	[hbm4b:s11+s2] =	stream.linear.scatter [tilespmem:s23], [sflag:$0x1], $0x3E8, $0x38;
	[tilespmem:$0x4E20] =	vst v63  }
0x3d: {  	_ =	swait.ge [sflag:s15], $0x3E8  }
0x3e: {  	[sflag:s15] =	ssyncset.done $0x0  }
0x3f: {  	[sflag:s15] =	ssyncadd.s32 $0xFFFFFC18  }
0x40: {  	[hbm4b:s12+s2] =	stream.linear.scatter [tilespmem:s24], [sflag:$0x1], $0x3E8, $0x38;
	[tilespmem:$0x4E20] =	vst v63  }
0x41: {  	s26 =	sadd.s32 $0x1, s26;
	_ =	swait.ge [sflag:s15], $0x3E8  }
0x42: {  	p0 =	sne.s32 s26, s14;
	[sflag:s15] =	ssyncset.done $0x0  }
.Ltmp2:
0x43: {  	[sflag:s15] =	ssyncadd.s32 $0xFFFFFC18;
	(pc) =	sbr.rel @p0 .LBB2_1-.Ltmp2, $4  }
0x44: {  	[hbm4b:s13+s2] =	stream.linear.scatter [tilespmem:s25], [sflag:$0x1], $0x3E8, $0x38;
	[tilespmem:$0x4E20] =	vst v63  }
0x45: {  	_ =	swait.ge [sflag:s15], $0x3E8  }
0x46: {  	[sflag:s15] =	ssyncset.done $0x0  }
0x47: {  	[sflag:s15] =	ssyncadd.s32 $0xFFFFFC18  }
0x48: {  	_ =	sfence.sel $0x180000  }
0x49: {  	[bflag:$0x0] =	sbarrier.arrive $0xFFFF  }
0x4a: {  	p0 =	sne.s32 s0, $0x0;
	_ =	strace $0x90000047  }
0x4b: {  	s0 =	sadd.s32 @!p0 $0x100000, s1;
	[bflag:$0x2] =	sbarrier.arrive $0xFFFF  }
0x4c: {  	[sflag:s0] =	ssyncadd.tile.s32 @!p0 $0x1;
	_ =	shalt  }
.Lfunc_end2:
_tile_overlayer_lowered:
.L_overlay_start_2:
0x4d: {  	(tag) =	ssettag $0x2  }
0x4e: {  	s0 =	rddreg [dreg:$0x0];
	s2 =	stileid.u32  }
0x4f: {  	s1 =	rddreg [dreg:$0x1];
	p0 =	sne.s32 s2, $0x0  }
0x50: {  	s3 =	rddreg [dreg:$0x2];
	[bflag:$0x3] =	sbarrier.arrive $0xFFFF;
	s2 =	simm.s32 @!p0 $0x1C01  }
0x51: {  	[timem:s3], [sflag:s2] =	dma.local @!p0 [hbm:s0], s1  }
0x52: {  	s0 =	simm.s32 @!p0 $0x1  }
0x53: {  	_ =	swait.ge @!p0 [sflag:s0], s1  }
0x54: {  	s1 =	ssub.s32 @!p0 $0x0, s1;
	[sflag:s0] =	ssyncset.done @!p0 $0x0  }
0x55: {  	[sflag:s0] =	ssyncadd.s32 @!p0 s1  }
0x56: {  	[bflag:$0x3] =	sbarrier.arrive $0xFFFF  }
0x57: {  	_ =	shalt  }

</sc_bundles>
